<compile_context>
chip_gen: v7x
topology: tpu7x:2x2x1
jax: 0.10.2.dev20260603
libtpu: 0.0.44.dev20260713+nightly
codegen_flags: <defaults>
</compile_context>

<pallas_src>
import functools

import jax
import jax.numpy as jnp
from jax import lax
from jax.experimental import pallas as pl
from jax.experimental.pallas import tpu as pltpu
from jax.experimental.pallas import tpu_sc as plsc

ENTITY_VOCAB = 1000000
EMBED_DIM = 64
BATCH = 4096
HIST = 50

_INFO = plsc.get_sparse_core_info()
_NC = _INFO.num_cores
_NS = _INFO.num_subcores
_NW = _NC * _NS
_NBLK = ENTITY_VOCAB // 128
_NBUF_A = 6
_NBUF_B = 4
_BPW = BATCH // _NW


def _iota16():
    return lax.iota(jnp.int32, 16)


def _wid():
    return lax.axis_index("s") * _NC + lax.axis_index("c")


def _permute_rows(tile_ref, pair_ref, nrows):
    yvecs = [_iota16() + 16 * t for t in range(nrows // 16)]
    two_i = _iota16() * 2

    @plsc.parallel_loop(0, 128, step=1, unroll=4)
    def kbody(k):
        rowv = jnp.full((16,), lax.bitwise_and(k, 63), jnp.int32)
        colb = two_i + lax.shift_right_logical(k, 6)
        for t, yv in enumerate(yvecs):
            v = plsc.load_gather(tile_ref, [rowv, colb + 32 * t])
            plsc.store_scatter(pair_ref,
                               [yv, lax.bitwise_and(yv + k, 127)], v)


def _transpose_body(tabT, TT, tile_v, pair_v, tail_in, tail_out, sem_in,
                    sem_out):
    w = _wid()
    base = 244 * w + jnp.minimum(w, 5)
    cnt = jnp.where(w < 5, 245, 244)
    cnt = jnp.where(w == _NW - 1, cnt - 1, cnt)
    jend = base + cnt

    def g_in(j, b):
        return pltpu.make_async_copy(
            tabT.at[:, pl.ds(128 * j, 128)], tile_v.at[b], sem_in.at[b])

    def g_out(j, b):
        return pltpu.make_async_copy(
            pair_v.at[b], TT.at[pl.ds(64 * j, 64), :], sem_out.at[b])

    for b in range(_NBUF_A):
        g_in(base + b, b).start()

    def step(t, carry):
        for b in range(_NBUF_A):
            j = base + _NBUF_A * t + b

            @pl.when(j < jend)
            def _():
                g_in(j, b).wait()

                @pl.when(t > 0)
                def _():
                    g_out(j - _NBUF_A, b).wait()

                _permute_rows(tile_v.at[b], pair_v.at[b], 64)
                g_out(j, b).start()

                @pl.when(j + _NBUF_A < jend)
                def _():
                    g_in(j + _NBUF_A, b).start()

        return carry

    lax.fori_loop(0, (245 + _NBUF_A - 1) // _NBUF_A, step, 0)

    for b in range(_NBUF_A):
        jlast = jend - 1 - lax.rem(jend - 1 - base - b, _NBUF_A)
        g_out(jlast, b).wait()

    @pl.when(w == _NW - 1)
    def _():
        pltpu.sync_copy(tabT.at[:, pl.ds(128 * _NBLK, 64)], tail_in)
        _permute_rows(tail_in, tail_out, 32)
        pltpu.sync_copy(tail_out, TT.at[pl.ds(64 * _NBLK, 32), :])


@jax.jit
def _phase_a(tabT):
    mesh = plsc.VectorSubcoreMesh(core_axis_name="c", subcore_axis_name="s")
    fn = pl.kernel(
        _transpose_body,
        mesh=mesh,
        out_type=jax.ShapeDtypeStruct((ENTITY_VOCAB // 2, 128), jnp.float32),
        scratch_types=[
            pltpu.VMEM((_NBUF_A, 64, 128), jnp.float32),
            pltpu.VMEM((_NBUF_A, 64, 128), jnp.float32),
            pltpu.VMEM((64, 64), jnp.float32),
            pltpu.VMEM((32, 128), jnp.float32),
            pltpu.SemaphoreType.DMA((_NBUF_A,)),
            pltpu.SemaphoreType.DMA((_NBUF_A,)),
        ],
        compiler_params=pltpu.CompilerParams(needs_layout_passes=False),
    )
    return fn(tabT)


def _gather_body(TT, idxT, outT, idx_v, p_v, half_v, rows_v, otile_v,
                 sem_rows, sem_out):
    w = _wid()
    pltpu.sync_copy(idxT.at[:, pl.ds(128 * w, 128)], idx_v)

    @plsc.parallel_loop(0, HIST, step=1, unroll=2)
    def prep(t):
        for m in range(8):
            r = idx_v[t, pl.ds(16 * m, 16)]
            p = lax.shift_right_logical(r, 1)
            p_v[t, pl.ds(16 * m, 16)] = p
            half_v[t, pl.ds(16 * m, 16)] = (
                lax.shift_left(lax.bitwise_and(r, 1), 6)
                + lax.bitwise_and(p, 63))

    lanes = [_iota16() + 16 * m for m in range(8)]

    def g_rows(h, b):
        return pltpu.make_async_copy(TT.at[p_v.at[h]], rows_v.at[b],
                                     sem_rows.at[b])

    def g_out(h, b):
        return pltpu.make_async_copy(
            otile_v.at[b], outT.at[h].at[:, pl.ds(128 * w, 128)],
            sem_out.at[b])

    for b in range(_NBUF_B):
        g_rows(b, b).start()

    def step(t, carry):
        for b in range(_NBUF_B):
            h = _NBUF_B * t + b

            @pl.when(h < HIST)
            def _():
                g_rows(h, b).wait()

                @pl.when(t > 0)
                def _():
                    g_out(h - _NBUF_B, b).wait()

                cols = [half_v[h, pl.ds(16 * m, 16)] for m in range(8)]

                @plsc.parallel_loop(0, EMBED_DIM, step=1, unroll=8)
                def cloop(c):
                    for m in range(8):
                        col = lax.bitwise_and(cols[m] + c, 127)
                        v = plsc.load_gather(rows_v.at[b], [lanes[m], col])
                        otile_v[b, c, pl.ds(16 * m, 16)] = v
                g_out(h, b).start()

                @pl.when(h + _NBUF_B < HIST)
                def _():
                    g_rows(h + _NBUF_B, b).start()

        return carry

    lax.fori_loop(0, (HIST + _NBUF_B - 1) // _NBUF_B, step, 0)

    for b in range(_NBUF_B):
        hlast = HIST - 1 - lax.rem(jnp.int32(HIST - 1 - b), _NBUF_B)
        g_out(hlast, b).wait()


@jax.jit
def _phase_b(TT, idxT):
    mesh = plsc.VectorSubcoreMesh(core_axis_name="c", subcore_axis_name="s")
    fn = pl.kernel(
        _gather_body,
        mesh=mesh,
        out_type=jax.ShapeDtypeStruct((HIST, EMBED_DIM, BATCH), jnp.float32),
        scratch_types=[
            pltpu.VMEM((HIST, 128), jnp.int32),
            pltpu.VMEM((HIST, 128), jnp.int32),
            pltpu.VMEM((HIST, 128), jnp.int32),
            pltpu.VMEM((_NBUF_B, 128, 128), jnp.float32),
            pltpu.VMEM((_NBUF_B, EMBED_DIM, 128), jnp.float32),
            pltpu.SemaphoreType.DMA((_NBUF_B,)),
            pltpu.SemaphoreType.DMA((_NBUF_B,)),
        ],
        compiler_params=pltpu.CompilerParams(needs_layout_passes=False),
    )
    return fn(TT, idxT)


def kernel(entities, entity_table):
    tabT = entity_table.T
    TT = _phase_a(tabT)
    idxT = entities.T
    outT = _phase_b(TT, idxT)
    return jnp.transpose(outT, (2, 0, 1))

# --- scband reference (transcript-rebuilt; emitter-appended) ---
"""Pipeline reference for scband-embedding-layer-13649406066818 (READ-ONLY COPY).

The authoritative reference and input builder live on the scoring server;
editing this copy changes nothing except your own understanding.
"""

import jax, jax.numpy as jnp
import numpy as np

ENTITY_VOCAB = 1000000
EMBED_DIM = 64
BATCH = 4096
HIST = 50


def setup_inputs(seed: int = 0) -> dict:
    key = jax.random.key(seed)
    k_idx, k_tab = jax.random.split(key)
    # forward arg: entity indices (int; values in [0, ENTITY_VOCAB))
    entities = jax.random.randint(k_idx, (BATCH, HIST), 0, ENTITY_VOCAB, dtype=jnp.int32)
    # learned parameter: global entity embedding table (xavier-ish scale)
    scale = float(np.sqrt(6.0 / (ENTITY_VOCAB + EMBED_DIM)))
    entity_table = jax.random.uniform(k_tab, (ENTITY_VOCAB, EMBED_DIM), dtype=jnp.float32, minval=-scale, maxval=scale)
    return {"entities": entities, "entity_table": entity_table}


def reference(entities, entity_table):
    # EmbeddingLayer.get_global_entity_embedding(entities):
    #   return self.global_entity_lookup(entities)
    # nn.Embedding lookup == row gather from the table.
    return jnp.take(entity_table, entities, axis=0)

if __name__ == "__main__":
    import jax
    _d = setup_inputs()
    print(jax.jit(kernel)(*tuple(_d.values())))

</pallas_src>

<mosaic_0001>
#map = affine_map<(d0, d1) -> (0, 0)>
module attributes {stable_mosaic.version = 14 : i64} {
  func.func @_transpose_body(%arg0: i32, %arg1: i32, %arg2: memref<64x1000000xf32, #tpu.memory_space<hbm>>, %arg3: memref<500000x128xf32, #tpu.memory_space<hbm>>, %arg4: memref<6x64x128xf32, #tpu.memory_space<vmem>>, %arg5: memref<6x64x128xf32, #tpu.memory_space<vmem>>, %arg6: memref<64x64xf32, #tpu.memory_space<vmem>>, %arg7: memref<32x128xf32, #tpu.memory_space<vmem>>, %arg8: memref<6x!tpu.dma_semaphore, #tpu.memory_space<semaphore_mem>>, %arg9: memref<6x!tpu.dma_semaphore, #tpu.memory_space<semaphore_mem>>) attributes {dimension_semantics = [#tpu.dimension_semantics<core_parallel>, #tpu.dimension_semantics<subcore_parallel>], iteration_bounds = array<i64: 2, 16>, scalar_prefetch = 0 : i64, scratch_operands = 6 : i64, tpu.core_type = #tpu.core_type<sc_vector_subcore>, window_params = [{transform_indices = #map}, {transform_indices = #map}]} {
    %mul3A = arith.constant 2 : i32
    %mul3A_0 = arith.muli %arg1, %mul3A : i32
    %add3A = arith.addi %mul3A_0, %arg0 : i32
    %mul3A_1 = arith.constant 244 : i32
    %mul3A_2 = arith.muli %mul3A_1, %add3A : i32
    %min3A = arith.constant 5 : i32
    %min3A_3 = arith.minsi %add3A, %min3A : i32
    %add3A_4 = arith.addi %mul3A_2, %min3A_3 : i32
    %lt3A = arith.constant 5 : i32
    %lt3A_5 = arith.cmpi slt, %add3A, %lt3A : i32
    %jit3A = arith.constant 245 : i32
    %jit3A_6 = arith.constant 244 : i32
    %select_n3A = arith.select %lt3A_5, %jit3A, %jit3A_6 : i32
    %eq3A = arith.constant 31 : i32
    %eq3A_7 = arith.cmpi eq, %add3A, %eq3A : i32
    %sub3A = arith.constant 1 : i32
    %sub3A_8 = arith.subi %select_n3A, %sub3A : i32
    %select_n3A_9 = arith.select %eq3A_7, %sub3A_8, %select_n3A : i32
    %add3A_10 = arith.addi %add3A_4, %select_n3A_9 : i32
    %add3A_11 = arith.constant 0 : i32
    %add3A_12 = arith.addi %add3A_4, %add3A_11 : i32
    %mul3A_13 = arith.constant 128 : i32
    %mul3A_14 = arith.muli %mul3A_13, %add3A_12 : i32
    %dma_start3A = arith.constant 0 : i32
    %dma_start3A_15 = arith.constant 0 : i32
    %dma_start3A_16 = arith.constant 0 : i32
    %dma_start3A_17 = arith.constant 0 : i32
    %dma_start3A_18 = tpu.memref_slice %arg4[%dma_start3A, %dma_start3A_16, %dma_start3A_17] : memref<6x64x128xf32, #tpu.memory_space<vmem>> -> memref<1x64x128xf32, #tpu.memory_space<vmem>>
    %dma_start3A_19 = tpu.memref_squeeze %dma_start3A_18 : memref<1x64x128xf32, #tpu.memory_space<vmem>> -> memref<64x128xf32, #tpu.memory_space<vmem>>
    %dma_start3A_20 = arith.constant 0 : i32
    %dma_start3A_21 = tpu.memref_slice %arg2[%dma_start3A_20, %mul3A_14] : memref<64x1000000xf32, #tpu.memory_space<hbm>> -> memref<64x128xf32, #tpu.memory_space<hbm>>
    %dma_start3A_22 = tpu.memref_slice %arg8[%dma_start3A_15] : memref<6x!tpu.dma_semaphore, #tpu.memory_space<semaphore_mem>> -> memref<1x!tpu.dma_semaphore, #tpu.memory_space<semaphore_mem>>
    %dma_start3A_23 = tpu.memref_squeeze %dma_start3A_22 : memref<1x!tpu.dma_semaphore, #tpu.memory_space<semaphore_mem>> -> memref<!tpu.dma_semaphore, #tpu.memory_space<semaphore_mem>>
    %dma_start3A_24 = arith.constant 0 : i32
    %dma_start3A_25 = arith.constant 0 : i32
    %dma_start3A_26 = tpu.memref_slice %arg4[%dma_start3A, %dma_start3A_24, %dma_start3A_25] : memref<6x64x128xf32, #tpu.memory_space<vmem>> -> memref<1x64x128xf32, #tpu.memory_space<vmem>>
    %dma_start3A_27 = tpu.memref_squeeze %dma_start3A_26 : memref<1x64x128xf32, #tpu.memory_space<vmem>> -> memref<64x128xf32, #tpu.memory_space<vmem>>
    %dma_start3A_28 = arith.constant 0 : i32
    %dma_start3A_29 = tpu.memref_slice %arg2[%dma_start3A_28, %mul3A_14] : memref<64x1000000xf32, #tpu.memory_space<hbm>> -> memref<64x128xf32, #tpu.memory_space<hbm>>
    tpu.enqueue_dma source(%dma_start3A_29 : memref<64x128xf32, #tpu.memory_space<hbm>>) target(%dma_start3A_27 : memref<64x128xf32, #tpu.memory_space<vmem>>) target_semaphore(%dma_start3A_23 : memref<!tpu.dma_semaphore, #tpu.memory_space<semaphore_mem>>)
    %add3A_30 = arith.constant 1 : i32
    %add3A_31 = arith.addi %add3A_4, %add3A_30 : i32
    %mul3A_32 = arith.constant 128 : i32
    %mul3A_33 = arith.muli %mul3A_32, %add3A_31 : i32
    %dma_start3A_34 = arith.constant 1 : i32
    %dma_start3A_35 = arith.constant 1 : i32
    %dma_start3A_36 = arith.constant 0 : i32
    %dma_start3A_37 = arith.constant 0 : i32
    %dma_start3A_38 = tpu.memref_slice %arg4[%dma_start3A_34, %dma_start3A_36, %dma_start3A_37] : memref<6x64x128xf32, #tpu.memory_space<vmem>> -> memref<1x64x128xf32, #tpu.memory_space<vmem>>
    %dma_start3A_39 = tpu.memref_squeeze %dma_start3A_38 : memref<1x64x128xf32, #tpu.memory_space<vmem>> -> memref<64x128xf32, #tpu.memory_space<vmem>>
    %dma_start3A_40 = arith.constant 0 : i32
    %dma_start3A_41 = tpu.memref_slice %arg2[%dma_start3A_40, %mul3A_33] : memref<64x1000000xf32, #tpu.memory_space<hbm>> -> memref<64x128xf32, #tpu.memory_space<hbm>>
    %dma_start3A_42 = tpu.memref_slice %arg8[%dma_start3A_35] : memref<6x!tpu.dma_semaphore, #tpu.memory_space<semaphore_mem>> -> memref<1x!tpu.dma_semaphore, #tpu.memory_space<semaphore_mem>>
    %dma_start3A_43 = tpu.memref_squeeze %dma_start3A_42 : memref<1x!tpu.dma_semaphore, #tpu.memory_space<semaphore_mem>> -> memref<!tpu.dma_semaphore, #tpu.memory_space<semaphore_mem>>
    %dma_start3A_44 = arith.constant 0 : i32
    %dma_start3A_45 = arith.constant 0 : i32
    %dma_start3A_46 = tpu.memref_slice %arg4[%dma_start3A_34, %dma_start3A_44, %dma_start3A_45] : memref<6x64x128xf32, #tpu.memory_space<vmem>> -> memref<1x64x128xf32, #tpu.memory_space<vmem>>
    %dma_start3A_47 = tpu.memref_squeeze %dma_start3A_46 : memref<1x64x128xf32, #tpu.memory_space<vmem>> -> memref<64x128xf32, #tpu.memory_space<vmem>>
    %dma_start3A_48 = arith.constant 0 : i32
    %dma_start3A_49 = tpu.memref_slice %arg2[%dma_start3A_48, %mul3A_33] : memref<64x1000000xf32, #tpu.memory_space<hbm>> -> memref<64x128xf32, #tpu.memory_space<hbm>>
    tpu.enqueue_dma source(%dma_start3A_49 : memref<64x128xf32, #tpu.memory_space<hbm>>) target(%dma_start3A_47 : memref<64x128xf32, #tpu.memory_space<vmem>>) target_semaphore(%dma_start3A_43 : memref<!tpu.dma_semaphore, #tpu.memory_space<semaphore_mem>>)
    %add3A_50 = arith.constant 2 : i32
    %add3A_51 = arith.addi %add3A_4, %add3A_50 : i32
    %mul3A_52 = arith.constant 128 : i32
    %mul3A_53 = arith.muli %mul3A_52, %add3A_51 : i32
    %dma_start3A_54 = arith.constant 2 : i32
    %dma_start3A_55 = arith.constant 2 : i32
    %dma_start3A_56 = arith.constant 0 : i32
    %dma_start3A_57 = arith.constant 0 : i32
    %dma_start3A_58 = tpu.memref_slice %arg4[%dma_start3A_54, %dma_start3A_56, %dma_start3A_57] : memref<6x64x128xf32, #tpu.memory_space<vmem>> -> memref<1x64x128xf32, #tpu.memory_space<vmem>>
    %dma_start3A_59 = tpu.memref_squeeze %dma_start3A_58 : memref<1x64x128xf32, #tpu.memory_space<vmem>> -> memref<64x128xf32, #tpu.memory_space<vmem>>
    %dma_start3A_60 = arith.constant 0 : i32
    %dma_start3A_61 = tpu.memref_slice %arg2[%dma_start3A_60, %mul3A_53] : memref<64x1000000xf32, #tpu.memory_space<hbm>> -> memref<64x128xf32, #tpu.memory_space<hbm>>
    %dma_start3A_62 = tpu.memref_slice %arg8[%dma_start3A_55] : memref<6x!tpu.dma_semaphore, #tpu.memory_space<semaphore_mem>> -> memref<1x!tpu.dma_semaphore, #tpu.memory_space<semaphore_mem>>
    %dma_start3A_63 = tpu.memref_squeeze %dma_start3A_62 : memref<1x!tpu.dma_semaphore, #tpu.memory_space<semaphore_mem>> -> memref<!tpu.dma_semaphore, #tpu.memory_space<semaphore_mem>>
    %dma_start3A_64 = arith.constant 0 : i32
    %dma_start3A_65 = arith.constant 0 : i32
    %dma_start3A_66 = tpu.memref_slice %arg4[%dma_start3A_54, %dma_start3A_64, %dma_start3A_65] : memref<6x64x128xf32, #tpu.memory_space<vmem>> -> memref<1x64x128xf32, #tpu.memory_space<vmem>>
    %dma_start3A_67 = tpu.memref_squeeze %dma_start3A_66 : memref<1x64x128xf32, #tpu.memory_space<vmem>> -> memref<64x128xf32, #tpu.memory_space<vmem>>
    %dma_start3A_68 = arith.constant 0 : i32
    %dma_start3A_69 = tpu.memref_slice %arg2[%dma_start3A_68, %mul3A_53] : memref<64x1000000xf32, #tpu.memory_space<hbm>> -> memref<64x128xf32, #tpu.memory_space<hbm>>
    tpu.enqueue_dma source(%dma_start3A_69 : memref<64x128xf32, #tpu.memory_space<hbm>>) target(%dma_start3A_67 : memref<64x128xf32, #tpu.memory_space<vmem>>) target_semaphore(%dma_start3A_63 : memref<!tpu.dma_semaphore, #tpu.memory_space<semaphore_mem>>)
    %add3A_70 = arith.constant 3 : i32
    %add3A_71 = arith.addi %add3A_4, %add3A_70 : i32
    %mul3A_72 = arith.constant 128 : i32
    %mul3A_73 = arith.muli %mul3A_72, %add3A_71 : i32
    %dma_start3A_74 = arith.constant 3 : i32
    %dma_start3A_75 = arith.constant 3 : i32
    %dma_start3A_76 = arith.constant 0 : i32
    %dma_start3A_77 = arith.constant 0 : i32
    %dma_start3A_78 = tpu.memref_slice %arg4[%dma_start3A_74, %dma_start3A_76, %dma_start3A_77] : memref<6x64x128xf32, #tpu.memory_space<vmem>> -> memref<1x64x128xf32, #tpu.memory_space<vmem>>
    %dma_start3A_79 = tpu.memref_squeeze %dma_start3A_78 : memref<1x64x128xf32, #tpu.memory_space<vmem>> -> memref<64x128xf32, #tpu.memory_space<vmem>>
    %dma_start3A_80 = arith.constant 0 : i32
    %dma_start3A_81 = tpu.memref_slice %arg2[%dma_start3A_80, %mul3A_73] : memref<64x1000000xf32, #tpu.memory_space<hbm>> -> memref<64x128xf32, #tpu.memory_space<hbm>>
    %dma_start3A_82 = tpu.memref_slice %arg8[%dma_start3A_75] : memref<6x!tpu.dma_semaphore, #tpu.memory_space<semaphore_mem>> -> memref<1x!tpu.dma_semaphore, #tpu.memory_space<semaphore_mem>>
    %dma_start3A_83 = tpu.memref_squeeze %dma_start3A_82 : memref<1x!tpu.dma_semaphore, #tpu.memory_space<semaphore_mem>> -> memref<!tpu.dma_semaphore, #tpu.memory_space<semaphore_mem>>
    %dma_start3A_84 = arith.constant 0 : i32
    %dma_start3A_85 = arith.constant 0 : i32
    %dma_start3A_86 = tpu.memref_slice %arg4[%dma_start3A_74, %dma_start3A_84, %dma_start3A_85] : memref<6x64x128xf32, #tpu.memory_space<vmem>> -> memref<1x64x128xf32, #tpu.memory_space<vmem>>
    %dma_start3A_87 = tpu.memref_squeeze %dma_start3A_86 : memref<1x64x128xf32, #tpu.memory_space<vmem>> -> memref<64x128xf32, #tpu.memory_space<vmem>>
    %dma_start3A_88 = arith.constant 0 : i32
    %dma_start3A_89 = tpu.memref_slice %arg2[%dma_start3A_88, %mul3A_73] : memref<64x1000000xf32, #tpu.memory_space<hbm>> -> memref<64x128xf32, #tpu.memory_space<hbm>>
    tpu.enqueue_dma source(%dma_start3A_89 : memref<64x128xf32, #tpu.memory_space<hbm>>) target(%dma_start3A_87 : memref<64x128xf32, #tpu.memory_space<vmem>>) target_semaphore(%dma_start3A_83 : memref<!tpu.dma_semaphore, #tpu.memory_space<semaphore_mem>>)
    %add3A_90 = arith.constant 4 : i32
    %add3A_91 = arith.addi %add3A_4, %add3A_90 : i32
    %mul3A_92 = arith.constant 128 : i32
    %mul3A_93 = arith.muli %mul3A_92, %add3A_91 : i32
    %dma_start3A_94 = arith.constant 4 : i32
    %dma_start3A_95 = arith.constant 4 : i32
    %dma_start3A_96 = arith.constant 0 : i32
    %dma_start3A_97 = arith.constant 0 : i32
    %dma_start3A_98 = tpu.memref_slice %arg4[%dma_start3A_94, %dma_start3A_96, %dma_start3A_97] : memref<6x64x128xf32, #tpu.memory_space<vmem>> -> memref<1x64x128xf32, #tpu.memory_space<vmem>>
    %dma_start3A_99 = tpu.memref_squeeze %dma_start3A_98 : memref<1x64x128xf32, #tpu.memory_space<vmem>> -> memref<64x128xf32, #tpu.memory_space<vmem>>
    %dma_start3A_100 = arith.constant 0 : i32
    %dma_start3A_101 = tpu.memref_slice %arg2[%dma_start3A_100, %mul3A_93] : memref<64x1000000xf32, #tpu.memory_space<hbm>> -> memref<64x128xf32, #tpu.memory_space<hbm>>
    %dma_start3A_102 = tpu.memref_slice %arg8[%dma_start3A_95] : memref<6x!tpu.dma_semaphore, #tpu.memory_space<semaphore_mem>> -> memref<1x!tpu.dma_semaphore, #tpu.memory_space<semaphore_mem>>
    %dma_start3A_103 = tpu.memref_squeeze %dma_start3A_102 : memref<1x!tpu.dma_semaphore, #tpu.memory_space<semaphore_mem>> -> memref<!tpu.dma_semaphore, #tpu.memory_space<semaphore_mem>>
    %dma_start3A_104 = arith.constant 0 : i32
    %dma_start3A_105 = arith.constant 0 : i32
    %dma_start3A_106 = tpu.memref_slice %arg4[%dma_start3A_94, %dma_start3A_104, %dma_start3A_105] : memref<6x64x128xf32, #tpu.memory_space<vmem>> -> memref<1x64x128xf32, #tpu.memory_space<vmem>>
    %dma_start3A_107 = tpu.memref_squeeze %dma_start3A_106 : memref<1x64x128xf32, #tpu.memory_space<vmem>> -> memref<64x128xf32, #tpu.memory_space<vmem>>
    %dma_start3A_108 = arith.constant 0 : i32
    %dma_start3A_109 = tpu.memref_slice %arg2[%dma_start3A_108, %mul3A_93] : memref<64x1000000xf32, #tpu.memory_space<hbm>> -> memref<64x128xf32, #tpu.memory_space<hbm>>
    tpu.enqueue_dma source(%dma_start3A_109 : memref<64x128xf32, #tpu.memory_space<hbm>>) target(%dma_start3A_107 : memref<64x128xf32, #tpu.memory_space<vmem>>) target_semaphore(%dma_start3A_103 : memref<!tpu.dma_semaphore, #tpu.memory_space<semaphore_mem>>)
    %add3A_110 = arith.constant 5 : i32
    %add3A_111 = arith.addi %add3A_4, %add3A_110 : i32
    %mul3A_112 = arith.constant 128 : i32
    %mul3A_113 = arith.muli %mul3A_112, %add3A_111 : i32
    %dma_start3A_114 = arith.constant 5 : i32
    %dma_start3A_115 = arith.constant 5 : i32
    %dma_start3A_116 = arith.constant 0 : i32
    %dma_start3A_117 = arith.constant 0 : i32
    %dma_start3A_118 = tpu.memref_slice %arg4[%dma_start3A_114, %dma_start3A_116, %dma_start3A_117] : memref<6x64x128xf32, #tpu.memory_space<vmem>> -> memref<1x64x128xf32, #tpu.memory_space<vmem>>
    %dma_start3A_119 = tpu.memref_squeeze %dma_start3A_118 : memref<1x64x128xf32, #tpu.memory_space<vmem>> -> memref<64x128xf32, #tpu.memory_space<vmem>>
    %dma_start3A_120 = arith.constant 0 : i32
    %dma_start3A_121 = tpu.memref_slice %arg2[%dma_start3A_120, %mul3A_113] : memref<64x1000000xf32, #tpu.memory_space<hbm>> -> memref<64x128xf32, #tpu.memory_space<hbm>>
    %dma_start3A_122 = tpu.memref_slice %arg8[%dma_start3A_115] : memref<6x!tpu.dma_semaphore, #tpu.memory_space<semaphore_mem>> -> memref<1x!tpu.dma_semaphore, #tpu.memory_space<semaphore_mem>>
    %dma_start3A_123 = tpu.memref_squeeze %dma_start3A_122 : memref<1x!tpu.dma_semaphore, #tpu.memory_space<semaphore_mem>> -> memref<!tpu.dma_semaphore, #tpu.memory_space<semaphore_mem>>
    %dma_start3A_124 = arith.constant 0 : i32
    %dma_start3A_125 = arith.constant 0 : i32
    %dma_start3A_126 = tpu.memref_slice %arg4[%dma_start3A_114, %dma_start3A_124, %dma_start3A_125] : memref<6x64x128xf32, #tpu.memory_space<vmem>> -> memref<1x64x128xf32, #tpu.memory_space<vmem>>
    %dma_start3A_127 = tpu.memref_squeeze %dma_start3A_126 : memref<1x64x128xf32, #tpu.memory_space<vmem>> -> memref<64x128xf32, #tpu.memory_space<vmem>>
    %dma_start3A_128 = arith.constant 0 : i32
    %dma_start3A_129 = tpu.memref_slice %arg2[%dma_start3A_128, %mul3A_113] : memref<64x1000000xf32, #tpu.memory_space<hbm>> -> memref<64x128xf32, #tpu.memory_space<hbm>>
    tpu.enqueue_dma source(%dma_start3A_129 : memref<64x128xf32, #tpu.memory_space<hbm>>) target(%dma_start3A_127 : memref<64x128xf32, #tpu.memory_space<vmem>>) target_semaphore(%dma_start3A_123 : memref<!tpu.dma_semaphore, #tpu.memory_space<semaphore_mem>>)
    %scan3A = arith.constant 0 : i32
    %scan3A_130 = arith.constant 0 : i32
    %scan3A_131 = arith.constant 41 : i32
    %scan3A_132 = arith.addi %scan3A_130, %scan3A_131 : i32
    %scan3A_133 = arith.constant 1 : i32
    scf.for %scan3A_304 = %scan3A_130 to %scan3A_132 step %scan3A_133  : i32 {
      %mul3A_305 = arith.constant 6 : i32
      %mul3A_306 = arith.muli %mul3A_305, %scan3A_304 : i32
      %add3A_307 = arith.addi %add3A_4, %mul3A_306 : i32
      %add3A_308 = arith.constant 0 : i32
      %add3A_309 = arith.addi %add3A_307, %add3A_308 : i32
      %lt3A_310 = arith.cmpi slt, %add3A_309, %add3A_10 : i32
      %convert_element_type3A_311 = arith.extui %lt3A_310 : i1 to i32
      %cond3A_312 = arith.constant 0 : i32
      %cond3A_313 = arith.cmpi ne, %convert_element_type3A_311, %cond3A_312 : i32
      scf.if %cond3A_313 {
        %mul3A_359 = arith.constant 128 : i32
        %mul3A_360 = arith.muli %mul3A_359, %add3A_309 : i32
        %dma_wait3A_361 = arith.constant 0 : i32
        %dma_wait3A_362 = arith.constant 0 : i32
        %dma_wait3A_363 = arith.constant 0 : i32
        %dma_wait3A_364 = arith.constant 0 : i32
        %dma_wait3A_365 = tpu.memref_slice %arg4[%dma_wait3A_361, %dma_wait3A_363, %dma_wait3A_364] : memref<6x64x128xf32, #tpu.memory_space<vmem>> -> memref<1x64x128xf32, #tpu.memory_space<vmem>>
        %dma_wait3A_366 = tpu.memref_squeeze %dma_wait3A_365 : memref<1x64x128xf32, #tpu.memory_space<vmem>> -> memref<64x128xf32, #tpu.memory_space<vmem>>
        %dma_wait3A_367 = arith.constant 0 : i32
        %dma_wait3A_368 = tpu.memref_slice %arg2[%dma_wait3A_367, %mul3A_360] : memref<64x1000000xf32, #tpu.memory_space<hbm>> -> memref<64x128xf32, #tpu.memory_space<hbm>>
        %dma_wait3A_369 = tpu.memref_slice %arg8[%dma_wait3A_362] : memref<6x!tpu.dma_semaphore, #tpu.memory_space<semaphore_mem>> -> memref<1x!tpu.dma_semaphore, #tpu.memory_space<semaphore_mem>>
        %dma_wait3A_370 = tpu.memref_squeeze %dma_wait3A_369 : memref<1x!tpu.dma_semaphore, #tpu.memory_space<semaphore_mem>> -> memref<!tpu.dma_semaphore, #tpu.memory_space<semaphore_mem>>
        %dma_wait3A_371 = arith.constant 0 : i32
        %dma_wait3A_372 = arith.constant 0 : i32
        %dma_wait3A_373 = tpu.memref_slice %arg4[%dma_wait3A_361, %dma_wait3A_371, %dma_wait3A_372] : memref<6x64x128xf32, #tpu.memory_space<vmem>> -> memref<1x64x128xf32, #tpu.memory_space<vmem>>
        %dma_wait3A_374 = tpu.memref_squeeze %dma_wait3A_373 : memref<1x64x128xf32, #tpu.memory_space<vmem>> -> memref<64x128xf32, #tpu.memory_space<vmem>>
        %dma_wait3A_375 = arith.constant 0 : i32
        %dma_wait3A_376 = tpu.memref_slice %arg2[%dma_wait3A_375, %mul3A_360] : memref<64x1000000xf32, #tpu.memory_space<hbm>> -> memref<64x128xf32, #tpu.memory_space<hbm>>
        tpu.wait_dma2 semaphore(%dma_wait3A_370 : memref<!tpu.dma_semaphore, #tpu.memory_space<semaphore_mem>>) src(%dma_wait3A_376 : memref<64x128xf32, #tpu.memory_space<hbm>>) dst(%dma_wait3A_374 : memref<64x128xf32, #tpu.memory_space<vmem>>)
        %gt3A = arith.constant 0 : i32
        %gt3A_377 = arith.cmpi sgt, %scan3A_304, %gt3A : i32
        %convert_element_type3A_378 = arith.extui %gt3A_377 : i1 to i32
        %cond3A_379 = arith.constant 0 : i32
        %cond3A_380 = arith.cmpi ne, %convert_element_type3A_378, %cond3A_379 : i32
        scf.if %cond3A_380 {
          %sub3A_428 = arith.constant 6 : i32
          %sub3A_429 = arith.subi %add3A_309, %sub3A_428 : i32
          %mul3A_430 = arith.constant 64 : i32
          %mul3A_431 = arith.muli %mul3A_430, %sub3A_429 : i32
          %dma_wait3A_432 = arith.constant 0 : i32
          %dma_wait3A_433 = arith.constant 0 : i32
          %dma_wait3A_434 = arith.constant 0 : i32
          %dma_wait3A_435 = arith.constant 0 : i32
          %dma_wait3A_436 = tpu.memref_slice %arg5[%dma_wait3A_432, %dma_wait3A_434, %dma_wait3A_435] : memref<6x64x128xf32, #tpu.memory_space<vmem>> -> memref<1x64x128xf32, #tpu.memory_space<vmem>>
          %dma_wait3A_437 = tpu.memref_squeeze %dma_wait3A_436 : memref<1x64x128xf32, #tpu.memory_space<vmem>> -> memref<64x128xf32, #tpu.memory_space<vmem>>
          %dma_wait3A_438 = arith.constant 0 : i32
          %dma_wait3A_439 = tpu.memref_slice %arg3[%mul3A_431, %dma_wait3A_438] : memref<500000x128xf32, #tpu.memory_space<hbm>> -> memref<64x128xf32, #tpu.memory_space<hbm>>
          %dma_wait3A_440 = tpu.memref_slice %arg9[%dma_wait3A_433] : memref<6x!tpu.dma_semaphore, #tpu.memory_space<semaphore_mem>> -> memref<1x!tpu.dma_semaphore, #tpu.memory_space<semaphore_mem>>
          %dma_wait3A_441 = tpu.memref_squeeze %dma_wait3A_440 : memref<1x!tpu.dma_semaphore, #tpu.memory_space<semaphore_mem>> -> memref<!tpu.dma_semaphore, #tpu.memory_space<semaphore_mem>>
          %dma_wait3A_442 = arith.constant 0 : i32
          %dma_wait3A_443 = tpu.memref_slice %arg3[%mul3A_431, %dma_wait3A_442] : memref<500000x128xf32, #tpu.memory_space<hbm>> -> memref<64x128xf32, #tpu.memory_space<hbm>>
          %dma_wait3A_444 = arith.constant 0 : i32
          %dma_wait3A_445 = arith.constant 0 : i32
          %dma_wait3A_446 = tpu.memref_slice %arg5[%dma_wait3A_432, %dma_wait3A_444, %dma_wait3A_445] : memref<6x64x128xf32, #tpu.memory_space<vmem>> -> memref<1x64x128xf32, #tpu.memory_space<vmem>>
          %dma_wait3A_447 = tpu.memref_squeeze %dma_wait3A_446 : memref<1x64x128xf32, #tpu.memory_space<vmem>> -> memref<64x128xf32, #tpu.memory_space<vmem>>
          tpu.wait_dma2 semaphore(%dma_wait3A_441 : memref<!tpu.dma_semaphore, #tpu.memory_space<semaphore_mem>>) src(%dma_wait3A_447 : memref<64x128xf32, #tpu.memory_space<vmem>>) dst(%dma_wait3A_443 : memref<64x128xf32, #tpu.memory_space<hbm>>)
        } else {
        }
        %iota3A = tpu.iota {dimensions = array<i32: 0>} : vector<16xi32>
        %add3A_381 = arith.constant 0 : i32
        %add3A_382 = vector.broadcast %add3A_381 : i32 to vector<16xi32>
        %add3A_383 = arith.addi %iota3A, %add3A_382 : vector<16xi32>
        %iota3A_384 = tpu.iota {dimensions = array<i32: 0>} : vector<16xi32>
        %add3A_385 = arith.constant 16 : i32
        %add3A_386 = vector.broadcast %add3A_385 : i32 to vector<16xi32>
        %add3A_387 = arith.addi %iota3A_384, %add3A_386 : vector<16xi32>
        %iota3A_388 = tpu.iota {dimensions = array<i32: 0>} : vector<16xi32>
        %add3A_389 = arith.constant 32 : i32
        %add3A_390 = vector.broadcast %add3A_389 : i32 to vector<16xi32>
        %add3A_391 = arith.addi %iota3A_388, %add3A_390 : vector<16xi32>
        %iota3A_392 = tpu.iota {dimensions = array<i32: 0>} : vector<16xi32>
        %add3A_393 = arith.constant 48 : i32
        %add3A_394 = vector.broadcast %add3A_393 : i32 to vector<16xi32>
        %add3A_395 = arith.addi %iota3A_392, %add3A_394 : vector<16xi32>
        %iota3A_396 = tpu.iota {dimensions = array<i32: 0>} : vector<16xi32>
        %mul3A_397 = arith.constant 2 : i32
        %mul3A_398 = vector.broadcast %mul3A_397 : i32 to vector<16xi32>
        %mul3A_399 = arith.muli %iota3A_396, %mul3A_398 : vector<16xi32>
        %parallel_loop3A = arith.constant 0 : i32
        %parallel_loop3A_400 = arith.constant 128 : i32
        %parallel_loop3A_401 = arith.constant 1 : i32
        %parallel_loop3A_402 = arith.constant 0 : i32
        %parallel_loop3A_403 = arith.constant 0 : i32
        scf.for %parallel_loop3A_428 = %parallel_loop3A to %parallel_loop3A_400 step %parallel_loop3A_401  : i32 {
          %parallel_loop3A_429 = arith.constant 63 : i32
          %parallel_loop3A_430 = arith.andi %parallel_loop3A_428, %parallel_loop3A_429 : i32
          %parallel_loop3A_431 = vector.broadcast %parallel_loop3A_430 : i32 to vector<16xi32>
          %parallel_loop3A_432 = arith.constant 6 : i32
          %parallel_loop3A_433 = arith.shrui %parallel_loop3A_428, %parallel_loop3A_432 : i32
          %parallel_loop3A_434 = vector.broadcast %parallel_loop3A_433 : i32 to vector<16xi32>
          %parallel_loop3A_435 = arith.addi %mul3A_399, %parallel_loop3A_434 : vector<16xi32>
          %parallel_loop3A_436 = arith.constant 0 : i32
          %parallel_loop3A_437 = vector.broadcast %parallel_loop3A_436 : i32 to vector<16xi32>
          %parallel_loop3A_438 = arith.addi %parallel_loop3A_435, %parallel_loop3A_437 : vector<16xi32>
          %parallel_loop3A_439 = arith.constant 0 : i32
          %parallel_loop3A_440 = arith.constant 0 : i32
          %parallel_loop3A_441 = tpu.memref_slice %arg4[%parallel_loop3A_402, %parallel_loop3A_439, %parallel_loop3A_440] : memref<6x64x128xf32, #tpu.memory_space<vmem>> -> memref<1x64x128xf32, #tpu.memory_space<vmem>>
          %parallel_loop3A_442 = tpu.memref_squeeze %parallel_loop3A_441 : memref<1x64x128xf32, #tpu.memory_space<vmem>> -> memref<64x128xf32, #tpu.memory_space<vmem>>
          %parallel_loop3A_443 = tpu.vector_load_idx %parallel_loop3A_442[%parallel_loop3A_431, %parallel_loop3A_438] : memref<64x128xf32, #tpu.memory_space<vmem>>[vector<16xi32>, vector<16xi32>], vector<16xf32>,
          %parallel_loop3A_444 = vector.broadcast %parallel_loop3A_428 : i32 to vector<16xi32>
          %parallel_loop3A_445 = arith.addi %add3A_383, %parallel_loop3A_444 : vector<16xi32>
          %parallel_loop3A_446 = arith.constant 127 : i32
          %parallel_loop3A_447 = vector.broadcast %parallel_loop3A_446 : i32 to vector<16xi32>
          %parallel_loop3A_448 = arith.andi %parallel_loop3A_445, %parallel_loop3A_447 : vector<16xi32>
          %parallel_loop3A_449 = arith.constant 0 : i32
          %parallel_loop3A_450 = arith.constant 0 : i32
          %parallel_loop3A_451 = tpu.memref_slice %arg5[%parallel_loop3A_403, %parallel_loop3A_449, %parallel_loop3A_450] : memref<6x64x128xf32, #tpu.memory_space<vmem>> -> memref<1x64x128xf32, #tpu.memory_space<vmem>>
          %parallel_loop3A_452 = tpu.memref_squeeze %parallel_loop3A_451 : memref<1x64x128xf32, #tpu.memory_space<vmem>> -> memref<64x128xf32, #tpu.memory_space<vmem>>
          tpu.vector_store_idx %parallel_loop3A_452[%add3A_383, %parallel_loop3A_448], %parallel_loop3A_443 : memref<64x128xf32, #tpu.memory_space<vmem>>[vector<16xi32>, vector<16xi32>], vector<16xf32>,
          %parallel_loop3A_453 = arith.constant 32 : i32
          %parallel_loop3A_454 = vector.broadcast %parallel_loop3A_453 : i32 to vector<16xi32>
          %parallel_loop3A_455 = arith.addi %parallel_loop3A_435, %parallel_loop3A_454 : vector<16xi32>
          %parallel_loop3A_456 = arith.constant 0 : i32
          %parallel_loop3A_457 = arith.constant 0 : i32
          %parallel_loop3A_458 = tpu.memref_slice %arg4[%parallel_loop3A_402, %parallel_loop3A_456, %parallel_loop3A_457] : memref<6x64x128xf32, #tpu.memory_space<vmem>> -> memref<1x64x128xf32, #tpu.memory_space<vmem>>
          %parallel_loop3A_459 = tpu.memref_squeeze %parallel_loop3A_458 : memref<1x64x128xf32, #tpu.memory_space<vmem>> -> memref<64x128xf32, #tpu.memory_space<vmem>>
          %parallel_loop3A_460 = tpu.vector_load_idx %parallel_loop3A_459[%parallel_loop3A_431, %parallel_loop3A_455] : memref<64x128xf32, #tpu.memory_space<vmem>>[vector<16xi32>, vector<16xi32>], vector<16xf32>,
          %parallel_loop3A_461 = vector.broadcast %parallel_loop3A_428 : i32 to vector<16xi32>
          %parallel_loop3A_462 = arith.addi %add3A_387, %parallel_loop3A_461 : vector<16xi32>
          %parallel_loop3A_463 = arith.constant 127 : i32
          %parallel_loop3A_464 = vector.broadcast %parallel_loop3A_463 : i32 to vector<16xi32>
          %parallel_loop3A_465 = arith.andi %parallel_loop3A_462, %parallel_loop3A_464 : vector<16xi32>
          %parallel_loop3A_466 = arith.constant 0 : i32
          %parallel_loop3A_467 = arith.constant 0 : i32
          %parallel_loop3A_468 = tpu.memref_slice %arg5[%parallel_loop3A_403, %parallel_loop3A_466, %parallel_loop3A_467] : memref<6x64x128xf32, #tpu.memory_space<vmem>> -> memref<1x64x128xf32, #tpu.memory_space<vmem>>
          %parallel_loop3A_469 = tpu.memref_squeeze %parallel_loop3A_468 : memref<1x64x128xf32, #tpu.memory_space<vmem>> -> memref<64x128xf32, #tpu.memory_space<vmem>>
          tpu.vector_store_idx %parallel_loop3A_469[%add3A_387, %parallel_loop3A_465], %parallel_loop3A_460 : memref<64x128xf32, #tpu.memory_space<vmem>>[vector<16xi32>, vector<16xi32>], vector<16xf32>,
          %parallel_loop3A_470 = arith.constant 64 : i32
          %parallel_loop3A_471 = vector.broadcast %parallel_loop3A_470 : i32 to vector<16xi32>
          %parallel_loop3A_472 = arith.addi %parallel_loop3A_435, %parallel_loop3A_471 : vector<16xi32>
          %parallel_loop3A_473 = arith.constant 0 : i32
          %parallel_loop3A_474 = arith.constant 0 : i32
          %parallel_loop3A_475 = tpu.memref_slice %arg4[%parallel_loop3A_402, %parallel_loop3A_473, %parallel_loop3A_474] : memref<6x64x128xf32, #tpu.memory_space<vmem>> -> memref<1x64x128xf32, #tpu.memory_space<vmem>>
          %parallel_loop3A_476 = tpu.memref_squeeze %parallel_loop3A_475 : memref<1x64x128xf32, #tpu.memory_space<vmem>> -> memref<64x128xf32, #tpu.memory_space<vmem>>
          %parallel_loop3A_477 = tpu.vector_load_idx %parallel_loop3A_476[%parallel_loop3A_431, %parallel_loop3A_472] : memref<64x128xf32, #tpu.memory_space<vmem>>[vector<16xi32>, vector<16xi32>], vector<16xf32>,
          %parallel_loop3A_478 = vector.broadcast %parallel_loop3A_428 : i32 to vector<16xi32>
          %parallel_loop3A_479 = arith.addi %add3A_391, %parallel_loop3A_478 : vector<16xi32>
          %parallel_loop3A_480 = arith.constant 127 : i32
          %parallel_loop3A_481 = vector.broadcast %parallel_loop3A_480 : i32 to vector<16xi32>
          %parallel_loop3A_482 = arith.andi %parallel_loop3A_479, %parallel_loop3A_481 : vector<16xi32>
          %parallel_loop3A_483 = arith.constant 0 : i32
          %parallel_loop3A_484 = arith.constant 0 : i32
          %parallel_loop3A_485 = tpu.memref_slice %arg5[%parallel_loop3A_403, %parallel_loop3A_483, %parallel_loop3A_484] : memref<6x64x128xf32, #tpu.memory_space<vmem>> -> memref<1x64x128xf32, #tpu.memory_space<vmem>>
          %parallel_loop3A_486 = tpu.memref_squeeze %parallel_loop3A_485 : memref<1x64x128xf32, #tpu.memory_space<vmem>> -> memref<64x128xf32, #tpu.memory_space<vmem>>
          tpu.vector_store_idx %parallel_loop3A_486[%add3A_391, %parallel_loop3A_482], %parallel_loop3A_477 : memref<64x128xf32, #tpu.memory_space<vmem>>[vector<16xi32>, vector<16xi32>], vector<16xf32>,
          %parallel_loop3A_487 = arith.constant 96 : i32
          %parallel_loop3A_488 = vector.broadcast %parallel_loop3A_487 : i32 to vector<16xi32>
          %parallel_loop3A_489 = arith.addi %parallel_loop3A_435, %parallel_loop3A_488 : vector<16xi32>
          %parallel_loop3A_490 = arith.constant 0 : i32
          %parallel_loop3A_491 = arith.constant 0 : i32
          %parallel_loop3A_492 = tpu.memref_slice %arg4[%parallel_loop3A_402, %parallel_loop3A_490, %parallel_loop3A_491] : memref<6x64x128xf32, #tpu.memory_space<vmem>> -> memref<1x64x128xf32, #tpu.memory_space<vmem>>
          %parallel_loop3A_493 = tpu.memref_squeeze %parallel_loop3A_492 : memref<1x64x128xf32, #tpu.memory_space<vmem>> -> memref<64x128xf32, #tpu.memory_space<vmem>>
          %parallel_loop3A_494 = tpu.vector_load_idx %parallel_loop3A_493[%parallel_loop3A_431, %parallel_loop3A_489] : memref<64x128xf32, #tpu.memory_space<vmem>>[vector<16xi32>, vector<16xi32>], vector<16xf32>,
          %parallel_loop3A_495 = vector.broadcast %parallel_loop3A_428 : i32 to vector<16xi32>
          %parallel_loop3A_496 = arith.addi %add3A_395, %parallel_loop3A_495 : vector<16xi32>
          %parallel_loop3A_497 = arith.constant 127 : i32
          %parallel_loop3A_498 = vector.broadcast %parallel_loop3A_497 : i32 to vector<16xi32>
          %parallel_loop3A_499 = arith.andi %parallel_loop3A_496, %parallel_loop3A_498 : vector<16xi32>
          %parallel_loop3A_500 = arith.constant 0 : i32
          %parallel_loop3A_501 = arith.constant 0 : i32
          %parallel_loop3A_502 = tpu.memref_slice %arg5[%parallel_loop3A_403, %parallel_loop3A_500, %parallel_loop3A_501] : memref<6x64x128xf32, #tpu.memory_space<vmem>> -> memref<1x64x128xf32, #tpu.memory_space<vmem>>
          %parallel_loop3A_503 = tpu.memref_squeeze %parallel_loop3A_502 : memref<1x64x128xf32, #tpu.memory_space<vmem>> -> memref<64x128xf32, #tpu.memory_space<vmem>>
          tpu.vector_store_idx %parallel_loop3A_503[%add3A_395, %parallel_loop3A_499], %parallel_loop3A_494 : memref<64x128xf32, #tpu.memory_space<vmem>>[vector<16xi32>, vector<16xi32>], vector<16xf32>,
        } {sc.loop_unroll_factor = 4 : i64, sc.parallel_access}
        %mul3A_404 = arith.constant 64 : i32
        %mul3A_405 = arith.muli %mul3A_404, %add3A_309 : i32
        %dma_start3A_406 = arith.constant 0 : i32
        %dma_start3A_407 = arith.constant 0 : i32
        %dma_start3A_408 = arith.constant 0 : i32
        %dma_start3A_409 = arith.constant 0 : i32
        %dma_start3A_410 = tpu.memref_slice %arg5[%dma_start3A_406, %dma_start3A_408, %dma_start3A_409] : memref<6x64x128xf32, #tpu.memory_space<vmem>> -> memref<1x64x128xf32, #tpu.memory_space<vmem>>
        %dma_start3A_411 = tpu.memref_squeeze %dma_start3A_410 : memref<1x64x128xf32, #tpu.memory_space<vmem>> -> memref<64x128xf32, #tpu.memory_space<vmem>>
        %dma_start3A_412 = arith.constant 0 : i32
        %dma_start3A_413 = tpu.memref_slice %arg3[%mul3A_405, %dma_start3A_412] : memref<500000x128xf32, #tpu.memory_space<hbm>> -> memref<64x128xf32, #tpu.memory_space<hbm>>
        %dma_start3A_414 = tpu.memref_slice %arg9[%dma_start3A_407] : memref<6x!tpu.dma_semaphore, #tpu.memory_space<semaphore_mem>> -> memref<1x!tpu.dma_semaphore, #tpu.memory_space<semaphore_mem>>
        %dma_start3A_415 = tpu.memref_squeeze %dma_start3A_414 : memref<1x!tpu.dma_semaphore, #tpu.memory_space<semaphore_mem>> -> memref<!tpu.dma_semaphore, #tpu.memory_space<semaphore_mem>>
        %dma_start3A_416 = arith.constant 0 : i32
        %dma_start3A_417 = tpu.memref_slice %arg3[%mul3A_405, %dma_start3A_416] : memref<500000x128xf32, #tpu.memory_space<hbm>> -> memref<64x128xf32, #tpu.memory_space<hbm>>
        %dma_start3A_418 = arith.constant 0 : i32
        %dma_start3A_419 = arith.constant 0 : i32
        %dma_start3A_420 = tpu.memref_slice %arg5[%dma_start3A_406, %dma_start3A_418, %dma_start3A_419] : memref<6x64x128xf32, #tpu.memory_space<vmem>> -> memref<1x64x128xf32, #tpu.memory_space<vmem>>
        %dma_start3A_421 = tpu.memref_squeeze %dma_start3A_420 : memref<1x64x128xf32, #tpu.memory_space<vmem>> -> memref<64x128xf32, #tpu.memory_space<vmem>>
        tpu.enqueue_dma source(%dma_start3A_421 : memref<64x128xf32, #tpu.memory_space<vmem>>) target(%dma_start3A_417 : memref<64x128xf32, #tpu.memory_space<hbm>>) target_semaphore(%dma_start3A_415 : memref<!tpu.dma_semaphore, #tpu.memory_space<semaphore_mem>>)
        %add3A_422 = arith.constant 6 : i32
        %add3A_423 = arith.addi %add3A_309, %add3A_422 : i32
        %lt3A_424 = arith.cmpi slt, %add3A_423, %add3A_10 : i32
        %convert_element_type3A_425 = arith.extui %lt3A_424 : i1 to i32
        %cond3A_426 = arith.constant 0 : i32
        %cond3A_427 = arith.cmpi ne, %convert_element_type3A_425, %cond3A_426 : i32
        scf.if %cond3A_427 {
          %add3A_428 = arith.constant 6 : i32
          %add3A_429 = arith.addi %add3A_309, %add3A_428 : i32
          %mul3A_430 = arith.constant 128 : i32
          %mul3A_431 = arith.muli %mul3A_430, %add3A_429 : i32
          %dma_start3A_432 = arith.constant 0 : i32
          %dma_start3A_433 = arith.constant 0 : i32
          %dma_start3A_434 = arith.constant 0 : i32
          %dma_start3A_435 = arith.constant 0 : i32
          %dma_start3A_436 = tpu.memref_slice %arg4[%dma_start3A_432, %dma_start3A_434, %dma_start3A_435] : memref<6x64x128xf32, #tpu.memory_space<vmem>> -> memref<1x64x128xf32, #tpu.memory_space<vmem>>
          %dma_start3A_437 = tpu.memref_squeeze %dma_start3A_436 : memref<1x64x128xf32, #tpu.memory_space<vmem>> -> memref<64x128xf32, #tpu.memory_space<vmem>>
          %dma_start3A_438 = arith.constant 0 : i32
          %dma_start3A_439 = tpu.memref_slice %arg2[%dma_start3A_438, %mul3A_431] : memref<64x1000000xf32, #tpu.memory_space<hbm>> -> memref<64x128xf32, #tpu.memory_space<hbm>>
          %dma_start3A_440 = tpu.memref_slice %arg8[%dma_start3A_433] : memref<6x!tpu.dma_semaphore, #tpu.memory_space<semaphore_mem>> -> memref<1x!tpu.dma_semaphore, #tpu.memory_space<semaphore_mem>>
          %dma_start3A_441 = tpu.memref_squeeze %dma_start3A_440 : memref<1x!tpu.dma_semaphore, #tpu.memory_space<semaphore_mem>> -> memref<!tpu.dma_semaphore, #tpu.memory_space<semaphore_mem>>
          %dma_start3A_442 = arith.constant 0 : i32
          %dma_start3A_443 = arith.constant 0 : i32
          %dma_start3A_444 = tpu.memref_slice %arg4[%dma_start3A_432, %dma_start3A_442, %dma_start3A_443] : memref<6x64x128xf32, #tpu.memory_space<vmem>> -> memref<1x64x128xf32, #tpu.memory_space<vmem>>
          %dma_start3A_445 = tpu.memref_squeeze %dma_start3A_444 : memref<1x64x128xf32, #tpu.memory_space<vmem>> -> memref<64x128xf32, #tpu.memory_space<vmem>>
          %dma_start3A_446 = arith.constant 0 : i32
          %dma_start3A_447 = tpu.memref_slice %arg2[%dma_start3A_446, %mul3A_431] : memref<64x1000000xf32, #tpu.memory_space<hbm>> -> memref<64x128xf32, #tpu.memory_space<hbm>>
          tpu.enqueue_dma source(%dma_start3A_447 : memref<64x128xf32, #tpu.memory_space<hbm>>) target(%dma_start3A_445 : memref<64x128xf32, #tpu.memory_space<vmem>>) target_semaphore(%dma_start3A_441 : memref<!tpu.dma_semaphore, #tpu.memory_space<semaphore_mem>>)
        } else {
        }
      } else {
      }
      %mul3A_314 = arith.constant 6 : i32
      %mul3A_315 = arith.muli %mul3A_314, %scan3A_304 : i32
      %add3A_316 = arith.addi %add3A_4, %mul3A_315 : i32
      %add3A_317 = arith.constant 1 : i32
      %add3A_318 = arith.addi %add3A_316, %add3A_317 : i32
      %lt3A_319 = arith.cmpi slt, %add3A_318, %add3A_10 : i32
      %convert_element_type3A_320 = arith.extui %lt3A_319 : i1 to i32
      %cond3A_321 = arith.constant 0 : i32
      %cond3A_322 = arith.cmpi ne, %convert_element_type3A_320, %cond3A_321 : i32
      scf.if %cond3A_322 {
        %mul3A_359 = arith.constant 128 : i32
        %mul3A_360 = arith.muli %mul3A_359, %add3A_318 : i32
        %dma_wait3A_361 = arith.constant 1 : i32
        %dma_wait3A_362 = arith.constant 1 : i32
        %dma_wait3A_363 = arith.constant 0 : i32
        %dma_wait3A_364 = arith.constant 0 : i32
        %dma_wait3A_365 = tpu.memref_slice %arg4[%dma_wait3A_361, %dma_wait3A_363, %dma_wait3A_364] : memref<6x64x128xf32, #tpu.memory_space<vmem>> -> memref<1x64x128xf32, #tpu.memory_space<vmem>>
        %dma_wait3A_366 = tpu.memref_squeeze %dma_wait3A_365 : memref<1x64x128xf32, #tpu.memory_space<vmem>> -> memref<64x128xf32, #tpu.memory_space<vmem>>
        %dma_wait3A_367 = arith.constant 0 : i32
        %dma_wait3A_368 = tpu.memref_slice %arg2[%dma_wait3A_367, %mul3A_360] : memref<64x1000000xf32, #tpu.memory_space<hbm>> -> memref<64x128xf32, #tpu.memory_space<hbm>>
        %dma_wait3A_369 = tpu.memref_slice %arg8[%dma_wait3A_362] : memref<6x!tpu.dma_semaphore, #tpu.memory_space<semaphore_mem>> -> memref<1x!tpu.dma_semaphore, #tpu.memory_space<semaphore_mem>>
        %dma_wait3A_370 = tpu.memref_squeeze %dma_wait3A_369 : memref<1x!tpu.dma_semaphore, #tpu.memory_space<semaphore_mem>> -> memref<!tpu.dma_semaphore, #tpu.memory_space<semaphore_mem>>
        %dma_wait3A_371 = arith.constant 0 : i32
        %dma_wait3A_372 = arith.constant 0 : i32
        %dma_wait3A_373 = tpu.memref_slice %arg4[%dma_wait3A_361, %dma_wait3A_371, %dma_wait3A_372] : memref<6x64x128xf32, #tpu.memory_space<vmem>> -> memref<1x64x128xf32, #tpu.memory_space<vmem>>
        %dma_wait3A_374 = tpu.memref_squeeze %dma_wait3A_373 : memref<1x64x128xf32, #tpu.memory_space<vmem>> -> memref<64x128xf32, #tpu.memory_space<vmem>>
        %dma_wait3A_375 = arith.constant 0 : i32
        %dma_wait3A_376 = tpu.memref_slice %arg2[%dma_wait3A_375, %mul3A_360] : memref<64x1000000xf32, #tpu.memory_space<hbm>> -> memref<64x128xf32, #tpu.memory_space<hbm>>
        tpu.wait_dma2 semaphore(%dma_wait3A_370 : memref<!tpu.dma_semaphore, #tpu.memory_space<semaphore_mem>>) src(%dma_wait3A_376 : memref<64x128xf32, #tpu.memory_space<hbm>>) dst(%dma_wait3A_374 : memref<64x128xf32, #tpu.memory_space<vmem>>)
        %gt3A = arith.constant 0 : i32
        %gt3A_377 = arith.cmpi sgt, %scan3A_304, %gt3A : i32
        %convert_element_type3A_378 = arith.extui %gt3A_377 : i1 to i32
        %cond3A_379 = arith.constant 0 : i32
        %cond3A_380 = arith.cmpi ne, %convert_element_type3A_378, %cond3A_379 : i32
        scf.if %cond3A_380 {
          %sub3A_428 = arith.constant 6 : i32
          %sub3A_429 = arith.subi %add3A_318, %sub3A_428 : i32
          %mul3A_430 = arith.constant 64 : i32
          %mul3A_431 = arith.muli %mul3A_430, %sub3A_429 : i32
          %dma_wait3A_432 = arith.constant 1 : i32
          %dma_wait3A_433 = arith.constant 1 : i32
          %dma_wait3A_434 = arith.constant 0 : i32
          %dma_wait3A_435 = arith.constant 0 : i32
          %dma_wait3A_436 = tpu.memref_slice %arg5[%dma_wait3A_432, %dma_wait3A_434, %dma_wait3A_435] : memref<6x64x128xf32, #tpu.memory_space<vmem>> -> memref<1x64x128xf32, #tpu.memory_space<vmem>>
          %dma_wait3A_437 = tpu.memref_squeeze %dma_wait3A_436 : memref<1x64x128xf32, #tpu.memory_space<vmem>> -> memref<64x128xf32, #tpu.memory_space<vmem>>
          %dma_wait3A_438 = arith.constant 0 : i32
          %dma_wait3A_439 = tpu.memref_slice %arg3[%mul3A_431, %dma_wait3A_438] : memref<500000x128xf32, #tpu.memory_space<hbm>> -> memref<64x128xf32, #tpu.memory_space<hbm>>
          %dma_wait3A_440 = tpu.memref_slice %arg9[%dma_wait3A_433] : memref<6x!tpu.dma_semaphore, #tpu.memory_space<semaphore_mem>> -> memref<1x!tpu.dma_semaphore, #tpu.memory_space<semaphore_mem>>
          %dma_wait3A_441 = tpu.memref_squeeze %dma_wait3A_440 : memref<1x!tpu.dma_semaphore, #tpu.memory_space<semaphore_mem>> -> memref<!tpu.dma_semaphore, #tpu.memory_space<semaphore_mem>>
          %dma_wait3A_442 = arith.constant 0 : i32
          %dma_wait3A_443 = tpu.memref_slice %arg3[%mul3A_431, %dma_wait3A_442] : memref<500000x128xf32, #tpu.memory_space<hbm>> -> memref<64x128xf32, #tpu.memory_space<hbm>>
          %dma_wait3A_444 = arith.constant 0 : i32
          %dma_wait3A_445 = arith.constant 0 : i32
          %dma_wait3A_446 = tpu.memref_slice %arg5[%dma_wait3A_432, %dma_wait3A_444, %dma_wait3A_445] : memref<6x64x128xf32, #tpu.memory_space<vmem>> -> memref<1x64x128xf32, #tpu.memory_space<vmem>>
          %dma_wait3A_447 = tpu.memref_squeeze %dma_wait3A_446 : memref<1x64x128xf32, #tpu.memory_space<vmem>> -> memref<64x128xf32, #tpu.memory_space<vmem>>
          tpu.wait_dma2 semaphore(%dma_wait3A_441 : memref<!tpu.dma_semaphore, #tpu.memory_space<semaphore_mem>>) src(%dma_wait3A_447 : memref<64x128xf32, #tpu.memory_space<vmem>>) dst(%dma_wait3A_443 : memref<64x128xf32, #tpu.memory_space<hbm>>)
        } else {
        }
        %iota3A = tpu.iota {dimensions = array<i32: 0>} : vector<16xi32>
        %add3A_381 = arith.constant 0 : i32
        %add3A_382 = vector.broadcast %add3A_381 : i32 to vector<16xi32>
        %add3A_383 = arith.addi %iota3A, %add3A_382 : vector<16xi32>
        %iota3A_384 = tpu.iota {dimensions = array<i32: 0>} : vector<16xi32>
        %add3A_385 = arith.constant 16 : i32
        %add3A_386 = vector.broadcast %add3A_385 : i32 to vector<16xi32>
        %add3A_387 = arith.addi %iota3A_384, %add3A_386 : vector<16xi32>
        %iota3A_388 = tpu.iota {dimensions = array<i32: 0>} : vector<16xi32>
        %add3A_389 = arith.constant 32 : i32
        %add3A_390 = vector.broadcast %add3A_389 : i32 to vector<16xi32>
        %add3A_391 = arith.addi %iota3A_388, %add3A_390 : vector<16xi32>
        %iota3A_392 = tpu.iota {dimensions = array<i32: 0>} : vector<16xi32>
        %add3A_393 = arith.constant 48 : i32
        %add3A_394 = vector.broadcast %add3A_393 : i32 to vector<16xi32>
        %add3A_395 = arith.addi %iota3A_392, %add3A_394 : vector<16xi32>
        %iota3A_396 = tpu.iota {dimensions = array<i32: 0>} : vector<16xi32>
        %mul3A_397 = arith.constant 2 : i32
        %mul3A_398 = vector.broadcast %mul3A_397 : i32 to vector<16xi32>
        %mul3A_399 = arith.muli %iota3A_396, %mul3A_398 : vector<16xi32>
        %parallel_loop3A = arith.constant 0 : i32
        %parallel_loop3A_400 = arith.constant 128 : i32
        %parallel_loop3A_401 = arith.constant 1 : i32
        %parallel_loop3A_402 = arith.constant 1 : i32
        %parallel_loop3A_403 = arith.constant 1 : i32
        scf.for %parallel_loop3A_428 = %parallel_loop3A to %parallel_loop3A_400 step %parallel_loop3A_401  : i32 {
          %parallel_loop3A_429 = arith.constant 63 : i32
          %parallel_loop3A_430 = arith.andi %parallel_loop3A_428, %parallel_loop3A_429 : i32
          %parallel_loop3A_431 = vector.broadcast %parallel_loop3A_430 : i32 to vector<16xi32>
          %parallel_loop3A_432 = arith.constant 6 : i32
          %parallel_loop3A_433 = arith.shrui %parallel_loop3A_428, %parallel_loop3A_432 : i32
          %parallel_loop3A_434 = vector.broadcast %parallel_loop3A_433 : i32 to vector<16xi32>
          %parallel_loop3A_435 = arith.addi %mul3A_399, %parallel_loop3A_434 : vector<16xi32>
          %parallel_loop3A_436 = arith.constant 0 : i32
          %parallel_loop3A_437 = vector.broadcast %parallel_loop3A_436 : i32 to vector<16xi32>
          %parallel_loop3A_438 = arith.addi %parallel_loop3A_435, %parallel_loop3A_437 : vector<16xi32>
          %parallel_loop3A_439 = arith.constant 0 : i32
          %parallel_loop3A_440 = arith.constant 0 : i32
          %parallel_loop3A_441 = tpu.memref_slice %arg4[%parallel_loop3A_402, %parallel_loop3A_439, %parallel_loop3A_440] : memref<6x64x128xf32, #tpu.memory_space<vmem>> -> memref<1x64x128xf32, #tpu.memory_space<vmem>>
          %parallel_loop3A_442 = tpu.memref_squeeze %parallel_loop3A_441 : memref<1x64x128xf32, #tpu.memory_space<vmem>> -> memref<64x128xf32, #tpu.memory_space<vmem>>
          %parallel_loop3A_443 = tpu.vector_load_idx %parallel_loop3A_442[%parallel_loop3A_431, %parallel_loop3A_438] : memref<64x128xf32, #tpu.memory_space<vmem>>[vector<16xi32>, vector<16xi32>], vector<16xf32>,
          %parallel_loop3A_444 = vector.broadcast %parallel_loop3A_428 : i32 to vector<16xi32>
          %parallel_loop3A_445 = arith.addi %add3A_383, %parallel_loop3A_444 : vector<16xi32>
          %parallel_loop3A_446 = arith.constant 127 : i32
          %parallel_loop3A_447 = vector.broadcast %parallel_loop3A_446 : i32 to vector<16xi32>
          %parallel_loop3A_448 = arith.andi %parallel_loop3A_445, %parallel_loop3A_447 : vector<16xi32>
          %parallel_loop3A_449 = arith.constant 0 : i32
          %parallel_loop3A_450 = arith.constant 0 : i32
          %parallel_loop3A_451 = tpu.memref_slice %arg5[%parallel_loop3A_403, %parallel_loop3A_449, %parallel_loop3A_450] : memref<6x64x128xf32, #tpu.memory_space<vmem>> -> memref<1x64x128xf32, #tpu.memory_space<vmem>>
          %parallel_loop3A_452 = tpu.memref_squeeze %parallel_loop3A_451 : memref<1x64x128xf32, #tpu.memory_space<vmem>> -> memref<64x128xf32, #tpu.memory_space<vmem>>
          tpu.vector_store_idx %parallel_loop3A_452[%add3A_383, %parallel_loop3A_448], %parallel_loop3A_443 : memref<64x128xf32, #tpu.memory_space<vmem>>[vector<16xi32>, vector<16xi32>], vector<16xf32>,
          %parallel_loop3A_453 = arith.constant 32 : i32
          %parallel_loop3A_454 = vector.broadcast %parallel_loop3A_453 : i32 to vector<16xi32>
          %parallel_loop3A_455 = arith.addi %parallel_loop3A_435, %parallel_loop3A_454 : vector<16xi32>
          %parallel_loop3A_456 = arith.constant 0 : i32
          %parallel_loop3A_457 = arith.constant 0 : i32
          %parallel_loop3A_458 = tpu.memref_slice %arg4[%parallel_loop3A_402, %parallel_loop3A_456, %parallel_loop3A_457] : memref<6x64x128xf32, #tpu.memory_space<vmem>> -> memref<1x64x128xf32, #tpu.memory_space<vmem>>
          %parallel_loop3A_459 = tpu.memref_squeeze %parallel_loop3A_458 : memref<1x64x128xf32, #tpu.memory_space<vmem>> -> memref<64x128xf32, #tpu.memory_space<vmem>>
          %parallel_loop3A_460 = tpu.vector_load_idx %parallel_loop3A_459[%parallel_loop3A_431, %parallel_loop3A_455] : memref<64x128xf32, #tpu.memory_space<vmem>>[vector<16xi32>, vector<16xi32>], vector<16xf32>,
          %parallel_loop3A_461 = vector.broadcast %parallel_loop3A_428 : i32 to vector<16xi32>
          %parallel_loop3A_462 = arith.addi %add3A_387, %parallel_loop3A_461 : vector<16xi32>
          %parallel_loop3A_463 = arith.constant 127 : i32
          %parallel_loop3A_464 = vector.broadcast %parallel_loop3A_463 : i32 to vector<16xi32>
          %parallel_loop3A_465 = arith.andi %parallel_loop3A_462, %parallel_loop3A_464 : vector<16xi32>
          %parallel_loop3A_466 = arith.constant 0 : i32
          %parallel_loop3A_467 = arith.constant 0 : i32
          %parallel_loop3A_468 = tpu.memref_slice %arg5[%parallel_loop3A_403, %parallel_loop3A_466, %parallel_loop3A_467] : memref<6x64x128xf32, #tpu.memory_space<vmem>> -> memref<1x64x128xf32, #tpu.memory_space<vmem>>
          %parallel_loop3A_469 = tpu.memref_squeeze %parallel_loop3A_468 : memref<1x64x128xf32, #tpu.memory_space<vmem>> -> memref<64x128xf32, #tpu.memory_space<vmem>>
          tpu.vector_store_idx %parallel_loop3A_469[%add3A_387, %parallel_loop3A_465], %parallel_loop3A_460 : memref<64x128xf32, #tpu.memory_space<vmem>>[vector<16xi32>, vector<16xi32>], vector<16xf32>,
          %parallel_loop3A_470 = arith.constant 64 : i32
          %parallel_loop3A_471 = vector.broadcast %parallel_loop3A_470 : i32 to vector<16xi32>
          %parallel_loop3A_472 = arith.addi %parallel_loop3A_435, %parallel_loop3A_471 : vector<16xi32>
          %parallel_loop3A_473 = arith.constant 0 : i32
          %parallel_loop3A_474 = arith.constant 0 : i32
          %parallel_loop3A_475 = tpu.memref_slice %arg4[%parallel_loop3A_402, %parallel_loop3A_473, %parallel_loop3A_474] : memref<6x64x128xf32, #tpu.memory_space<vmem>> -> memref<1x64x128xf32, #tpu.memory_space<vmem>>
          %parallel_loop3A_476 = tpu.memref_squeeze %parallel_loop3A_475 : memref<1x64x128xf32, #tpu.memory_space<vmem>> -> memref<64x128xf32, #tpu.memory_space<vmem>>
          %parallel_loop3A_477 = tpu.vector_load_idx %parallel_loop3A_476[%parallel_loop3A_431, %parallel_loop3A_472] : memref<64x128xf32, #tpu.memory_space<vmem>>[vector<16xi32>, vector<16xi32>], vector<16xf32>,
          %parallel_loop3A_478 = vector.broadcast %parallel_loop3A_428 : i32 to vector<16xi32>
          %parallel_loop3A_479 = arith.addi %add3A_391, %parallel_loop3A_478 : vector<16xi32>
          %parallel_loop3A_480 = arith.constant 127 : i32
          %parallel_loop3A_481 = vector.broadcast %parallel_loop3A_480 : i32 to vector<16xi32>
          %parallel_loop3A_482 = arith.andi %parallel_loop3A_479, %parallel_loop3A_481 : vector<16xi32>
          %parallel_loop3A_483 = arith.constant 0 : i32
          %parallel_loop3A_484 = arith.constant 0 : i32
          %parallel_loop3A_485 = tpu.memref_slice %arg5[%parallel_loop3A_403, %parallel_loop3A_483, %parallel_loop3A_484] : memref<6x64x128xf32, #tpu.memory_space<vmem>> -> memref<1x64x128xf32, #tpu.memory_space<vmem>>
          %parallel_loop3A_486 = tpu.memref_squeeze %parallel_loop3A_485 : memref<1x64x128xf32, #tpu.memory_space<vmem>> -> memref<64x128xf32, #tpu.memory_space<vmem>>
          tpu.vector_store_idx %parallel_loop3A_486[%add3A_391, %parallel_loop3A_482], %parallel_loop3A_477 : memref<64x128xf32, #tpu.memory_space<vmem>>[vector<16xi32>, vector<16xi32>], vector<16xf32>,
          %parallel_loop3A_487 = arith.constant 96 : i32
          %parallel_loop3A_488 = vector.broadcast %parallel_loop3A_487 : i32 to vector<16xi32>
          %parallel_loop3A_489 = arith.addi %parallel_loop3A_435, %parallel_loop3A_488 : vector<16xi32>
          %parallel_loop3A_490 = arith.constant 0 : i32
          %parallel_loop3A_491 = arith.constant 0 : i32
          %parallel_loop3A_492 = tpu.memref_slice %arg4[%parallel_loop3A_402, %parallel_loop3A_490, %parallel_loop3A_491] : memref<6x64x128xf32, #tpu.memory_space<vmem>> -> memref<1x64x128xf32, #tpu.memory_space<vmem>>
          %parallel_loop3A_493 = tpu.memref_squeeze %parallel_loop3A_492 : memref<1x64x128xf32, #tpu.memory_space<vmem>> -> memref<64x128xf32, #tpu.memory_space<vmem>>
          %parallel_loop3A_494 = tpu.vector_load_idx %parallel_loop3A_493[%parallel_loop3A_431, %parallel_loop3A_489] : memref<64x128xf32, #tpu.memory_space<vmem>>[vector<16xi32>, vector<16xi32>], vector<16xf32>,
          %parallel_loop3A_495 = vector.broadcast %parallel_loop3A_428 : i32 to vector<16xi32>
          %parallel_loop3A_496 = arith.addi %add3A_395, %parallel_loop3A_495 : vector<16xi32>
          %parallel_loop3A_497 = arith.constant 127 : i32
          %parallel_loop3A_498 = vector.broadcast %parallel_loop3A_497 : i32 to vector<16xi32>
          %parallel_loop3A_499 = arith.andi %parallel_loop3A_496, %parallel_loop3A_498 : vector<16xi32>
          %parallel_loop3A_500 = arith.constant 0 : i32
          %parallel_loop3A_501 = arith.constant 0 : i32
          %parallel_loop3A_502 = tpu.memref_slice %arg5[%parallel_loop3A_403, %parallel_loop3A_500, %parallel_loop3A_501] : memref<6x64x128xf32, #tpu.memory_space<vmem>> -> memref<1x64x128xf32, #tpu.memory_space<vmem>>
          %parallel_loop3A_503 = tpu.memref_squeeze %parallel_loop3A_502 : memref<1x64x128xf32, #tpu.memory_space<vmem>> -> memref<64x128xf32, #tpu.memory_space<vmem>>
          tpu.vector_store_idx %parallel_loop3A_503[%add3A_395, %parallel_loop3A_499], %parallel_loop3A_494 : memref<64x128xf32, #tpu.memory_space<vmem>>[vector<16xi32>, vector<16xi32>], vector<16xf32>,
        } {sc.loop_unroll_factor = 4 : i64, sc.parallel_access}
        %mul3A_404 = arith.constant 64 : i32
        %mul3A_405 = arith.muli %mul3A_404, %add3A_318 : i32
        %dma_start3A_406 = arith.constant 1 : i32
        %dma_start3A_407 = arith.constant 1 : i32
        %dma_start3A_408 = arith.constant 0 : i32
        %dma_start3A_409 = arith.constant 0 : i32
        %dma_start3A_410 = tpu.memref_slice %arg5[%dma_start3A_406, %dma_start3A_408, %dma_start3A_409] : memref<6x64x128xf32, #tpu.memory_space<vmem>> -> memref<1x64x128xf32, #tpu.memory_space<vmem>>
        %dma_start3A_411 = tpu.memref_squeeze %dma_start3A_410 : memref<1x64x128xf32, #tpu.memory_space<vmem>> -> memref<64x128xf32, #tpu.memory_space<vmem>>
        %dma_start3A_412 = arith.constant 0 : i32
        %dma_start3A_413 = tpu.memref_slice %arg3[%mul3A_405, %dma_start3A_412] : memref<500000x128xf32, #tpu.memory_space<hbm>> -> memref<64x128xf32, #tpu.memory_space<hbm>>
        %dma_start3A_414 = tpu.memref_slice %arg9[%dma_start3A_407] : memref<6x!tpu.dma_semaphore, #tpu.memory_space<semaphore_mem>> -> memref<1x!tpu.dma_semaphore, #tpu.memory_space<semaphore_mem>>
        %dma_start3A_415 = tpu.memref_squeeze %dma_start3A_414 : memref<1x!tpu.dma_semaphore, #tpu.memory_space<semaphore_mem>> -> memref<!tpu.dma_semaphore, #tpu.memory_space<semaphore_mem>>
        %dma_start3A_416 = arith.constant 0 : i32
        %dma_start3A_417 = tpu.memref_slice %arg3[%mul3A_405, %dma_start3A_416] : memref<500000x128xf32, #tpu.memory_space<hbm>> -> memref<64x128xf32, #tpu.memory_space<hbm>>
        %dma_start3A_418 = arith.constant 0 : i32
        %dma_start3A_419 = arith.constant 0 : i32
        %dma_start3A_420 = tpu.memref_slice %arg5[%dma_start3A_406, %dma_start3A_418, %dma_start3A_419] : memref<6x64x128xf32, #tpu.memory_space<vmem>> -> memref<1x64x128xf32, #tpu.memory_space<vmem>>
        %dma_start3A_421 = tpu.memref_squeeze %dma_start3A_420 : memref<1x64x128xf32, #tpu.memory_space<vmem>> -> memref<64x128xf32, #tpu.memory_space<vmem>>
        tpu.enqueue_dma source(%dma_start3A_421 : memref<64x128xf32, #tpu.memory_space<vmem>>) target(%dma_start3A_417 : memref<64x128xf32, #tpu.memory_space<hbm>>) target_semaphore(%dma_start3A_415 : memref<!tpu.dma_semaphore, #tpu.memory_space<semaphore_mem>>)
        %add3A_422 = arith.constant 6 : i32
        %add3A_423 = arith.addi %add3A_318, %add3A_422 : i32
        %lt3A_424 = arith.cmpi slt, %add3A_423, %add3A_10 : i32
        %convert_element_type3A_425 = arith.extui %lt3A_424 : i1 to i32
        %cond3A_426 = arith.constant 0 : i32
        %cond3A_427 = arith.cmpi ne, %convert_element_type3A_425, %cond3A_426 : i32
        scf.if %cond3A_427 {
          %add3A_428 = arith.constant 6 : i32
          %add3A_429 = arith.addi %add3A_318, %add3A_428 : i32
          %mul3A_430 = arith.constant 128 : i32
          %mul3A_431 = arith.muli %mul3A_430, %add3A_429 : i32
          %dma_start3A_432 = arith.constant 1 : i32
          %dma_start3A_433 = arith.constant 1 : i32
          %dma_start3A_434 = arith.constant 0 : i32
          %dma_start3A_435 = arith.constant 0 : i32
          %dma_start3A_436 = tpu.memref_slice %arg4[%dma_start3A_432, %dma_start3A_434, %dma_start3A_435] : memref<6x64x128xf32, #tpu.memory_space<vmem>> -> memref<1x64x128xf32, #tpu.memory_space<vmem>>
          %dma_start3A_437 = tpu.memref_squeeze %dma_start3A_436 : memref<1x64x128xf32, #tpu.memory_space<vmem>> -> memref<64x128xf32, #tpu.memory_space<vmem>>
          %dma_start3A_438 = arith.constant 0 : i32
          %dma_start3A_439 = tpu.memref_slice %arg2[%dma_start3A_438, %mul3A_431] : memref<64x1000000xf32, #tpu.memory_space<hbm>> -> memref<64x128xf32, #tpu.memory_space<hbm>>
          %dma_start3A_440 = tpu.memref_slice %arg8[%dma_start3A_433] : memref<6x!tpu.dma_semaphore, #tpu.memory_space<semaphore_mem>> -> memref<1x!tpu.dma_semaphore, #tpu.memory_space<semaphore_mem>>
          %dma_start3A_441 = tpu.memref_squeeze %dma_start3A_440 : memref<1x!tpu.dma_semaphore, #tpu.memory_space<semaphore_mem>> -> memref<!tpu.dma_semaphore, #tpu.memory_space<semaphore_mem>>
          %dma_start3A_442 = arith.constant 0 : i32
          %dma_start3A_443 = arith.constant 0 : i32
          %dma_start3A_444 = tpu.memref_slice %arg4[%dma_start3A_432, %dma_start3A_442, %dma_start3A_443] : memref<6x64x128xf32, #tpu.memory_space<vmem>> -> memref<1x64x128xf32, #tpu.memory_space<vmem>>
          %dma_start3A_445 = tpu.memref_squeeze %dma_start3A_444 : memref<1x64x128xf32, #tpu.memory_space<vmem>> -> memref<64x128xf32, #tpu.memory_space<vmem>>
          %dma_start3A_446 = arith.constant 0 : i32
          %dma_start3A_447 = tpu.memref_slice %arg2[%dma_start3A_446, %mul3A_431] : memref<64x1000000xf32, #tpu.memory_space<hbm>> -> memref<64x128xf32, #tpu.memory_space<hbm>>
          tpu.enqueue_dma source(%dma_start3A_447 : memref<64x128xf32, #tpu.memory_space<hbm>>) target(%dma_start3A_445 : memref<64x128xf32, #tpu.memory_space<vmem>>) target_semaphore(%dma_start3A_441 : memref<!tpu.dma_semaphore, #tpu.memory_space<semaphore_mem>>)
        } else {
        }
      } else {
      }
      %mul3A_323 = arith.constant 6 : i32
      %mul3A_324 = arith.muli %mul3A_323, %scan3A_304 : i32
      %add3A_325 = arith.addi %add3A_4, %mul3A_324 : i32
      %add3A_326 = arith.constant 2 : i32
      %add3A_327 = arith.addi %add3A_325, %add3A_326 : i32
      %lt3A_328 = arith.cmpi slt, %add3A_327, %add3A_10 : i32
      %convert_element_type3A_329 = arith.extui %lt3A_328 : i1 to i32
      %cond3A_330 = arith.constant 0 : i32
      %cond3A_331 = arith.cmpi ne, %convert_element_type3A_329, %cond3A_330 : i32
      scf.if %cond3A_331 {
        %mul3A_359 = arith.constant 128 : i32
        %mul3A_360 = arith.muli %mul3A_359, %add3A_327 : i32
        %dma_wait3A_361 = arith.constant 2 : i32
        %dma_wait3A_362 = arith.constant 2 : i32
        %dma_wait3A_363 = arith.constant 0 : i32
        %dma_wait3A_364 = arith.constant 0 : i32
        %dma_wait3A_365 = tpu.memref_slice %arg4[%dma_wait3A_361, %dma_wait3A_363, %dma_wait3A_364] : memref<6x64x128xf32, #tpu.memory_space<vmem>> -> memref<1x64x128xf32, #tpu.memory_space<vmem>>
        %dma_wait3A_366 = tpu.memref_squeeze %dma_wait3A_365 : memref<1x64x128xf32, #tpu.memory_space<vmem>> -> memref<64x128xf32, #tpu.memory_space<vmem>>
        %dma_wait3A_367 = arith.constant 0 : i32
        %dma_wait3A_368 = tpu.memref_slice %arg2[%dma_wait3A_367, %mul3A_360] : memref<64x1000000xf32, #tpu.memory_space<hbm>> -> memref<64x128xf32, #tpu.memory_space<hbm>>
        %dma_wait3A_369 = tpu.memref_slice %arg8[%dma_wait3A_362] : memref<6x!tpu.dma_semaphore, #tpu.memory_space<semaphore_mem>> -> memref<1x!tpu.dma_semaphore, #tpu.memory_space<semaphore_mem>>
        %dma_wait3A_370 = tpu.memref_squeeze %dma_wait3A_369 : memref<1x!tpu.dma_semaphore, #tpu.memory_space<semaphore_mem>> -> memref<!tpu.dma_semaphore, #tpu.memory_space<semaphore_mem>>
        %dma_wait3A_371 = arith.constant 0 : i32
        %dma_wait3A_372 = arith.constant 0 : i32
        %dma_wait3A_373 = tpu.memref_slice %arg4[%dma_wait3A_361, %dma_wait3A_371, %dma_wait3A_372] : memref<6x64x128xf32, #tpu.memory_space<vmem>> -> memref<1x64x128xf32, #tpu.memory_space<vmem>>
        %dma_wait3A_374 = tpu.memref_squeeze %dma_wait3A_373 : memref<1x64x128xf32, #tpu.memory_space<vmem>> -> memref<64x128xf32, #tpu.memory_space<vmem>>
        %dma_wait3A_375 = arith.constant 0 : i32
        %dma_wait3A_376 = tpu.memref_slice %arg2[%dma_wait3A_375, %mul3A_360] : memref<64x1000000xf32, #tpu.memory_space<hbm>> -> memref<64x128xf32, #tpu.memory_space<hbm>>
        tpu.wait_dma2 semaphore(%dma_wait3A_370 : memref<!tpu.dma_semaphore, #tpu.memory_space<semaphore_mem>>) src(%dma_wait3A_376 : memref<64x128xf32, #tpu.memory_space<hbm>>) dst(%dma_wait3A_374 : memref<64x128xf32, #tpu.memory_space<vmem>>)
        %gt3A = arith.constant 0 : i32
        %gt3A_377 = arith.cmpi sgt, %scan3A_304, %gt3A : i32
        %convert_element_type3A_378 = arith.extui %gt3A_377 : i1 to i32
        %cond3A_379 = arith.constant 0 : i32
        %cond3A_380 = arith.cmpi ne, %convert_element_type3A_378, %cond3A_379 : i32
        scf.if %cond3A_380 {
          %sub3A_428 = arith.constant 6 : i32
          %sub3A_429 = arith.subi %add3A_327, %sub3A_428 : i32
          %mul3A_430 = arith.constant 64 : i32
          %mul3A_431 = arith.muli %mul3A_430, %sub3A_429 : i32
          %dma_wait3A_432 = arith.constant 2 : i32
          %dma_wait3A_433 = arith.constant 2 : i32
          %dma_wait3A_434 = arith.constant 0 : i32
          %dma_wait3A_435 = arith.constant 0 : i32
          %dma_wait3A_436 = tpu.memref_slice %arg5[%dma_wait3A_432, %dma_wait3A_434, %dma_wait3A_435] : memref<6x64x128xf32, #tpu.memory_space<vmem>> -> memref<1x64x128xf32, #tpu.memory_space<vmem>>
          %dma_wait3A_437 = tpu.memref_squeeze %dma_wait3A_436 : memref<1x64x128xf32, #tpu.memory_space<vmem>> -> memref<64x128xf32, #tpu.memory_space<vmem>>
          %dma_wait3A_438 = arith.constant 0 : i32
          %dma_wait3A_439 = tpu.memref_slice %arg3[%mul3A_431, %dma_wait3A_438] : memref<500000x128xf32, #tpu.memory_space<hbm>> -> memref<64x128xf32, #tpu.memory_space<hbm>>
          %dma_wait3A_440 = tpu.memref_slice %arg9[%dma_wait3A_433] : memref<6x!tpu.dma_semaphore, #tpu.memory_space<semaphore_mem>> -> memref<1x!tpu.dma_semaphore, #tpu.memory_space<semaphore_mem>>
          %dma_wait3A_441 = tpu.memref_squeeze %dma_wait3A_440 : memref<1x!tpu.dma_semaphore, #tpu.memory_space<semaphore_mem>> -> memref<!tpu.dma_semaphore, #tpu.memory_space<semaphore_mem>>
          %dma_wait3A_442 = arith.constant 0 : i32
          %dma_wait3A_443 = tpu.memref_slice %arg3[%mul3A_431, %dma_wait3A_442] : memref<500000x128xf32, #tpu.memory_space<hbm>> -> memref<64x128xf32, #tpu.memory_space<hbm>>
          %dma_wait3A_444 = arith.constant 0 : i32
          %dma_wait3A_445 = arith.constant 0 : i32
          %dma_wait3A_446 = tpu.memref_slice %arg5[%dma_wait3A_432, %dma_wait3A_444, %dma_wait3A_445] : memref<6x64x128xf32, #tpu.memory_space<vmem>> -> memref<1x64x128xf32, #tpu.memory_space<vmem>>
          %dma_wait3A_447 = tpu.memref_squeeze %dma_wait3A_446 : memref<1x64x128xf32, #tpu.memory_space<vmem>> -> memref<64x128xf32, #tpu.memory_space<vmem>>
          tpu.wait_dma2 semaphore(%dma_wait3A_441 : memref<!tpu.dma_semaphore, #tpu.memory_space<semaphore_mem>>) src(%dma_wait3A_447 : memref<64x128xf32, #tpu.memory_space<vmem>>) dst(%dma_wait3A_443 : memref<64x128xf32, #tpu.memory_space<hbm>>)
        } else {
        }
        %iota3A = tpu.iota {dimensions = array<i32: 0>} : vector<16xi32>
        %add3A_381 = arith.constant 0 : i32
        %add3A_382 = vector.broadcast %add3A_381 : i32 to vector<16xi32>
        %add3A_383 = arith.addi %iota3A, %add3A_382 : vector<16xi32>
        %iota3A_384 = tpu.iota {dimensions = array<i32: 0>} : vector<16xi32>
        %add3A_385 = arith.constant 16 : i32
        %add3A_386 = vector.broadcast %add3A_385 : i32 to vector<16xi32>
        %add3A_387 = arith.addi %iota3A_384, %add3A_386 : vector<16xi32>
        %iota3A_388 = tpu.iota {dimensions = array<i32: 0>} : vector<16xi32>
        %add3A_389 = arith.constant 32 : i32
        %add3A_390 = vector.broadcast %add3A_389 : i32 to vector<16xi32>
        %add3A_391 = arith.addi %iota3A_388, %add3A_390 : vector<16xi32>
        %iota3A_392 = tpu.iota {dimensions = array<i32: 0>} : vector<16xi32>
        %add3A_393 = arith.constant 48 : i32
        %add3A_394 = vector.broadcast %add3A_393 : i32 to vector<16xi32>
        %add3A_395 = arith.addi %iota3A_392, %add3A_394 : vector<16xi32>
        %iota3A_396 = tpu.iota {dimensions = array<i32: 0>} : vector<16xi32>
        %mul3A_397 = arith.constant 2 : i32
        %mul3A_398 = vector.broadcast %mul3A_397 : i32 to vector<16xi32>
        %mul3A_399 = arith.muli %iota3A_396, %mul3A_398 : vector<16xi32>
        %parallel_loop3A = arith.constant 0 : i32
        %parallel_loop3A_400 = arith.constant 128 : i32
        %parallel_loop3A_401 = arith.constant 1 : i32
        %parallel_loop3A_402 = arith.constant 2 : i32
        %parallel_loop3A_403 = arith.constant 2 : i32
        scf.for %parallel_loop3A_428 = %parallel_loop3A to %parallel_loop3A_400 step %parallel_loop3A_401  : i32 {
          %parallel_loop3A_429 = arith.constant 63 : i32
          %parallel_loop3A_430 = arith.andi %parallel_loop3A_428, %parallel_loop3A_429 : i32
          %parallel_loop3A_431 = vector.broadcast %parallel_loop3A_430 : i32 to vector<16xi32>
          %parallel_loop3A_432 = arith.constant 6 : i32
          %parallel_loop3A_433 = arith.shrui %parallel_loop3A_428, %parallel_loop3A_432 : i32
          %parallel_loop3A_434 = vector.broadcast %parallel_loop3A_433 : i32 to vector<16xi32>
          %parallel_loop3A_435 = arith.addi %mul3A_399, %parallel_loop3A_434 : vector<16xi32>
          %parallel_loop3A_436 = arith.constant 0 : i32
          %parallel_loop3A_437 = vector.broadcast %parallel_loop3A_436 : i32 to vector<16xi32>
          %parallel_loop3A_438 = arith.addi %parallel_loop3A_435, %parallel_loop3A_437 : vector<16xi32>
          %parallel_loop3A_439 = arith.constant 0 : i32
          %parallel_loop3A_440 = arith.constant 0 : i32
          %parallel_loop3A_441 = tpu.memref_slice %arg4[%parallel_loop3A_402, %parallel_loop3A_439, %parallel_loop3A_440] : memref<6x64x128xf32, #tpu.memory_space<vmem>> -> memref<1x64x128xf32, #tpu.memory_space<vmem>>
          %parallel_loop3A_442 = tpu.memref_squeeze %parallel_loop3A_441 : memref<1x64x128xf32, #tpu.memory_space<vmem>> -> memref<64x128xf32, #tpu.memory_space<vmem>>
          %parallel_loop3A_443 = tpu.vector_load_idx %parallel_loop3A_442[%parallel_loop3A_431, %parallel_loop3A_438] : memref<64x128xf32, #tpu.memory_space<vmem>>[vector<16xi32>, vector<16xi32>], vector<16xf32>,
          %parallel_loop3A_444 = vector.broadcast %parallel_loop3A_428 : i32 to vector<16xi32>
          %parallel_loop3A_445 = arith.addi %add3A_383, %parallel_loop3A_444 : vector<16xi32>
          %parallel_loop3A_446 = arith.constant 127 : i32
          %parallel_loop3A_447 = vector.broadcast %parallel_loop3A_446 : i32 to vector<16xi32>
          %parallel_loop3A_448 = arith.andi %parallel_loop3A_445, %parallel_loop3A_447 : vector<16xi32>
          %parallel_loop3A_449 = arith.constant 0 : i32
          %parallel_loop3A_450 = arith.constant 0 : i32
          %parallel_loop3A_451 = tpu.memref_slice %arg5[%parallel_loop3A_403, %parallel_loop3A_449, %parallel_loop3A_450] : memref<6x64x128xf32, #tpu.memory_space<vmem>> -> memref<1x64x128xf32, #tpu.memory_space<vmem>>
          %parallel_loop3A_452 = tpu.memref_squeeze %parallel_loop3A_451 : memref<1x64x128xf32, #tpu.memory_space<vmem>> -> memref<64x128xf32, #tpu.memory_space<vmem>>
          tpu.vector_store_idx %parallel_loop3A_452[%add3A_383, %parallel_loop3A_448], %parallel_loop3A_443 : memref<64x128xf32, #tpu.memory_space<vmem>>[vector<16xi32>, vector<16xi32>], vector<16xf32>,
          %parallel_loop3A_453 = arith.constant 32 : i32
          %parallel_loop3A_454 = vector.broadcast %parallel_loop3A_453 : i32 to vector<16xi32>
          %parallel_loop3A_455 = arith.addi %parallel_loop3A_435, %parallel_loop3A_454 : vector<16xi32>
          %parallel_loop3A_456 = arith.constant 0 : i32
          %parallel_loop3A_457 = arith.constant 0 : i32
          %parallel_loop3A_458 = tpu.memref_slice %arg4[%parallel_loop3A_402, %parallel_loop3A_456, %parallel_loop3A_457] : memref<6x64x128xf32, #tpu.memory_space<vmem>> -> memref<1x64x128xf32, #tpu.memory_space<vmem>>
          %parallel_loop3A_459 = tpu.memref_squeeze %parallel_loop3A_458 : memref<1x64x128xf32, #tpu.memory_space<vmem>> -> memref<64x128xf32, #tpu.memory_space<vmem>>
          %parallel_loop3A_460 = tpu.vector_load_idx %parallel_loop3A_459[%parallel_loop3A_431, %parallel_loop3A_455] : memref<64x128xf32, #tpu.memory_space<vmem>>[vector<16xi32>, vector<16xi32>], vector<16xf32>,
          %parallel_loop3A_461 = vector.broadcast %parallel_loop3A_428 : i32 to vector<16xi32>
          %parallel_loop3A_462 = arith.addi %add3A_387, %parallel_loop3A_461 : vector<16xi32>
          %parallel_loop3A_463 = arith.constant 127 : i32
          %parallel_loop3A_464 = vector.broadcast %parallel_loop3A_463 : i32 to vector<16xi32>
          %parallel_loop3A_465 = arith.andi %parallel_loop3A_462, %parallel_loop3A_464 : vector<16xi32>
          %parallel_loop3A_466 = arith.constant 0 : i32
          %parallel_loop3A_467 = arith.constant 0 : i32
          %parallel_loop3A_468 = tpu.memref_slice %arg5[%parallel_loop3A_403, %parallel_loop3A_466, %parallel_loop3A_467] : memref<6x64x128xf32, #tpu.memory_space<vmem>> -> memref<1x64x128xf32, #tpu.memory_space<vmem>>
          %parallel_loop3A_469 = tpu.memref_squeeze %parallel_loop3A_468 : memref<1x64x128xf32, #tpu.memory_space<vmem>> -> memref<64x128xf32, #tpu.memory_space<vmem>>
          tpu.vector_store_idx %parallel_loop3A_469[%add3A_387, %parallel_loop3A_465], %parallel_loop3A_460 : memref<64x128xf32, #tpu.memory_space<vmem>>[vector<16xi32>, vector<16xi32>], vector<16xf32>,
          %parallel_loop3A_470 = arith.constant 64 : i32
          %parallel_loop3A_471 = vector.broadcast %parallel_loop3A_470 : i32 to vector<16xi32>
          %parallel_loop3A_472 = arith.addi %parallel_loop3A_435, %parallel_loop3A_471 : vector<16xi32>
          %parallel_loop3A_473 = arith.constant 0 : i32
          %parallel_loop3A_474 = arith.constant 0 : i32
          %parallel_loop3A_475 = tpu.memref_slice %arg4[%parallel_loop3A_402, %parallel_loop3A_473, %parallel_loop3A_474] : memref<6x64x128xf32, #tpu.memory_space<vmem>> -> memref<1x64x128xf32, #tpu.memory_space<vmem>>
          %parallel_loop3A_476 = tpu.memref_squeeze %parallel_loop3A_475 : memref<1x64x128xf32, #tpu.memory_space<vmem>> -> memref<64x128xf32, #tpu.memory_space<vmem>>
          %parallel_loop3A_477 = tpu.vector_load_idx %parallel_loop3A_476[%parallel_loop3A_431, %parallel_loop3A_472] : memref<64x128xf32, #tpu.memory_space<vmem>>[vector<16xi32>, vector<16xi32>], vector<16xf32>,
          %parallel_loop3A_478 = vector.broadcast %parallel_loop3A_428 : i32 to vector<16xi32>
          %parallel_loop3A_479 = arith.addi %add3A_391, %parallel_loop3A_478 : vector<16xi32>
          %parallel_loop3A_480 = arith.constant 127 : i32
          %parallel_loop3A_481 = vector.broadcast %parallel_loop3A_480 : i32 to vector<16xi32>
          %parallel_loop3A_482 = arith.andi %parallel_loop3A_479, %parallel_loop3A_481 : vector<16xi32>
          %parallel_loop3A_483 = arith.constant 0 : i32
          %parallel_loop3A_484 = arith.constant 0 : i32
          %parallel_loop3A_485 = tpu.memref_slice %arg5[%parallel_loop3A_403, %parallel_loop3A_483, %parallel_loop3A_484] : memref<6x64x128xf32, #tpu.memory_space<vmem>> -> memref<1x64x128xf32, #tpu.memory_space<vmem>>
          %parallel_loop3A_486 = tpu.memref_squeeze %parallel_loop3A_485 : memref<1x64x128xf32, #tpu.memory_space<vmem>> -> memref<64x128xf32, #tpu.memory_space<vmem>>
          tpu.vector_store_idx %parallel_loop3A_486[%add3A_391, %parallel_loop3A_482], %parallel_loop3A_477 : memref<64x128xf32, #tpu.memory_space<vmem>>[vector<16xi32>, vector<16xi32>], vector<16xf32>,
          %parallel_loop3A_487 = arith.constant 96 : i32
          %parallel_loop3A_488 = vector.broadcast %parallel_loop3A_487 : i32 to vector<16xi32>
          %parallel_loop3A_489 = arith.addi %parallel_loop3A_435, %parallel_loop3A_488 : vector<16xi32>
          %parallel_loop3A_490 = arith.constant 0 : i32
          %parallel_loop3A_491 = arith.constant 0 : i32
          %parallel_loop3A_492 = tpu.memref_slice %arg4[%parallel_loop3A_402, %parallel_loop3A_490, %parallel_loop3A_491] : memref<6x64x128xf32, #tpu.memory_space<vmem>> -> memref<1x64x128xf32, #tpu.memory_space<vmem>>
          %parallel_loop3A_493 = tpu.memref_squeeze %parallel_loop3A_492 : memref<1x64x128xf32, #tpu.memory_space<vmem>> -> memref<64x128xf32, #tpu.memory_space<vmem>>
          %parallel_loop3A_494 = tpu.vector_load_idx %parallel_loop3A_493[%parallel_loop3A_431, %parallel_loop3A_489] : memref<64x128xf32, #tpu.memory_space<vmem>>[vector<16xi32>, vector<16xi32>], vector<16xf32>,
          %parallel_loop3A_495 = vector.broadcast %parallel_loop3A_428 : i32 to vector<16xi32>
          %parallel_loop3A_496 = arith.addi %add3A_395, %parallel_loop3A_495 : vector<16xi32>
          %parallel_loop3A_497 = arith.constant 127 : i32
          %parallel_loop3A_498 = vector.broadcast %parallel_loop3A_497 : i32 to vector<16xi32>
          %parallel_loop3A_499 = arith.andi %parallel_loop3A_496, %parallel_loop3A_498 : vector<16xi32>
          %parallel_loop3A_500 = arith.constant 0 : i32
          %parallel_loop3A_501 = arith.constant 0 : i32
          %parallel_loop3A_502 = tpu.memref_slice %arg5[%parallel_loop3A_403, %parallel_loop3A_500, %parallel_loop3A_501] : memref<6x64x128xf32, #tpu.memory_space<vmem>> -> memref<1x64x128xf32, #tpu.memory_space<vmem>>
          %parallel_loop3A_503 = tpu.memref_squeeze %parallel_loop3A_502 : memref<1x64x128xf32, #tpu.memory_space<vmem>> -> memref<64x128xf32, #tpu.memory_space<vmem>>
          tpu.vector_store_idx %parallel_loop3A_503[%add3A_395, %parallel_loop3A_499], %parallel_loop3A_494 : memref<64x128xf32, #tpu.memory_space<vmem>>[vector<16xi32>, vector<16xi32>], vector<16xf32>,
        } {sc.loop_unroll_factor = 4 : i64, sc.parallel_access}
        %mul3A_404 = arith.constant 64 : i32
        %mul3A_405 = arith.muli %mul3A_404, %add3A_327 : i32
        %dma_start3A_406 = arith.constant 2 : i32
        %dma_start3A_407 = arith.constant 2 : i32
        %dma_start3A_408 = arith.constant 0 : i32
        %dma_start3A_409 = arith.constant 0 : i32
        %dma_start3A_410 = tpu.memref_slice %arg5[%dma_start3A_406, %dma_start3A_408, %dma_start3A_409] : memref<6x64x128xf32, #tpu.memory_space<vmem>> -> memref<1x64x128xf32, #tpu.memory_space<vmem>>
        %dma_start3A_411 = tpu.memref_squeeze %dma_start3A_410 : memref<1x64x128xf32, #tpu.memory_space<vmem>> -> memref<64x128xf32, #tpu.memory_space<vmem>>
        %dma_start3A_412 = arith.constant 0 : i32
        %dma_start3A_413 = tpu.memref_slice %arg3[%mul3A_405, %dma_start3A_412] : memref<500000x128xf32, #tpu.memory_space<hbm>> -> memref<64x128xf32, #tpu.memory_space<hbm>>
        %dma_start3A_414 = tpu.memref_slice %arg9[%dma_start3A_407] : memref<6x!tpu.dma_semaphore, #tpu.memory_space<semaphore_mem>> -> memref<1x!tpu.dma_semaphore, #tpu.memory_space<semaphore_mem>>
        %dma_start3A_415 = tpu.memref_squeeze %dma_start3A_414 : memref<1x!tpu.dma_semaphore, #tpu.memory_space<semaphore_mem>> -> memref<!tpu.dma_semaphore, #tpu.memory_space<semaphore_mem>>
        %dma_start3A_416 = arith.constant 0 : i32
        %dma_start3A_417 = tpu.memref_slice %arg3[%mul3A_405, %dma_start3A_416] : memref<500000x128xf32, #tpu.memory_space<hbm>> -> memref<64x128xf32, #tpu.memory_space<hbm>>
        %dma_start3A_418 = arith.constant 0 : i32
        %dma_start3A_419 = arith.constant 0 : i32
        %dma_start3A_420 = tpu.memref_slice %arg5[%dma_start3A_406, %dma_start3A_418, %dma_start3A_419] : memref<6x64x128xf32, #tpu.memory_space<vmem>> -> memref<1x64x128xf32, #tpu.memory_space<vmem>>
        %dma_start3A_421 = tpu.memref_squeeze %dma_start3A_420 : memref<1x64x128xf32, #tpu.memory_space<vmem>> -> memref<64x128xf32, #tpu.memory_space<vmem>>
        tpu.enqueue_dma source(%dma_start3A_421 : memref<64x128xf32, #tpu.memory_space<vmem>>) target(%dma_start3A_417 : memref<64x128xf32, #tpu.memory_space<hbm>>) target_semaphore(%dma_start3A_415 : memref<!tpu.dma_semaphore, #tpu.memory_space<semaphore_mem>>)
        %add3A_422 = arith.constant 6 : i32
        %add3A_423 = arith.addi %add3A_327, %add3A_422 : i32
        %lt3A_424 = arith.cmpi slt, %add3A_423, %add3A_10 : i32
        %convert_element_type3A_425 = arith.extui %lt3A_424 : i1 to i32
        %cond3A_426 = arith.constant 0 : i32
        %cond3A_427 = arith.cmpi ne, %convert_element_type3A_425, %cond3A_426 : i32
        scf.if %cond3A_427 {
          %add3A_428 = arith.constant 6 : i32
          %add3A_429 = arith.addi %add3A_327, %add3A_428 : i32
          %mul3A_430 = arith.constant 128 : i32
          %mul3A_431 = arith.muli %mul3A_430, %add3A_429 : i32
          %dma_start3A_432 = arith.constant 2 : i32
          %dma_start3A_433 = arith.constant 2 : i32
          %dma_start3A_434 = arith.constant 0 : i32
          %dma_start3A_435 = arith.constant 0 : i32
          %dma_start3A_436 = tpu.memref_slice %arg4[%dma_start3A_432, %dma_start3A_434, %dma_start3A_435] : memref<6x64x128xf32, #tpu.memory_space<vmem>> -> memref<1x64x128xf32, #tpu.memory_space<vmem>>
          %dma_start3A_437 = tpu.memref_squeeze %dma_start3A_436 : memref<1x64x128xf32, #tpu.memory_space<vmem>> -> memref<64x128xf32, #tpu.memory_space<vmem>>
          %dma_start3A_438 = arith.constant 0 : i32
          %dma_start3A_439 = tpu.memref_slice %arg2[%dma_start3A_438, %mul3A_431] : memref<64x1000000xf32, #tpu.memory_space<hbm>> -> memref<64x128xf32, #tpu.memory_space<hbm>>
          %dma_start3A_440 = tpu.memref_slice %arg8[%dma_start3A_433] : memref<6x!tpu.dma_semaphore, #tpu.memory_space<semaphore_mem>> -> memref<1x!tpu.dma_semaphore, #tpu.memory_space<semaphore_mem>>
          %dma_start3A_441 = tpu.memref_squeeze %dma_start3A_440 : memref<1x!tpu.dma_semaphore, #tpu.memory_space<semaphore_mem>> -> memref<!tpu.dma_semaphore, #tpu.memory_space<semaphore_mem>>
          %dma_start3A_442 = arith.constant 0 : i32
          %dma_start3A_443 = arith.constant 0 : i32
          %dma_start3A_444 = tpu.memref_slice %arg4[%dma_start3A_432, %dma_start3A_442, %dma_start3A_443] : memref<6x64x128xf32, #tpu.memory_space<vmem>> -> memref<1x64x128xf32, #tpu.memory_space<vmem>>
          %dma_start3A_445 = tpu.memref_squeeze %dma_start3A_444 : memref<1x64x128xf32, #tpu.memory_space<vmem>> -> memref<64x128xf32, #tpu.memory_space<vmem>>
          %dma_start3A_446 = arith.constant 0 : i32
          %dma_start3A_447 = tpu.memref_slice %arg2[%dma_start3A_446, %mul3A_431] : memref<64x1000000xf32, #tpu.memory_space<hbm>> -> memref<64x128xf32, #tpu.memory_space<hbm>>
          tpu.enqueue_dma source(%dma_start3A_447 : memref<64x128xf32, #tpu.memory_space<hbm>>) target(%dma_start3A_445 : memref<64x128xf32, #tpu.memory_space<vmem>>) target_semaphore(%dma_start3A_441 : memref<!tpu.dma_semaphore, #tpu.memory_space<semaphore_mem>>)
        } else {
        }
      } else {
      }
      %mul3A_332 = arith.constant 6 : i32
      %mul3A_333 = arith.muli %mul3A_332, %scan3A_304 : i32
      %add3A_334 = arith.addi %add3A_4, %mul3A_333 : i32
      %add3A_335 = arith.constant 3 : i32
      %add3A_336 = arith.addi %add3A_334, %add3A_335 : i32
      %lt3A_337 = arith.cmpi slt, %add3A_336, %add3A_10 : i32
      %convert_element_type3A_338 = arith.extui %lt3A_337 : i1 to i32
      %cond3A_339 = arith.constant 0 : i32
      %cond3A_340 = arith.cmpi ne, %convert_element_type3A_338, %cond3A_339 : i32
      scf.if %cond3A_340 {
        %mul3A_359 = arith.constant 128 : i32
        %mul3A_360 = arith.muli %mul3A_359, %add3A_336 : i32
        %dma_wait3A_361 = arith.constant 3 : i32
        %dma_wait3A_362 = arith.constant 3 : i32
        %dma_wait3A_363 = arith.constant 0 : i32
        %dma_wait3A_364 = arith.constant 0 : i32
        %dma_wait3A_365 = tpu.memref_slice %arg4[%dma_wait3A_361, %dma_wait3A_363, %dma_wait3A_364] : memref<6x64x128xf32, #tpu.memory_space<vmem>> -> memref<1x64x128xf32, #tpu.memory_space<vmem>>
        %dma_wait3A_366 = tpu.memref_squeeze %dma_wait3A_365 : memref<1x64x128xf32, #tpu.memory_space<vmem>> -> memref<64x128xf32, #tpu.memory_space<vmem>>
        %dma_wait3A_367 = arith.constant 0 : i32
        %dma_wait3A_368 = tpu.memref_slice %arg2[%dma_wait3A_367, %mul3A_360] : memref<64x1000000xf32, #tpu.memory_space<hbm>> -> memref<64x128xf32, #tpu.memory_space<hbm>>
        %dma_wait3A_369 = tpu.memref_slice %arg8[%dma_wait3A_362] : memref<6x!tpu.dma_semaphore, #tpu.memory_space<semaphore_mem>> -> memref<1x!tpu.dma_semaphore, #tpu.memory_space<semaphore_mem>>
        %dma_wait3A_370 = tpu.memref_squeeze %dma_wait3A_369 : memref<1x!tpu.dma_semaphore, #tpu.memory_space<semaphore_mem>> -> memref<!tpu.dma_semaphore, #tpu.memory_space<semaphore_mem>>
        %dma_wait3A_371 = arith.constant 0 : i32
        %dma_wait3A_372 = arith.constant 0 : i32
        %dma_wait3A_373 = tpu.memref_slice %arg4[%dma_wait3A_361, %dma_wait3A_371, %dma_wait3A_372] : memref<6x64x128xf32, #tpu.memory_space<vmem>> -> memref<1x64x128xf32, #tpu.memory_space<vmem>>
        %dma_wait3A_374 = tpu.memref_squeeze %dma_wait3A_373 : memref<1x64x128xf32, #tpu.memory_space<vmem>> -> memref<64x128xf32, #tpu.memory_space<vmem>>
        %dma_wait3A_375 = arith.constant 0 : i32
        %dma_wait3A_376 = tpu.memref_slice %arg2[%dma_wait3A_375, %mul3A_360] : memref<64x1000000xf32, #tpu.memory_space<hbm>> -> memref<64x128xf32, #tpu.memory_space<hbm>>
        tpu.wait_dma2 semaphore(%dma_wait3A_370 : memref<!tpu.dma_semaphore, #tpu.memory_space<semaphore_mem>>) src(%dma_wait3A_376 : memref<64x128xf32, #tpu.memory_space<hbm>>) dst(%dma_wait3A_374 : memref<64x128xf32, #tpu.memory_space<vmem>>)
        %gt3A = arith.constant 0 : i32
        %gt3A_377 = arith.cmpi sgt, %scan3A_304, %gt3A : i32
        %convert_element_type3A_378 = arith.extui %gt3A_377 : i1 to i32
        %cond3A_379 = arith.constant 0 : i32
        %cond3A_380 = arith.cmpi ne, %convert_element_type3A_378, %cond3A_379 : i32
        scf.if %cond3A_380 {
          %sub3A_428 = arith.constant 6 : i32
          %sub3A_429 = arith.subi %add3A_336, %sub3A_428 : i32
          %mul3A_430 = arith.constant 64 : i32
          %mul3A_431 = arith.muli %mul3A_430, %sub3A_429 : i32
          %dma_wait3A_432 = arith.constant 3 : i32
          %dma_wait3A_433 = arith.constant 3 : i32
          %dma_wait3A_434 = arith.constant 0 : i32
          %dma_wait3A_435 = arith.constant 0 : i32
          %dma_wait3A_436 = tpu.memref_slice %arg5[%dma_wait3A_432, %dma_wait3A_434, %dma_wait3A_435] : memref<6x64x128xf32, #tpu.memory_space<vmem>> -> memref<1x64x128xf32, #tpu.memory_space<vmem>>
          %dma_wait3A_437 = tpu.memref_squeeze %dma_wait3A_436 : memref<1x64x128xf32, #tpu.memory_space<vmem>> -> memref<64x128xf32, #tpu.memory_space<vmem>>
          %dma_wait3A_438 = arith.constant 0 : i32
          %dma_wait3A_439 = tpu.memref_slice %arg3[%mul3A_431, %dma_wait3A_438] : memref<500000x128xf32, #tpu.memory_space<hbm>> -> memref<64x128xf32, #tpu.memory_space<hbm>>
          %dma_wait3A_440 = tpu.memref_slice %arg9[%dma_wait3A_433] : memref<6x!tpu.dma_semaphore, #tpu.memory_space<semaphore_mem>> -> memref<1x!tpu.dma_semaphore, #tpu.memory_space<semaphore_mem>>
          %dma_wait3A_441 = tpu.memref_squeeze %dma_wait3A_440 : memref<1x!tpu.dma_semaphore, #tpu.memory_space<semaphore_mem>> -> memref<!tpu.dma_semaphore, #tpu.memory_space<semaphore_mem>>
          %dma_wait3A_442 = arith.constant 0 : i32
          %dma_wait3A_443 = tpu.memref_slice %arg3[%mul3A_431, %dma_wait3A_442] : memref<500000x128xf32, #tpu.memory_space<hbm>> -> memref<64x128xf32, #tpu.memory_space<hbm>>
          %dma_wait3A_444 = arith.constant 0 : i32
          %dma_wait3A_445 = arith.constant 0 : i32
          %dma_wait3A_446 = tpu.memref_slice %arg5[%dma_wait3A_432, %dma_wait3A_444, %dma_wait3A_445] : memref<6x64x128xf32, #tpu.memory_space<vmem>> -> memref<1x64x128xf32, #tpu.memory_space<vmem>>
          %dma_wait3A_447 = tpu.memref_squeeze %dma_wait3A_446 : memref<1x64x128xf32, #tpu.memory_space<vmem>> -> memref<64x128xf32, #tpu.memory_space<vmem>>
          tpu.wait_dma2 semaphore(%dma_wait3A_441 : memref<!tpu.dma_semaphore, #tpu.memory_space<semaphore_mem>>) src(%dma_wait3A_447 : memref<64x128xf32, #tpu.memory_space<vmem>>) dst(%dma_wait3A_443 : memref<64x128xf32, #tpu.memory_space<hbm>>)
        } else {
        }
        %iota3A = tpu.iota {dimensions = array<i32: 0>} : vector<16xi32>
        %add3A_381 = arith.constant 0 : i32
        %add3A_382 = vector.broadcast %add3A_381 : i32 to vector<16xi32>
        %add3A_383 = arith.addi %iota3A, %add3A_382 : vector<16xi32>
        %iota3A_384 = tpu.iota {dimensions = array<i32: 0>} : vector<16xi32>
        %add3A_385 = arith.constant 16 : i32
        %add3A_386 = vector.broadcast %add3A_385 : i32 to vector<16xi32>
        %add3A_387 = arith.addi %iota3A_384, %add3A_386 : vector<16xi32>
        %iota3A_388 = tpu.iota {dimensions = array<i32: 0>} : vector<16xi32>
        %add3A_389 = arith.constant 32 : i32
        %add3A_390 = vector.broadcast %add3A_389 : i32 to vector<16xi32>
        %add3A_391 = arith.addi %iota3A_388, %add3A_390 : vector<16xi32>
        %iota3A_392 = tpu.iota {dimensions = array<i32: 0>} : vector<16xi32>
        %add3A_393 = arith.constant 48 : i32
        %add3A_394 = vector.broadcast %add3A_393 : i32 to vector<16xi32>
        %add3A_395 = arith.addi %iota3A_392, %add3A_394 : vector<16xi32>
        %iota3A_396 = tpu.iota {dimensions = array<i32: 0>} : vector<16xi32>
        %mul3A_397 = arith.constant 2 : i32
        %mul3A_398 = vector.broadcast %mul3A_397 : i32 to vector<16xi32>
        %mul3A_399 = arith.muli %iota3A_396, %mul3A_398 : vector<16xi32>
        %parallel_loop3A = arith.constant 0 : i32
        %parallel_loop3A_400 = arith.constant 128 : i32
        %parallel_loop3A_401 = arith.constant 1 : i32
        %parallel_loop3A_402 = arith.constant 3 : i32
        %parallel_loop3A_403 = arith.constant 3 : i32
        scf.for %parallel_loop3A_428 = %parallel_loop3A to %parallel_loop3A_400 step %parallel_loop3A_401  : i32 {
          %parallel_loop3A_429 = arith.constant 63 : i32
          %parallel_loop3A_430 = arith.andi %parallel_loop3A_428, %parallel_loop3A_429 : i32
          %parallel_loop3A_431 = vector.broadcast %parallel_loop3A_430 : i32 to vector<16xi32>
          %parallel_loop3A_432 = arith.constant 6 : i32
          %parallel_loop3A_433 = arith.shrui %parallel_loop3A_428, %parallel_loop3A_432 : i32
          %parallel_loop3A_434 = vector.broadcast %parallel_loop3A_433 : i32 to vector<16xi32>
          %parallel_loop3A_435 = arith.addi %mul3A_399, %parallel_loop3A_434 : vector<16xi32>
          %parallel_loop3A_436 = arith.constant 0 : i32
          %parallel_loop3A_437 = vector.broadcast %parallel_loop3A_436 : i32 to vector<16xi32>
          %parallel_loop3A_438 = arith.addi %parallel_loop3A_435, %parallel_loop3A_437 : vector<16xi32>
          %parallel_loop3A_439 = arith.constant 0 : i32
          %parallel_loop3A_440 = arith.constant 0 : i32
          %parallel_loop3A_441 = tpu.memref_slice %arg4[%parallel_loop3A_402, %parallel_loop3A_439, %parallel_loop3A_440] : memref<6x64x128xf32, #tpu.memory_space<vmem>> -> memref<1x64x128xf32, #tpu.memory_space<vmem>>
          %parallel_loop3A_442 = tpu.memref_squeeze %parallel_loop3A_441 : memref<1x64x128xf32, #tpu.memory_space<vmem>> -> memref<64x128xf32, #tpu.memory_space<vmem>>
          %parallel_loop3A_443 = tpu.vector_load_idx %parallel_loop3A_442[%parallel_loop3A_431, %parallel_loop3A_438] : memref<64x128xf32, #tpu.memory_space<vmem>>[vector<16xi32>, vector<16xi32>], vector<16xf32>,
          %parallel_loop3A_444 = vector.broadcast %parallel_loop3A_428 : i32 to vector<16xi32>
          %parallel_loop3A_445 = arith.addi %add3A_383, %parallel_loop3A_444 : vector<16xi32>
          %parallel_loop3A_446 = arith.constant 127 : i32
          %parallel_loop3A_447 = vector.broadcast %parallel_loop3A_446 : i32 to vector<16xi32>
          %parallel_loop3A_448 = arith.andi %parallel_loop3A_445, %parallel_loop3A_447 : vector<16xi32>
          %parallel_loop3A_449 = arith.constant 0 : i32
          %parallel_loop3A_450 = arith.constant 0 : i32
          %parallel_loop3A_451 = tpu.memref_slice %arg5[%parallel_loop3A_403, %parallel_loop3A_449, %parallel_loop3A_450] : memref<6x64x128xf32, #tpu.memory_space<vmem>> -> memref<1x64x128xf32, #tpu.memory_space<vmem>>
          %parallel_loop3A_452 = tpu.memref_squeeze %parallel_loop3A_451 : memref<1x64x128xf32, #tpu.memory_space<vmem>> -> memref<64x128xf32, #tpu.memory_space<vmem>>
          tpu.vector_store_idx %parallel_loop3A_452[%add3A_383, %parallel_loop3A_448], %parallel_loop3A_443 : memref<64x128xf32, #tpu.memory_space<vmem>>[vector<16xi32>, vector<16xi32>], vector<16xf32>,
          %parallel_loop3A_453 = arith.constant 32 : i32
          %parallel_loop3A_454 = vector.broadcast %parallel_loop3A_453 : i32 to vector<16xi32>
          %parallel_loop3A_455 = arith.addi %parallel_loop3A_435, %parallel_loop3A_454 : vector<16xi32>
          %parallel_loop3A_456 = arith.constant 0 : i32
          %parallel_loop3A_457 = arith.constant 0 : i32
          %parallel_loop3A_458 = tpu.memref_slice %arg4[%parallel_loop3A_402, %parallel_loop3A_456, %parallel_loop3A_457] : memref<6x64x128xf32, #tpu.memory_space<vmem>> -> memref<1x64x128xf32, #tpu.memory_space<vmem>>
          %parallel_loop3A_459 = tpu.memref_squeeze %parallel_loop3A_458 : memref<1x64x128xf32, #tpu.memory_space<vmem>> -> memref<64x128xf32, #tpu.memory_space<vmem>>
          %parallel_loop3A_460 = tpu.vector_load_idx %parallel_loop3A_459[%parallel_loop3A_431, %parallel_loop3A_455] : memref<64x128xf32, #tpu.memory_space<vmem>>[vector<16xi32>, vector<16xi32>], vector<16xf32>,
          %parallel_loop3A_461 = vector.broadcast %parallel_loop3A_428 : i32 to vector<16xi32>
          %parallel_loop3A_462 = arith.addi %add3A_387, %parallel_loop3A_461 : vector<16xi32>
          %parallel_loop3A_463 = arith.constant 127 : i32
          %parallel_loop3A_464 = vector.broadcast %parallel_loop3A_463 : i32 to vector<16xi32>
          %parallel_loop3A_465 = arith.andi %parallel_loop3A_462, %parallel_loop3A_464 : vector<16xi32>
          %parallel_loop3A_466 = arith.constant 0 : i32
          %parallel_loop3A_467 = arith.constant 0 : i32
          %parallel_loop3A_468 = tpu.memref_slice %arg5[%parallel_loop3A_403, %parallel_loop3A_466, %parallel_loop3A_467] : memref<6x64x128xf32, #tpu.memory_space<vmem>> -> memref<1x64x128xf32, #tpu.memory_space<vmem>>
          %parallel_loop3A_469 = tpu.memref_squeeze %parallel_loop3A_468 : memref<1x64x128xf32, #tpu.memory_space<vmem>> -> memref<64x128xf32, #tpu.memory_space<vmem>>
          tpu.vector_store_idx %parallel_loop3A_469[%add3A_387, %parallel_loop3A_465], %parallel_loop3A_460 : memref<64x128xf32, #tpu.memory_space<vmem>>[vector<16xi32>, vector<16xi32>], vector<16xf32>,
          %parallel_loop3A_470 = arith.constant 64 : i32
          %parallel_loop3A_471 = vector.broadcast %parallel_loop3A_470 : i32 to vector<16xi32>
          %parallel_loop3A_472 = arith.addi %parallel_loop3A_435, %parallel_loop3A_471 : vector<16xi32>
          %parallel_loop3A_473 = arith.constant 0 : i32
          %parallel_loop3A_474 = arith.constant 0 : i32
          %parallel_loop3A_475 = tpu.memref_slice %arg4[%parallel_loop3A_402, %parallel_loop3A_473, %parallel_loop3A_474] : memref<6x64x128xf32, #tpu.memory_space<vmem>> -> memref<1x64x128xf32, #tpu.memory_space<vmem>>
          %parallel_loop3A_476 = tpu.memref_squeeze %parallel_loop3A_475 : memref<1x64x128xf32, #tpu.memory_space<vmem>> -> memref<64x128xf32, #tpu.memory_space<vmem>>
          %parallel_loop3A_477 = tpu.vector_load_idx %parallel_loop3A_476[%parallel_loop3A_431, %parallel_loop3A_472] : memref<64x128xf32, #tpu.memory_space<vmem>>[vector<16xi32>, vector<16xi32>], vector<16xf32>,
          %parallel_loop3A_478 = vector.broadcast %parallel_loop3A_428 : i32 to vector<16xi32>
          %parallel_loop3A_479 = arith.addi %add3A_391, %parallel_loop3A_478 : vector<16xi32>
          %parallel_loop3A_480 = arith.constant 127 : i32
          %parallel_loop3A_481 = vector.broadcast %parallel_loop3A_480 : i32 to vector<16xi32>
          %parallel_loop3A_482 = arith.andi %parallel_loop3A_479, %parallel_loop3A_481 : vector<16xi32>
          %parallel_loop3A_483 = arith.constant 0 : i32
          %parallel_loop3A_484 = arith.constant 0 : i32
          %parallel_loop3A_485 = tpu.memref_slice %arg5[%parallel_loop3A_403, %parallel_loop3A_483, %parallel_loop3A_484] : memref<6x64x128xf32, #tpu.memory_space<vmem>> -> memref<1x64x128xf32, #tpu.memory_space<vmem>>
          %parallel_loop3A_486 = tpu.memref_squeeze %parallel_loop3A_485 : memref<1x64x128xf32, #tpu.memory_space<vmem>> -> memref<64x128xf32, #tpu.memory_space<vmem>>
          tpu.vector_store_idx %parallel_loop3A_486[%add3A_391, %parallel_loop3A_482], %parallel_loop3A_477 : memref<64x128xf32, #tpu.memory_space<vmem>>[vector<16xi32>, vector<16xi32>], vector<16xf32>,
          %parallel_loop3A_487 = arith.constant 96 : i32
          %parallel_loop3A_488 = vector.broadcast %parallel_loop3A_487 : i32 to vector<16xi32>
          %parallel_loop3A_489 = arith.addi %parallel_loop3A_435, %parallel_loop3A_488 : vector<16xi32>
          %parallel_loop3A_490 = arith.constant 0 : i32
          %parallel_loop3A_491 = arith.constant 0 : i32
          %parallel_loop3A_492 = tpu.memref_slice %arg4[%parallel_loop3A_402, %parallel_loop3A_490, %parallel_loop3A_491] : memref<6x64x128xf32, #tpu.memory_space<vmem>> -> memref<1x64x128xf32, #tpu.memory_space<vmem>>
          %parallel_loop3A_493 = tpu.memref_squeeze %parallel_loop3A_492 : memref<1x64x128xf32, #tpu.memory_space<vmem>> -> memref<64x128xf32, #tpu.memory_space<vmem>>
          %parallel_loop3A_494 = tpu.vector_load_idx %parallel_loop3A_493[%parallel_loop3A_431, %parallel_loop3A_489] : memref<64x128xf32, #tpu.memory_space<vmem>>[vector<16xi32>, vector<16xi32>], vector<16xf32>,
          %parallel_loop3A_495 = vector.broadcast %parallel_loop3A_428 : i32 to vector<16xi32>
          %parallel_loop3A_496 = arith.addi %add3A_395, %parallel_loop3A_495 : vector<16xi32>
          %parallel_loop3A_497 = arith.constant 127 : i32
          %parallel_loop3A_498 = vector.broadcast %parallel_loop3A_497 : i32 to vector<16xi32>
          %parallel_loop3A_499 = arith.andi %parallel_loop3A_496, %parallel_loop3A_498 : vector<16xi32>
          %parallel_loop3A_500 = arith.constant 0 : i32
          %parallel_loop3A_501 = arith.constant 0 : i32
          %parallel_loop3A_502 = tpu.memref_slice %arg5[%parallel_loop3A_403, %parallel_loop3A_500, %parallel_loop3A_501] : memref<6x64x128xf32, #tpu.memory_space<vmem>> -> memref<1x64x128xf32, #tpu.memory_space<vmem>>
          %parallel_loop3A_503 = tpu.memref_squeeze %parallel_loop3A_502 : memref<1x64x128xf32, #tpu.memory_space<vmem>> -> memref<64x128xf32, #tpu.memory_space<vmem>>
          tpu.vector_store_idx %parallel_loop3A_503[%add3A_395, %parallel_loop3A_499], %parallel_loop3A_494 : memref<64x128xf32, #tpu.memory_space<vmem>>[vector<16xi32>, vector<16xi32>], vector<16xf32>,
        } {sc.loop_unroll_factor = 4 : i64, sc.parallel_access}
        %mul3A_404 = arith.constant 64 : i32
        %mul3A_405 = arith.muli %mul3A_404, %add3A_336 : i32
        %dma_start3A_406 = arith.constant 3 : i32
        %dma_start3A_407 = arith.constant 3 : i32
        %dma_start3A_408 = arith.constant 0 : i32
        %dma_start3A_409 = arith.constant 0 : i32
        %dma_start3A_410 = tpu.memref_slice %arg5[%dma_start3A_406, %dma_start3A_408, %dma_start3A_409] : memref<6x64x128xf32, #tpu.memory_space<vmem>> -> memref<1x64x128xf32, #tpu.memory_space<vmem>>
        %dma_start3A_411 = tpu.memref_squeeze %dma_start3A_410 : memref<1x64x128xf32, #tpu.memory_space<vmem>> -> memref<64x128xf32, #tpu.memory_space<vmem>>
        %dma_start3A_412 = arith.constant 0 : i32
        %dma_start3A_413 = tpu.memref_slice %arg3[%mul3A_405, %dma_start3A_412] : memref<500000x128xf32, #tpu.memory_space<hbm>> -> memref<64x128xf32, #tpu.memory_space<hbm>>
        %dma_start3A_414 = tpu.memref_slice %arg9[%dma_start3A_407] : memref<6x!tpu.dma_semaphore, #tpu.memory_space<semaphore_mem>> -> memref<1x!tpu.dma_semaphore, #tpu.memory_space<semaphore_mem>>
        %dma_start3A_415 = tpu.memref_squeeze %dma_start3A_414 : memref<1x!tpu.dma_semaphore, #tpu.memory_space<semaphore_mem>> -> memref<!tpu.dma_semaphore, #tpu.memory_space<semaphore_mem>>
        %dma_start3A_416 = arith.constant 0 : i32
        %dma_start3A_417 = tpu.memref_slice %arg3[%mul3A_405, %dma_start3A_416] : memref<500000x128xf32, #tpu.memory_space<hbm>> -> memref<64x128xf32, #tpu.memory_space<hbm>>
        %dma_start3A_418 = arith.constant 0 : i32
        %dma_start3A_419 = arith.constant 0 : i32
        %dma_start3A_420 = tpu.memref_slice %arg5[%dma_start3A_406, %dma_start3A_418, %dma_start3A_419] : memref<6x64x128xf32, #tpu.memory_space<vmem>> -> memref<1x64x128xf32, #tpu.memory_space<vmem>>
        %dma_start3A_421 = tpu.memref_squeeze %dma_start3A_420 : memref<1x64x128xf32, #tpu.memory_space<vmem>> -> memref<64x128xf32, #tpu.memory_space<vmem>>
        tpu.enqueue_dma source(%dma_start3A_421 : memref<64x128xf32, #tpu.memory_space<vmem>>) target(%dma_start3A_417 : memref<64x128xf32, #tpu.memory_space<hbm>>) target_semaphore(%dma_start3A_415 : memref<!tpu.dma_semaphore, #tpu.memory_space<semaphore_mem>>)
        %add3A_422 = arith.constant 6 : i32
        %add3A_423 = arith.addi %add3A_336, %add3A_422 : i32
        %lt3A_424 = arith.cmpi slt, %add3A_423, %add3A_10 : i32
        %convert_element_type3A_425 = arith.extui %lt3A_424 : i1 to i32
        %cond3A_426 = arith.constant 0 : i32
        %cond3A_427 = arith.cmpi ne, %convert_element_type3A_425, %cond3A_426 : i32
        scf.if %cond3A_427 {
          %add3A_428 = arith.constant 6 : i32
          %add3A_429 = arith.addi %add3A_336, %add3A_428 : i32
          %mul3A_430 = arith.constant 128 : i32
          %mul3A_431 = arith.muli %mul3A_430, %add3A_429 : i32
          %dma_start3A_432 = arith.constant 3 : i32
          %dma_start3A_433 = arith.constant 3 : i32
          %dma_start3A_434 = arith.constant 0 : i32
          %dma_start3A_435 = arith.constant 0 : i32
          %dma_start3A_436 = tpu.memref_slice %arg4[%dma_start3A_432, %dma_start3A_434, %dma_start3A_435] : memref<6x64x128xf32, #tpu.memory_space<vmem>> -> memref<1x64x128xf32, #tpu.memory_space<vmem>>
          %dma_start3A_437 = tpu.memref_squeeze %dma_start3A_436 : memref<1x64x128xf32, #tpu.memory_space<vmem>> -> memref<64x128xf32, #tpu.memory_space<vmem>>
          %dma_start3A_438 = arith.constant 0 : i32
          %dma_start3A_439 = tpu.memref_slice %arg2[%dma_start3A_438, %mul3A_431] : memref<64x1000000xf32, #tpu.memory_space<hbm>> -> memref<64x128xf32, #tpu.memory_space<hbm>>
          %dma_start3A_440 = tpu.memref_slice %arg8[%dma_start3A_433] : memref<6x!tpu.dma_semaphore, #tpu.memory_space<semaphore_mem>> -> memref<1x!tpu.dma_semaphore, #tpu.memory_space<semaphore_mem>>
          %dma_start3A_441 = tpu.memref_squeeze %dma_start3A_440 : memref<1x!tpu.dma_semaphore, #tpu.memory_space<semaphore_mem>> -> memref<!tpu.dma_semaphore, #tpu.memory_space<semaphore_mem>>
          %dma_start3A_442 = arith.constant 0 : i32
          %dma_start3A_443 = arith.constant 0 : i32
          %dma_start3A_444 = tpu.memref_slice %arg4[%dma_start3A_432, %dma_start3A_442, %dma_start3A_443] : memref<6x64x128xf32, #tpu.memory_space<vmem>> -> memref<1x64x128xf32, #tpu.memory_space<vmem>>
          %dma_start3A_445 = tpu.memref_squeeze %dma_start3A_444 : memref<1x64x128xf32, #tpu.memory_space<vmem>> -> memref<64x128xf32, #tpu.memory_space<vmem>>
          %dma_start3A_446 = arith.constant 0 : i32
          %dma_start3A_447 = tpu.memref_slice %arg2[%dma_start3A_446, %mul3A_431] : memref<64x1000000xf32, #tpu.memory_space<hbm>> -> memref<64x128xf32, #tpu.memory_space<hbm>>
          tpu.enqueue_dma source(%dma_start3A_447 : memref<64x128xf32, #tpu.memory_space<hbm>>) target(%dma_start3A_445 : memref<64x128xf32, #tpu.memory_space<vmem>>) target_semaphore(%dma_start3A_441 : memref<!tpu.dma_semaphore, #tpu.memory_space<semaphore_mem>>)
        } else {
        }
      } else {
      }
      %mul3A_341 = arith.constant 6 : i32
      %mul3A_342 = arith.muli %mul3A_341, %scan3A_304 : i32
      %add3A_343 = arith.addi %add3A_4, %mul3A_342 : i32
      %add3A_344 = arith.constant 4 : i32
      %add3A_345 = arith.addi %add3A_343, %add3A_344 : i32
      %lt3A_346 = arith.cmpi slt, %add3A_345, %add3A_10 : i32
      %convert_element_type3A_347 = arith.extui %lt3A_346 : i1 to i32
      %cond3A_348 = arith.constant 0 : i32
      %cond3A_349 = arith.cmpi ne, %convert_element_type3A_347, %cond3A_348 : i32
      scf.if %cond3A_349 {
        %mul3A_359 = arith.constant 128 : i32
        %mul3A_360 = arith.muli %mul3A_359, %add3A_345 : i32
        %dma_wait3A_361 = arith.constant 4 : i32
        %dma_wait3A_362 = arith.constant 4 : i32
        %dma_wait3A_363 = arith.constant 0 : i32
        %dma_wait3A_364 = arith.constant 0 : i32
        %dma_wait3A_365 = tpu.memref_slice %arg4[%dma_wait3A_361, %dma_wait3A_363, %dma_wait3A_364] : memref<6x64x128xf32, #tpu.memory_space<vmem>> -> memref<1x64x128xf32, #tpu.memory_space<vmem>>
        %dma_wait3A_366 = tpu.memref_squeeze %dma_wait3A_365 : memref<1x64x128xf32, #tpu.memory_space<vmem>> -> memref<64x128xf32, #tpu.memory_space<vmem>>
        %dma_wait3A_367 = arith.constant 0 : i32
        %dma_wait3A_368 = tpu.memref_slice %arg2[%dma_wait3A_367, %mul3A_360] : memref<64x1000000xf32, #tpu.memory_space<hbm>> -> memref<64x128xf32, #tpu.memory_space<hbm>>
        %dma_wait3A_369 = tpu.memref_slice %arg8[%dma_wait3A_362] : memref<6x!tpu.dma_semaphore, #tpu.memory_space<semaphore_mem>> -> memref<1x!tpu.dma_semaphore, #tpu.memory_space<semaphore_mem>>
        %dma_wait3A_370 = tpu.memref_squeeze %dma_wait3A_369 : memref<1x!tpu.dma_semaphore, #tpu.memory_space<semaphore_mem>> -> memref<!tpu.dma_semaphore, #tpu.memory_space<semaphore_mem>>
        %dma_wait3A_371 = arith.constant 0 : i32
        %dma_wait3A_372 = arith.constant 0 : i32
        %dma_wait3A_373 = tpu.memref_slice %arg4[%dma_wait3A_361, %dma_wait3A_371, %dma_wait3A_372] : memref<6x64x128xf32, #tpu.memory_space<vmem>> -> memref<1x64x128xf32, #tpu.memory_space<vmem>>
        %dma_wait3A_374 = tpu.memref_squeeze %dma_wait3A_373 : memref<1x64x128xf32, #tpu.memory_space<vmem>> -> memref<64x128xf32, #tpu.memory_space<vmem>>
        %dma_wait3A_375 = arith.constant 0 : i32
        %dma_wait3A_376 = tpu.memref_slice %arg2[%dma_wait3A_375, %mul3A_360] : memref<64x1000000xf32, #tpu.memory_space<hbm>> -> memref<64x128xf32, #tpu.memory_space<hbm>>
        tpu.wait_dma2 semaphore(%dma_wait3A_370 : memref<!tpu.dma_semaphore, #tpu.memory_space<semaphore_mem>>) src(%dma_wait3A_376 : memref<64x128xf32, #tpu.memory_space<hbm>>) dst(%dma_wait3A_374 : memref<64x128xf32, #tpu.memory_space<vmem>>)
        %gt3A = arith.constant 0 : i32
        %gt3A_377 = arith.cmpi sgt, %scan3A_304, %gt3A : i32
        %convert_element_type3A_378 = arith.extui %gt3A_377 : i1 to i32
        %cond3A_379 = arith.constant 0 : i32
        %cond3A_380 = arith.cmpi ne, %convert_element_type3A_378, %cond3A_379 : i32
        scf.if %cond3A_380 {
          %sub3A_428 = arith.constant 6 : i32
          %sub3A_429 = arith.subi %add3A_345, %sub3A_428 : i32
          %mul3A_430 = arith.constant 64 : i32
          %mul3A_431 = arith.muli %mul3A_430, %sub3A_429 : i32
          %dma_wait3A_432 = arith.constant 4 : i32
          %dma_wait3A_433 = arith.constant 4 : i32
          %dma_wait3A_434 = arith.constant 0 : i32
          %dma_wait3A_435 = arith.constant 0 : i32
          %dma_wait3A_436 = tpu.memref_slice %arg5[%dma_wait3A_432, %dma_wait3A_434, %dma_wait3A_435] : memref<6x64x128xf32, #tpu.memory_space<vmem>> -> memref<1x64x128xf32, #tpu.memory_space<vmem>>
          %dma_wait3A_437 = tpu.memref_squeeze %dma_wait3A_436 : memref<1x64x128xf32, #tpu.memory_space<vmem>> -> memref<64x128xf32, #tpu.memory_space<vmem>>
          %dma_wait3A_438 = arith.constant 0 : i32
          %dma_wait3A_439 = tpu.memref_slice %arg3[%mul3A_431, %dma_wait3A_438] : memref<500000x128xf32, #tpu.memory_space<hbm>> -> memref<64x128xf32, #tpu.memory_space<hbm>>
          %dma_wait3A_440 = tpu.memref_slice %arg9[%dma_wait3A_433] : memref<6x!tpu.dma_semaphore, #tpu.memory_space<semaphore_mem>> -> memref<1x!tpu.dma_semaphore, #tpu.memory_space<semaphore_mem>>
          %dma_wait3A_441 = tpu.memref_squeeze %dma_wait3A_440 : memref<1x!tpu.dma_semaphore, #tpu.memory_space<semaphore_mem>> -> memref<!tpu.dma_semaphore, #tpu.memory_space<semaphore_mem>>
          %dma_wait3A_442 = arith.constant 0 : i32
          %dma_wait3A_443 = tpu.memref_slice %arg3[%mul3A_431, %dma_wait3A_442] : memref<500000x128xf32, #tpu.memory_space<hbm>> -> memref<64x128xf32, #tpu.memory_space<hbm>>
          %dma_wait3A_444 = arith.constant 0 : i32
          %dma_wait3A_445 = arith.constant 0 : i32
          %dma_wait3A_446 = tpu.memref_slice %arg5[%dma_wait3A_432, %dma_wait3A_444, %dma_wait3A_445] : memref<6x64x128xf32, #tpu.memory_space<vmem>> -> memref<1x64x128xf32, #tpu.memory_space<vmem>>
          %dma_wait3A_447 = tpu.memref_squeeze %dma_wait3A_446 : memref<1x64x128xf32, #tpu.memory_space<vmem>> -> memref<64x128xf32, #tpu.memory_space<vmem>>
          tpu.wait_dma2 semaphore(%dma_wait3A_441 : memref<!tpu.dma_semaphore, #tpu.memory_space<semaphore_mem>>) src(%dma_wait3A_447 : memref<64x128xf32, #tpu.memory_space<vmem>>) dst(%dma_wait3A_443 : memref<64x128xf32, #tpu.memory_space<hbm>>)
        } else {
        }
        %iota3A = tpu.iota {dimensions = array<i32: 0>} : vector<16xi32>
        %add3A_381 = arith.constant 0 : i32
        %add3A_382 = vector.broadcast %add3A_381 : i32 to vector<16xi32>
        %add3A_383 = arith.addi %iota3A, %add3A_382 : vector<16xi32>
        %iota3A_384 = tpu.iota {dimensions = array<i32: 0>} : vector<16xi32>
        %add3A_385 = arith.constant 16 : i32
        %add3A_386 = vector.broadcast %add3A_385 : i32 to vector<16xi32>
        %add3A_387 = arith.addi %iota3A_384, %add3A_386 : vector<16xi32>
        %iota3A_388 = tpu.iota {dimensions = array<i32: 0>} : vector<16xi32>
        %add3A_389 = arith.constant 32 : i32
        %add3A_390 = vector.broadcast %add3A_389 : i32 to vector<16xi32>
        %add3A_391 = arith.addi %iota3A_388, %add3A_390 : vector<16xi32>
        %iota3A_392 = tpu.iota {dimensions = array<i32: 0>} : vector<16xi32>
        %add3A_393 = arith.constant 48 : i32
        %add3A_394 = vector.broadcast %add3A_393 : i32 to vector<16xi32>
        %add3A_395 = arith.addi %iota3A_392, %add3A_394 : vector<16xi32>
        %iota3A_396 = tpu.iota {dimensions = array<i32: 0>} : vector<16xi32>
        %mul3A_397 = arith.constant 2 : i32
        %mul3A_398 = vector.broadcast %mul3A_397 : i32 to vector<16xi32>
        %mul3A_399 = arith.muli %iota3A_396, %mul3A_398 : vector<16xi32>
        %parallel_loop3A = arith.constant 0 : i32
        %parallel_loop3A_400 = arith.constant 128 : i32
        %parallel_loop3A_401 = arith.constant 1 : i32
        %parallel_loop3A_402 = arith.constant 4 : i32
        %parallel_loop3A_403 = arith.constant 4 : i32
        scf.for %parallel_loop3A_428 = %parallel_loop3A to %parallel_loop3A_400 step %parallel_loop3A_401  : i32 {
          %parallel_loop3A_429 = arith.constant 63 : i32
          %parallel_loop3A_430 = arith.andi %parallel_loop3A_428, %parallel_loop3A_429 : i32
          %parallel_loop3A_431 = vector.broadcast %parallel_loop3A_430 : i32 to vector<16xi32>
          %parallel_loop3A_432 = arith.constant 6 : i32
          %parallel_loop3A_433 = arith.shrui %parallel_loop3A_428, %parallel_loop3A_432 : i32
          %parallel_loop3A_434 = vector.broadcast %parallel_loop3A_433 : i32 to vector<16xi32>
          %parallel_loop3A_435 = arith.addi %mul3A_399, %parallel_loop3A_434 : vector<16xi32>
          %parallel_loop3A_436 = arith.constant 0 : i32
          %parallel_loop3A_437 = vector.broadcast %parallel_loop3A_436 : i32 to vector<16xi32>
          %parallel_loop3A_438 = arith.addi %parallel_loop3A_435, %parallel_loop3A_437 : vector<16xi32>
          %parallel_loop3A_439 = arith.constant 0 : i32
          %parallel_loop3A_440 = arith.constant 0 : i32
          %parallel_loop3A_441 = tpu.memref_slice %arg4[%parallel_loop3A_402, %parallel_loop3A_439, %parallel_loop3A_440] : memref<6x64x128xf32, #tpu.memory_space<vmem>> -> memref<1x64x128xf32, #tpu.memory_space<vmem>>
          %parallel_loop3A_442 = tpu.memref_squeeze %parallel_loop3A_441 : memref<1x64x128xf32, #tpu.memory_space<vmem>> -> memref<64x128xf32, #tpu.memory_space<vmem>>
          %parallel_loop3A_443 = tpu.vector_load_idx %parallel_loop3A_442[%parallel_loop3A_431, %parallel_loop3A_438] : memref<64x128xf32, #tpu.memory_space<vmem>>[vector<16xi32>, vector<16xi32>], vector<16xf32>,
          %parallel_loop3A_444 = vector.broadcast %parallel_loop3A_428 : i32 to vector<16xi32>
          %parallel_loop3A_445 = arith.addi %add3A_383, %parallel_loop3A_444 : vector<16xi32>
          %parallel_loop3A_446 = arith.constant 127 : i32
          %parallel_loop3A_447 = vector.broadcast %parallel_loop3A_446 : i32 to vector<16xi32>
          %parallel_loop3A_448 = arith.andi %parallel_loop3A_445, %parallel_loop3A_447 : vector<16xi32>
          %parallel_loop3A_449 = arith.constant 0 : i32
          %parallel_loop3A_450 = arith.constant 0 : i32
          %parallel_loop3A_451 = tpu.memref_slice %arg5[%parallel_loop3A_403, %parallel_loop3A_449, %parallel_loop3A_450] : memref<6x64x128xf32, #tpu.memory_space<vmem>> -> memref<1x64x128xf32, #tpu.memory_space<vmem>>
          %parallel_loop3A_452 = tpu.memref_squeeze %parallel_loop3A_451 : memref<1x64x128xf32, #tpu.memory_space<vmem>> -> memref<64x128xf32, #tpu.memory_space<vmem>>
          tpu.vector_store_idx %parallel_loop3A_452[%add3A_383, %parallel_loop3A_448], %parallel_loop3A_443 : memref<64x128xf32, #tpu.memory_space<vmem>>[vector<16xi32>, vector<16xi32>], vector<16xf32>,
          %parallel_loop3A_453 = arith.constant 32 : i32
          %parallel_loop3A_454 = vector.broadcast %parallel_loop3A_453 : i32 to vector<16xi32>
          %parallel_loop3A_455 = arith.addi %parallel_loop3A_435, %parallel_loop3A_454 : vector<16xi32>
          %parallel_loop3A_456 = arith.constant 0 : i32
          %parallel_loop3A_457 = arith.constant 0 : i32
          %parallel_loop3A_458 = tpu.memref_slice %arg4[%parallel_loop3A_402, %parallel_loop3A_456, %parallel_loop3A_457] : memref<6x64x128xf32, #tpu.memory_space<vmem>> -> memref<1x64x128xf32, #tpu.memory_space<vmem>>
          %parallel_loop3A_459 = tpu.memref_squeeze %parallel_loop3A_458 : memref<1x64x128xf32, #tpu.memory_space<vmem>> -> memref<64x128xf32, #tpu.memory_space<vmem>>
          %parallel_loop3A_460 = tpu.vector_load_idx %parallel_loop3A_459[%parallel_loop3A_431, %parallel_loop3A_455] : memref<64x128xf32, #tpu.memory_space<vmem>>[vector<16xi32>, vector<16xi32>], vector<16xf32>,
          %parallel_loop3A_461 = vector.broadcast %parallel_loop3A_428 : i32 to vector<16xi32>
          %parallel_loop3A_462 = arith.addi %add3A_387, %parallel_loop3A_461 : vector<16xi32>
          %parallel_loop3A_463 = arith.constant 127 : i32
          %parallel_loop3A_464 = vector.broadcast %parallel_loop3A_463 : i32 to vector<16xi32>
          %parallel_loop3A_465 = arith.andi %parallel_loop3A_462, %parallel_loop3A_464 : vector<16xi32>
          %parallel_loop3A_466 = arith.constant 0 : i32
          %parallel_loop3A_467 = arith.constant 0 : i32
          %parallel_loop3A_468 = tpu.memref_slice %arg5[%parallel_loop3A_403, %parallel_loop3A_466, %parallel_loop3A_467] : memref<6x64x128xf32, #tpu.memory_space<vmem>> -> memref<1x64x128xf32, #tpu.memory_space<vmem>>
          %parallel_loop3A_469 = tpu.memref_squeeze %parallel_loop3A_468 : memref<1x64x128xf32, #tpu.memory_space<vmem>> -> memref<64x128xf32, #tpu.memory_space<vmem>>
          tpu.vector_store_idx %parallel_loop3A_469[%add3A_387, %parallel_loop3A_465], %parallel_loop3A_460 : memref<64x128xf32, #tpu.memory_space<vmem>>[vector<16xi32>, vector<16xi32>], vector<16xf32>,
          %parallel_loop3A_470 = arith.constant 64 : i32
          %parallel_loop3A_471 = vector.broadcast %parallel_loop3A_470 : i32 to vector<16xi32>
          %parallel_loop3A_472 = arith.addi %parallel_loop3A_435, %parallel_loop3A_471 : vector<16xi32>
          %parallel_loop3A_473 = arith.constant 0 : i32
          %parallel_loop3A_474 = arith.constant 0 : i32
          %parallel_loop3A_475 = tpu.memref_slice %arg4[%parallel_loop3A_402, %parallel_loop3A_473, %parallel_loop3A_474] : memref<6x64x128xf32, #tpu.memory_space<vmem>> -> memref<1x64x128xf32, #tpu.memory_space<vmem>>
          %parallel_loop3A_476 = tpu.memref_squeeze %parallel_loop3A_475 : memref<1x64x128xf32, #tpu.memory_space<vmem>> -> memref<64x128xf32, #tpu.memory_space<vmem>>
          %parallel_loop3A_477 = tpu.vector_load_idx %parallel_loop3A_476[%parallel_loop3A_431, %parallel_loop3A_472] : memref<64x128xf32, #tpu.memory_space<vmem>>[vector<16xi32>, vector<16xi32>], vector<16xf32>,
          %parallel_loop3A_478 = vector.broadcast %parallel_loop3A_428 : i32 to vector<16xi32>
          %parallel_loop3A_479 = arith.addi %add3A_391, %parallel_loop3A_478 : vector<16xi32>
          %parallel_loop3A_480 = arith.constant 127 : i32
          %parallel_loop3A_481 = vector.broadcast %parallel_loop3A_480 : i32 to vector<16xi32>
          %parallel_loop3A_482 = arith.andi %parallel_loop3A_479, %parallel_loop3A_481 : vector<16xi32>
          %parallel_loop3A_483 = arith.constant 0 : i32
          %parallel_loop3A_484 = arith.constant 0 : i32
          %parallel_loop3A_485 = tpu.memref_slice %arg5[%parallel_loop3A_403, %parallel_loop3A_483, %parallel_loop3A_484] : memref<6x64x128xf32, #tpu.memory_space<vmem>> -> memref<1x64x128xf32, #tpu.memory_space<vmem>>
          %parallel_loop3A_486 = tpu.memref_squeeze %parallel_loop3A_485 : memref<1x64x128xf32, #tpu.memory_space<vmem>> -> memref<64x128xf32, #tpu.memory_space<vmem>>
          tpu.vector_store_idx %parallel_loop3A_486[%add3A_391, %parallel_loop3A_482], %parallel_loop3A_477 : memref<64x128xf32, #tpu.memory_space<vmem>>[vector<16xi32>, vector<16xi32>], vector<16xf32>,
          %parallel_loop3A_487 = arith.constant 96 : i32
          %parallel_loop3A_488 = vector.broadcast %parallel_loop3A_487 : i32 to vector<16xi32>
          %parallel_loop3A_489 = arith.addi %parallel_loop3A_435, %parallel_loop3A_488 : vector<16xi32>
          %parallel_loop3A_490 = arith.constant 0 : i32
          %parallel_loop3A_491 = arith.constant 0 : i32
          %parallel_loop3A_492 = tpu.memref_slice %arg4[%parallel_loop3A_402, %parallel_loop3A_490, %parallel_loop3A_491] : memref<6x64x128xf32, #tpu.memory_space<vmem>> -> memref<1x64x128xf32, #tpu.memory_space<vmem>>
          %parallel_loop3A_493 = tpu.memref_squeeze %parallel_loop3A_492 : memref<1x64x128xf32, #tpu.memory_space<vmem>> -> memref<64x128xf32, #tpu.memory_space<vmem>>
          %parallel_loop3A_494 = tpu.vector_load_idx %parallel_loop3A_493[%parallel_loop3A_431, %parallel_loop3A_489] : memref<64x128xf32, #tpu.memory_space<vmem>>[vector<16xi32>, vector<16xi32>], vector<16xf32>,
          %parallel_loop3A_495 = vector.broadcast %parallel_loop3A_428 : i32 to vector<16xi32>
          %parallel_loop3A_496 = arith.addi %add3A_395, %parallel_loop3A_495 : vector<16xi32>
          %parallel_loop3A_497 = arith.constant 127 : i32
          %parallel_loop3A_498 = vector.broadcast %parallel_loop3A_497 : i32 to vector<16xi32>
          %parallel_loop3A_499 = arith.andi %parallel_loop3A_496, %parallel_loop3A_498 : vector<16xi32>
          %parallel_loop3A_500 = arith.constant 0 : i32
          %parallel_loop3A_501 = arith.constant 0 : i32
          %parallel_loop3A_502 = tpu.memref_slice %arg5[%parallel_loop3A_403, %parallel_loop3A_500, %parallel_loop3A_501] : memref<6x64x128xf32, #tpu.memory_space<vmem>> -> memref<1x64x128xf32, #tpu.memory_space<vmem>>
          %parallel_loop3A_503 = tpu.memref_squeeze %parallel_loop3A_502 : memref<1x64x128xf32, #tpu.memory_space<vmem>> -> memref<64x128xf32, #tpu.memory_space<vmem>>
          tpu.vector_store_idx %parallel_loop3A_503[%add3A_395, %parallel_loop3A_499], %parallel_loop3A_494 : memref<64x128xf32, #tpu.memory_space<vmem>>[vector<16xi32>, vector<16xi32>], vector<16xf32>,
        } {sc.loop_unroll_factor = 4 : i64, sc.parallel_access}
        %mul3A_404 = arith.constant 64 : i32
        %mul3A_405 = arith.muli %mul3A_404, %add3A_345 : i32
        %dma_start3A_406 = arith.constant 4 : i32
        %dma_start3A_407 = arith.constant 4 : i32
        %dma_start3A_408 = arith.constant 0 : i32
        %dma_start3A_409 = arith.constant 0 : i32
        %dma_start3A_410 = tpu.memref_slice %arg5[%dma_start3A_406, %dma_start3A_408, %dma_start3A_409] : memref<6x64x128xf32, #tpu.memory_space<vmem>> -> memref<1x64x128xf32, #tpu.memory_space<vmem>>
        %dma_start3A_411 = tpu.memref_squeeze %dma_start3A_410 : memref<1x64x128xf32, #tpu.memory_space<vmem>> -> memref<64x128xf32, #tpu.memory_space<vmem>>
        %dma_start3A_412 = arith.constant 0 : i32
        %dma_start3A_413 = tpu.memref_slice %arg3[%mul3A_405, %dma_start3A_412] : memref<500000x128xf32, #tpu.memory_space<hbm>> -> memref<64x128xf32, #tpu.memory_space<hbm>>
        %dma_start3A_414 = tpu.memref_slice %arg9[%dma_start3A_407] : memref<6x!tpu.dma_semaphore, #tpu.memory_space<semaphore_mem>> -> memref<1x!tpu.dma_semaphore, #tpu.memory_space<semaphore_mem>>
        %dma_start3A_415 = tpu.memref_squeeze %dma_start3A_414 : memref<1x!tpu.dma_semaphore, #tpu.memory_space<semaphore_mem>> -> memref<!tpu.dma_semaphore, #tpu.memory_space<semaphore_mem>>
        %dma_start3A_416 = arith.constant 0 : i32
        %dma_start3A_417 = tpu.memref_slice %arg3[%mul3A_405, %dma_start3A_416] : memref<500000x128xf32, #tpu.memory_space<hbm>> -> memref<64x128xf32, #tpu.memory_space<hbm>>
        %dma_start3A_418 = arith.constant 0 : i32
        %dma_start3A_419 = arith.constant 0 : i32
        %dma_start3A_420 = tpu.memref_slice %arg5[%dma_start3A_406, %dma_start3A_418, %dma_start3A_419] : memref<6x64x128xf32, #tpu.memory_space<vmem>> -> memref<1x64x128xf32, #tpu.memory_space<vmem>>
        %dma_start3A_421 = tpu.memref_squeeze %dma_start3A_420 : memref<1x64x128xf32, #tpu.memory_space<vmem>> -> memref<64x128xf32, #tpu.memory_space<vmem>>
        tpu.enqueue_dma source(%dma_start3A_421 : memref<64x128xf32, #tpu.memory_space<vmem>>) target(%dma_start3A_417 : memref<64x128xf32, #tpu.memory_space<hbm>>) target_semaphore(%dma_start3A_415 : memref<!tpu.dma_semaphore, #tpu.memory_space<semaphore_mem>>)
        %add3A_422 = arith.constant 6 : i32
        %add3A_423 = arith.addi %add3A_345, %add3A_422 : i32
        %lt3A_424 = arith.cmpi slt, %add3A_423, %add3A_10 : i32
        %convert_element_type3A_425 = arith.extui %lt3A_424 : i1 to i32
        %cond3A_426 = arith.constant 0 : i32
        %cond3A_427 = arith.cmpi ne, %convert_element_type3A_425, %cond3A_426 : i32
        scf.if %cond3A_427 {
          %add3A_428 = arith.constant 6 : i32
          %add3A_429 = arith.addi %add3A_345, %add3A_428 : i32
          %mul3A_430 = arith.constant 128 : i32
          %mul3A_431 = arith.muli %mul3A_430, %add3A_429 : i32
          %dma_start3A_432 = arith.constant 4 : i32
          %dma_start3A_433 = arith.constant 4 : i32
          %dma_start3A_434 = arith.constant 0 : i32
          %dma_start3A_435 = arith.constant 0 : i32
          %dma_start3A_436 = tpu.memref_slice %arg4[%dma_start3A_432, %dma_start3A_434, %dma_start3A_435] : memref<6x64x128xf32, #tpu.memory_space<vmem>> -> memref<1x64x128xf32, #tpu.memory_space<vmem>>
          %dma_start3A_437 = tpu.memref_squeeze %dma_start3A_436 : memref<1x64x128xf32, #tpu.memory_space<vmem>> -> memref<64x128xf32, #tpu.memory_space<vmem>>
          %dma_start3A_438 = arith.constant 0 : i32
          %dma_start3A_439 = tpu.memref_slice %arg2[%dma_start3A_438, %mul3A_431] : memref<64x1000000xf32, #tpu.memory_space<hbm>> -> memref<64x128xf32, #tpu.memory_space<hbm>>
          %dma_start3A_440 = tpu.memref_slice %arg8[%dma_start3A_433] : memref<6x!tpu.dma_semaphore, #tpu.memory_space<semaphore_mem>> -> memref<1x!tpu.dma_semaphore, #tpu.memory_space<semaphore_mem>>
          %dma_start3A_441 = tpu.memref_squeeze %dma_start3A_440 : memref<1x!tpu.dma_semaphore, #tpu.memory_space<semaphore_mem>> -> memref<!tpu.dma_semaphore, #tpu.memory_space<semaphore_mem>>
          %dma_start3A_442 = arith.constant 0 : i32
          %dma_start3A_443 = arith.constant 0 : i32
          %dma_start3A_444 = tpu.memref_slice %arg4[%dma_start3A_432, %dma_start3A_442, %dma_start3A_443] : memref<6x64x128xf32, #tpu.memory_space<vmem>> -> memref<1x64x128xf32, #tpu.memory_space<vmem>>
          %dma_start3A_445 = tpu.memref_squeeze %dma_start3A_444 : memref<1x64x128xf32, #tpu.memory_space<vmem>> -> memref<64x128xf32, #tpu.memory_space<vmem>>
          %dma_start3A_446 = arith.constant 0 : i32
          %dma_start3A_447 = tpu.memref_slice %arg2[%dma_start3A_446, %mul3A_431] : memref<64x1000000xf32, #tpu.memory_space<hbm>> -> memref<64x128xf32, #tpu.memory_space<hbm>>
          tpu.enqueue_dma source(%dma_start3A_447 : memref<64x128xf32, #tpu.memory_space<hbm>>) target(%dma_start3A_445 : memref<64x128xf32, #tpu.memory_space<vmem>>) target_semaphore(%dma_start3A_441 : memref<!tpu.dma_semaphore, #tpu.memory_space<semaphore_mem>>)
        } else {
        }
      } else {
      }
      %mul3A_350 = arith.constant 6 : i32
      %mul3A_351 = arith.muli %mul3A_350, %scan3A_304 : i32
      %add3A_352 = arith.addi %add3A_4, %mul3A_351 : i32
      %add3A_353 = arith.constant 5 : i32
      %add3A_354 = arith.addi %add3A_352, %add3A_353 : i32
      %lt3A_355 = arith.cmpi slt, %add3A_354, %add3A_10 : i32
      %convert_element_type3A_356 = arith.extui %lt3A_355 : i1 to i32
      %cond3A_357 = arith.constant 0 : i32
      %cond3A_358 = arith.cmpi ne, %convert_element_type3A_356, %cond3A_357 : i32
      scf.if %cond3A_358 {
        %mul3A_359 = arith.constant 128 : i32
        %mul3A_360 = arith.muli %mul3A_359, %add3A_354 : i32
        %dma_wait3A_361 = arith.constant 5 : i32
        %dma_wait3A_362 = arith.constant 5 : i32
        %dma_wait3A_363 = arith.constant 0 : i32
        %dma_wait3A_364 = arith.constant 0 : i32
        %dma_wait3A_365 = tpu.memref_slice %arg4[%dma_wait3A_361, %dma_wait3A_363, %dma_wait3A_364] : memref<6x64x128xf32, #tpu.memory_space<vmem>> -> memref<1x64x128xf32, #tpu.memory_space<vmem>>
        %dma_wait3A_366 = tpu.memref_squeeze %dma_wait3A_365 : memref<1x64x128xf32, #tpu.memory_space<vmem>> -> memref<64x128xf32, #tpu.memory_space<vmem>>
        %dma_wait3A_367 = arith.constant 0 : i32
        %dma_wait3A_368 = tpu.memref_slice %arg2[%dma_wait3A_367, %mul3A_360] : memref<64x1000000xf32, #tpu.memory_space<hbm>> -> memref<64x128xf32, #tpu.memory_space<hbm>>
        %dma_wait3A_369 = tpu.memref_slice %arg8[%dma_wait3A_362] : memref<6x!tpu.dma_semaphore, #tpu.memory_space<semaphore_mem>> -> memref<1x!tpu.dma_semaphore, #tpu.memory_space<semaphore_mem>>
        %dma_wait3A_370 = tpu.memref_squeeze %dma_wait3A_369 : memref<1x!tpu.dma_semaphore, #tpu.memory_space<semaphore_mem>> -> memref<!tpu.dma_semaphore, #tpu.memory_space<semaphore_mem>>
        %dma_wait3A_371 = arith.constant 0 : i32
        %dma_wait3A_372 = arith.constant 0 : i32
        %dma_wait3A_373 = tpu.memref_slice %arg4[%dma_wait3A_361, %dma_wait3A_371, %dma_wait3A_372] : memref<6x64x128xf32, #tpu.memory_space<vmem>> -> memref<1x64x128xf32, #tpu.memory_space<vmem>>
        %dma_wait3A_374 = tpu.memref_squeeze %dma_wait3A_373 : memref<1x64x128xf32, #tpu.memory_space<vmem>> -> memref<64x128xf32, #tpu.memory_space<vmem>>
        %dma_wait3A_375 = arith.constant 0 : i32
        %dma_wait3A_376 = tpu.memref_slice %arg2[%dma_wait3A_375, %mul3A_360] : memref<64x1000000xf32, #tpu.memory_space<hbm>> -> memref<64x128xf32, #tpu.memory_space<hbm>>
        tpu.wait_dma2 semaphore(%dma_wait3A_370 : memref<!tpu.dma_semaphore, #tpu.memory_space<semaphore_mem>>) src(%dma_wait3A_376 : memref<64x128xf32, #tpu.memory_space<hbm>>) dst(%dma_wait3A_374 : memref<64x128xf32, #tpu.memory_space<vmem>>)
        %gt3A = arith.constant 0 : i32
        %gt3A_377 = arith.cmpi sgt, %scan3A_304, %gt3A : i32
        %convert_element_type3A_378 = arith.extui %gt3A_377 : i1 to i32
        %cond3A_379 = arith.constant 0 : i32
        %cond3A_380 = arith.cmpi ne, %convert_element_type3A_378, %cond3A_379 : i32
        scf.if %cond3A_380 {
          %sub3A_428 = arith.constant 6 : i32
          %sub3A_429 = arith.subi %add3A_354, %sub3A_428 : i32
          %mul3A_430 = arith.constant 64 : i32
          %mul3A_431 = arith.muli %mul3A_430, %sub3A_429 : i32
          %dma_wait3A_432 = arith.constant 5 : i32
          %dma_wait3A_433 = arith.constant 5 : i32
          %dma_wait3A_434 = arith.constant 0 : i32
          %dma_wait3A_435 = arith.constant 0 : i32
          %dma_wait3A_436 = tpu.memref_slice %arg5[%dma_wait3A_432, %dma_wait3A_434, %dma_wait3A_435] : memref<6x64x128xf32, #tpu.memory_space<vmem>> -> memref<1x64x128xf32, #tpu.memory_space<vmem>>
          %dma_wait3A_437 = tpu.memref_squeeze %dma_wait3A_436 : memref<1x64x128xf32, #tpu.memory_space<vmem>> -> memref<64x128xf32, #tpu.memory_space<vmem>>
          %dma_wait3A_438 = arith.constant 0 : i32
          %dma_wait3A_439 = tpu.memref_slice %arg3[%mul3A_431, %dma_wait3A_438] : memref<500000x128xf32, #tpu.memory_space<hbm>> -> memref<64x128xf32, #tpu.memory_space<hbm>>
          %dma_wait3A_440 = tpu.memref_slice %arg9[%dma_wait3A_433] : memref<6x!tpu.dma_semaphore, #tpu.memory_space<semaphore_mem>> -> memref<1x!tpu.dma_semaphore, #tpu.memory_space<semaphore_mem>>
          %dma_wait3A_441 = tpu.memref_squeeze %dma_wait3A_440 : memref<1x!tpu.dma_semaphore, #tpu.memory_space<semaphore_mem>> -> memref<!tpu.dma_semaphore, #tpu.memory_space<semaphore_mem>>
          %dma_wait3A_442 = arith.constant 0 : i32
          %dma_wait3A_443 = tpu.memref_slice %arg3[%mul3A_431, %dma_wait3A_442] : memref<500000x128xf32, #tpu.memory_space<hbm>> -> memref<64x128xf32, #tpu.memory_space<hbm>>
          %dma_wait3A_444 = arith.constant 0 : i32
          %dma_wait3A_445 = arith.constant 0 : i32
          %dma_wait3A_446 = tpu.memref_slice %arg5[%dma_wait3A_432, %dma_wait3A_444, %dma_wait3A_445] : memref<6x64x128xf32, #tpu.memory_space<vmem>> -> memref<1x64x128xf32, #tpu.memory_space<vmem>>
          %dma_wait3A_447 = tpu.memref_squeeze %dma_wait3A_446 : memref<1x64x128xf32, #tpu.memory_space<vmem>> -> memref<64x128xf32, #tpu.memory_space<vmem>>
          tpu.wait_dma2 semaphore(%dma_wait3A_441 : memref<!tpu.dma_semaphore, #tpu.memory_space<semaphore_mem>>) src(%dma_wait3A_447 : memref<64x128xf32, #tpu.memory_space<vmem>>) dst(%dma_wait3A_443 : memref<64x128xf32, #tpu.memory_space<hbm>>)
        } else {
        }
        %iota3A = tpu.iota {dimensions = array<i32: 0>} : vector<16xi32>
        %add3A_381 = arith.constant 0 : i32
        %add3A_382 = vector.broadcast %add3A_381 : i32 to vector<16xi32>
        %add3A_383 = arith.addi %iota3A, %add3A_382 : vector<16xi32>
        %iota3A_384 = tpu.iota {dimensions = array<i32: 0>} : vector<16xi32>
        %add3A_385 = arith.constant 16 : i32
        %add3A_386 = vector.broadcast %add3A_385 : i32 to vector<16xi32>
        %add3A_387 = arith.addi %iota3A_384, %add3A_386 : vector<16xi32>
        %iota3A_388 = tpu.iota {dimensions = array<i32: 0>} : vector<16xi32>
        %add3A_389 = arith.constant 32 : i32
        %add3A_390 = vector.broadcast %add3A_389 : i32 to vector<16xi32>
        %add3A_391 = arith.addi %iota3A_388, %add3A_390 : vector<16xi32>
        %iota3A_392 = tpu.iota {dimensions = array<i32: 0>} : vector<16xi32>
        %add3A_393 = arith.constant 48 : i32
        %add3A_394 = vector.broadcast %add3A_393 : i32 to vector<16xi32>
        %add3A_395 = arith.addi %iota3A_392, %add3A_394 : vector<16xi32>
        %iota3A_396 = tpu.iota {dimensions = array<i32: 0>} : vector<16xi32>
        %mul3A_397 = arith.constant 2 : i32
        %mul3A_398 = vector.broadcast %mul3A_397 : i32 to vector<16xi32>
        %mul3A_399 = arith.muli %iota3A_396, %mul3A_398 : vector<16xi32>
        %parallel_loop3A = arith.constant 0 : i32
        %parallel_loop3A_400 = arith.constant 128 : i32
        %parallel_loop3A_401 = arith.constant 1 : i32
        %parallel_loop3A_402 = arith.constant 5 : i32
        %parallel_loop3A_403 = arith.constant 5 : i32
        scf.for %parallel_loop3A_428 = %parallel_loop3A to %parallel_loop3A_400 step %parallel_loop3A_401  : i32 {
          %parallel_loop3A_429 = arith.constant 63 : i32
          %parallel_loop3A_430 = arith.andi %parallel_loop3A_428, %parallel_loop3A_429 : i32
          %parallel_loop3A_431 = vector.broadcast %parallel_loop3A_430 : i32 to vector<16xi32>
          %parallel_loop3A_432 = arith.constant 6 : i32
          %parallel_loop3A_433 = arith.shrui %parallel_loop3A_428, %parallel_loop3A_432 : i32
          %parallel_loop3A_434 = vector.broadcast %parallel_loop3A_433 : i32 to vector<16xi32>
          %parallel_loop3A_435 = arith.addi %mul3A_399, %parallel_loop3A_434 : vector<16xi32>
          %parallel_loop3A_436 = arith.constant 0 : i32
          %parallel_loop3A_437 = vector.broadcast %parallel_loop3A_436 : i32 to vector<16xi32>
          %parallel_loop3A_438 = arith.addi %parallel_loop3A_435, %parallel_loop3A_437 : vector<16xi32>
          %parallel_loop3A_439 = arith.constant 0 : i32
          %parallel_loop3A_440 = arith.constant 0 : i32
          %parallel_loop3A_441 = tpu.memref_slice %arg4[%parallel_loop3A_402, %parallel_loop3A_439, %parallel_loop3A_440] : memref<6x64x128xf32, #tpu.memory_space<vmem>> -> memref<1x64x128xf32, #tpu.memory_space<vmem>>
          %parallel_loop3A_442 = tpu.memref_squeeze %parallel_loop3A_441 : memref<1x64x128xf32, #tpu.memory_space<vmem>> -> memref<64x128xf32, #tpu.memory_space<vmem>>
          %parallel_loop3A_443 = tpu.vector_load_idx %parallel_loop3A_442[%parallel_loop3A_431, %parallel_loop3A_438] : memref<64x128xf32, #tpu.memory_space<vmem>>[vector<16xi32>, vector<16xi32>], vector<16xf32>,
          %parallel_loop3A_444 = vector.broadcast %parallel_loop3A_428 : i32 to vector<16xi32>
          %parallel_loop3A_445 = arith.addi %add3A_383, %parallel_loop3A_444 : vector<16xi32>
          %parallel_loop3A_446 = arith.constant 127 : i32
          %parallel_loop3A_447 = vector.broadcast %parallel_loop3A_446 : i32 to vector<16xi32>
          %parallel_loop3A_448 = arith.andi %parallel_loop3A_445, %parallel_loop3A_447 : vector<16xi32>
          %parallel_loop3A_449 = arith.constant 0 : i32
          %parallel_loop3A_450 = arith.constant 0 : i32
          %parallel_loop3A_451 = tpu.memref_slice %arg5[%parallel_loop3A_403, %parallel_loop3A_449, %parallel_loop3A_450] : memref<6x64x128xf32, #tpu.memory_space<vmem>> -> memref<1x64x128xf32, #tpu.memory_space<vmem>>
          %parallel_loop3A_452 = tpu.memref_squeeze %parallel_loop3A_451 : memref<1x64x128xf32, #tpu.memory_space<vmem>> -> memref<64x128xf32, #tpu.memory_space<vmem>>
          tpu.vector_store_idx %parallel_loop3A_452[%add3A_383, %parallel_loop3A_448], %parallel_loop3A_443 : memref<64x128xf32, #tpu.memory_space<vmem>>[vector<16xi32>, vector<16xi32>], vector<16xf32>,
          %parallel_loop3A_453 = arith.constant 32 : i32
          %parallel_loop3A_454 = vector.broadcast %parallel_loop3A_453 : i32 to vector<16xi32>
          %parallel_loop3A_455 = arith.addi %parallel_loop3A_435, %parallel_loop3A_454 : vector<16xi32>
          %parallel_loop3A_456 = arith.constant 0 : i32
          %parallel_loop3A_457 = arith.constant 0 : i32
          %parallel_loop3A_458 = tpu.memref_slice %arg4[%parallel_loop3A_402, %parallel_loop3A_456, %parallel_loop3A_457] : memref<6x64x128xf32, #tpu.memory_space<vmem>> -> memref<1x64x128xf32, #tpu.memory_space<vmem>>
          %parallel_loop3A_459 = tpu.memref_squeeze %parallel_loop3A_458 : memref<1x64x128xf32, #tpu.memory_space<vmem>> -> memref<64x128xf32, #tpu.memory_space<vmem>>
          %parallel_loop3A_460 = tpu.vector_load_idx %parallel_loop3A_459[%parallel_loop3A_431, %parallel_loop3A_455] : memref<64x128xf32, #tpu.memory_space<vmem>>[vector<16xi32>, vector<16xi32>], vector<16xf32>,
          %parallel_loop3A_461 = vector.broadcast %parallel_loop3A_428 : i32 to vector<16xi32>
          %parallel_loop3A_462 = arith.addi %add3A_387, %parallel_loop3A_461 : vector<16xi32>
          %parallel_loop3A_463 = arith.constant 127 : i32
          %parallel_loop3A_464 = vector.broadcast %parallel_loop3A_463 : i32 to vector<16xi32>
          %parallel_loop3A_465 = arith.andi %parallel_loop3A_462, %parallel_loop3A_464 : vector<16xi32>
          %parallel_loop3A_466 = arith.constant 0 : i32
          %parallel_loop3A_467 = arith.constant 0 : i32
          %parallel_loop3A_468 = tpu.memref_slice %arg5[%parallel_loop3A_403, %parallel_loop3A_466, %parallel_loop3A_467] : memref<6x64x128xf32, #tpu.memory_space<vmem>> -> memref<1x64x128xf32, #tpu.memory_space<vmem>>
          %parallel_loop3A_469 = tpu.memref_squeeze %parallel_loop3A_468 : memref<1x64x128xf32, #tpu.memory_space<vmem>> -> memref<64x128xf32, #tpu.memory_space<vmem>>
          tpu.vector_store_idx %parallel_loop3A_469[%add3A_387, %parallel_loop3A_465], %parallel_loop3A_460 : memref<64x128xf32, #tpu.memory_space<vmem>>[vector<16xi32>, vector<16xi32>], vector<16xf32>,
          %parallel_loop3A_470 = arith.constant 64 : i32
          %parallel_loop3A_471 = vector.broadcast %parallel_loop3A_470 : i32 to vector<16xi32>
          %parallel_loop3A_472 = arith.addi %parallel_loop3A_435, %parallel_loop3A_471 : vector<16xi32>
          %parallel_loop3A_473 = arith.constant 0 : i32
          %parallel_loop3A_474 = arith.constant 0 : i32
          %parallel_loop3A_475 = tpu.memref_slice %arg4[%parallel_loop3A_402, %parallel_loop3A_473, %parallel_loop3A_474] : memref<6x64x128xf32, #tpu.memory_space<vmem>> -> memref<1x64x128xf32, #tpu.memory_space<vmem>>
          %parallel_loop3A_476 = tpu.memref_squeeze %parallel_loop3A_475 : memref<1x64x128xf32, #tpu.memory_space<vmem>> -> memref<64x128xf32, #tpu.memory_space<vmem>>
          %parallel_loop3A_477 = tpu.vector_load_idx %parallel_loop3A_476[%parallel_loop3A_431, %parallel_loop3A_472] : memref<64x128xf32, #tpu.memory_space<vmem>>[vector<16xi32>, vector<16xi32>], vector<16xf32>,
          %parallel_loop3A_478 = vector.broadcast %parallel_loop3A_428 : i32 to vector<16xi32>
          %parallel_loop3A_479 = arith.addi %add3A_391, %parallel_loop3A_478 : vector<16xi32>
          %parallel_loop3A_480 = arith.constant 127 : i32
          %parallel_loop3A_481 = vector.broadcast %parallel_loop3A_480 : i32 to vector<16xi32>
          %parallel_loop3A_482 = arith.andi %parallel_loop3A_479, %parallel_loop3A_481 : vector<16xi32>
          %parallel_loop3A_483 = arith.constant 0 : i32
          %parallel_loop3A_484 = arith.constant 0 : i32
          %parallel_loop3A_485 = tpu.memref_slice %arg5[%parallel_loop3A_403, %parallel_loop3A_483, %parallel_loop3A_484] : memref<6x64x128xf32, #tpu.memory_space<vmem>> -> memref<1x64x128xf32, #tpu.memory_space<vmem>>
          %parallel_loop3A_486 = tpu.memref_squeeze %parallel_loop3A_485 : memref<1x64x128xf32, #tpu.memory_space<vmem>> -> memref<64x128xf32, #tpu.memory_space<vmem>>
          tpu.vector_store_idx %parallel_loop3A_486[%add3A_391, %parallel_loop3A_482], %parallel_loop3A_477 : memref<64x128xf32, #tpu.memory_space<vmem>>[vector<16xi32>, vector<16xi32>], vector<16xf32>,
          %parallel_loop3A_487 = arith.constant 96 : i32
          %parallel_loop3A_488 = vector.broadcast %parallel_loop3A_487 : i32 to vector<16xi32>
          %parallel_loop3A_489 = arith.addi %parallel_loop3A_435, %parallel_loop3A_488 : vector<16xi32>
          %parallel_loop3A_490 = arith.constant 0 : i32
          %parallel_loop3A_491 = arith.constant 0 : i32
          %parallel_loop3A_492 = tpu.memref_slice %arg4[%parallel_loop3A_402, %parallel_loop3A_490, %parallel_loop3A_491] : memref<6x64x128xf32, #tpu.memory_space<vmem>> -> memref<1x64x128xf32, #tpu.memory_space<vmem>>
          %parallel_loop3A_493 = tpu.memref_squeeze %parallel_loop3A_492 : memref<1x64x128xf32, #tpu.memory_space<vmem>> -> memref<64x128xf32, #tpu.memory_space<vmem>>
          %parallel_loop3A_494 = tpu.vector_load_idx %parallel_loop3A_493[%parallel_loop3A_431, %parallel_loop3A_489] : memref<64x128xf32, #tpu.memory_space<vmem>>[vector<16xi32>, vector<16xi32>], vector<16xf32>,
          %parallel_loop3A_495 = vector.broadcast %parallel_loop3A_428 : i32 to vector<16xi32>
          %parallel_loop3A_496 = arith.addi %add3A_395, %parallel_loop3A_495 : vector<16xi32>
          %parallel_loop3A_497 = arith.constant 127 : i32
          %parallel_loop3A_498 = vector.broadcast %parallel_loop3A_497 : i32 to vector<16xi32>
          %parallel_loop3A_499 = arith.andi %parallel_loop3A_496, %parallel_loop3A_498 : vector<16xi32>
          %parallel_loop3A_500 = arith.constant 0 : i32
          %parallel_loop3A_501 = arith.constant 0 : i32
          %parallel_loop3A_502 = tpu.memref_slice %arg5[%parallel_loop3A_403, %parallel_loop3A_500, %parallel_loop3A_501] : memref<6x64x128xf32, #tpu.memory_space<vmem>> -> memref<1x64x128xf32, #tpu.memory_space<vmem>>
          %parallel_loop3A_503 = tpu.memref_squeeze %parallel_loop3A_502 : memref<1x64x128xf32, #tpu.memory_space<vmem>> -> memref<64x128xf32, #tpu.memory_space<vmem>>
          tpu.vector_store_idx %parallel_loop3A_503[%add3A_395, %parallel_loop3A_499], %parallel_loop3A_494 : memref<64x128xf32, #tpu.memory_space<vmem>>[vector<16xi32>, vector<16xi32>], vector<16xf32>,
        } {sc.loop_unroll_factor = 4 : i64, sc.parallel_access}
        %mul3A_404 = arith.constant 64 : i32
        %mul3A_405 = arith.muli %mul3A_404, %add3A_354 : i32
        %dma_start3A_406 = arith.constant 5 : i32
        %dma_start3A_407 = arith.constant 5 : i32
        %dma_start3A_408 = arith.constant 0 : i32
        %dma_start3A_409 = arith.constant 0 : i32
        %dma_start3A_410 = tpu.memref_slice %arg5[%dma_start3A_406, %dma_start3A_408, %dma_start3A_409] : memref<6x64x128xf32, #tpu.memory_space<vmem>> -> memref<1x64x128xf32, #tpu.memory_space<vmem>>
        %dma_start3A_411 = tpu.memref_squeeze %dma_start3A_410 : memref<1x64x128xf32, #tpu.memory_space<vmem>> -> memref<64x128xf32, #tpu.memory_space<vmem>>
        %dma_start3A_412 = arith.constant 0 : i32
        %dma_start3A_413 = tpu.memref_slice %arg3[%mul3A_405, %dma_start3A_412] : memref<500000x128xf32, #tpu.memory_space<hbm>> -> memref<64x128xf32, #tpu.memory_space<hbm>>
        %dma_start3A_414 = tpu.memref_slice %arg9[%dma_start3A_407] : memref<6x!tpu.dma_semaphore, #tpu.memory_space<semaphore_mem>> -> memref<1x!tpu.dma_semaphore, #tpu.memory_space<semaphore_mem>>
        %dma_start3A_415 = tpu.memref_squeeze %dma_start3A_414 : memref<1x!tpu.dma_semaphore, #tpu.memory_space<semaphore_mem>> -> memref<!tpu.dma_semaphore, #tpu.memory_space<semaphore_mem>>
        %dma_start3A_416 = arith.constant 0 : i32
        %dma_start3A_417 = tpu.memref_slice %arg3[%mul3A_405, %dma_start3A_416] : memref<500000x128xf32, #tpu.memory_space<hbm>> -> memref<64x128xf32, #tpu.memory_space<hbm>>
        %dma_start3A_418 = arith.constant 0 : i32
        %dma_start3A_419 = arith.constant 0 : i32
        %dma_start3A_420 = tpu.memref_slice %arg5[%dma_start3A_406, %dma_start3A_418, %dma_start3A_419] : memref<6x64x128xf32, #tpu.memory_space<vmem>> -> memref<1x64x128xf32, #tpu.memory_space<vmem>>
        %dma_start3A_421 = tpu.memref_squeeze %dma_start3A_420 : memref<1x64x128xf32, #tpu.memory_space<vmem>> -> memref<64x128xf32, #tpu.memory_space<vmem>>
        tpu.enqueue_dma source(%dma_start3A_421 : memref<64x128xf32, #tpu.memory_space<vmem>>) target(%dma_start3A_417 : memref<64x128xf32, #tpu.memory_space<hbm>>) target_semaphore(%dma_start3A_415 : memref<!tpu.dma_semaphore, #tpu.memory_space<semaphore_mem>>)
        %add3A_422 = arith.constant 6 : i32
        %add3A_423 = arith.addi %add3A_354, %add3A_422 : i32
        %lt3A_424 = arith.cmpi slt, %add3A_423, %add3A_10 : i32
        %convert_element_type3A_425 = arith.extui %lt3A_424 : i1 to i32
        %cond3A_426 = arith.constant 0 : i32
        %cond3A_427 = arith.cmpi ne, %convert_element_type3A_425, %cond3A_426 : i32
        scf.if %cond3A_427 {
          %add3A_428 = arith.constant 6 : i32
          %add3A_429 = arith.addi %add3A_354, %add3A_428 : i32
          %mul3A_430 = arith.constant 128 : i32
          %mul3A_431 = arith.muli %mul3A_430, %add3A_429 : i32
          %dma_start3A_432 = arith.constant 5 : i32
          %dma_start3A_433 = arith.constant 5 : i32
          %dma_start3A_434 = arith.constant 0 : i32
          %dma_start3A_435 = arith.constant 0 : i32
          %dma_start3A_436 = tpu.memref_slice %arg4[%dma_start3A_432, %dma_start3A_434, %dma_start3A_435] : memref<6x64x128xf32, #tpu.memory_space<vmem>> -> memref<1x64x128xf32, #tpu.memory_space<vmem>>
          %dma_start3A_437 = tpu.memref_squeeze %dma_start3A_436 : memref<1x64x128xf32, #tpu.memory_space<vmem>> -> memref<64x128xf32, #tpu.memory_space<vmem>>
          %dma_start3A_438 = arith.constant 0 : i32
          %dma_start3A_439 = tpu.memref_slice %arg2[%dma_start3A_438, %mul3A_431] : memref<64x1000000xf32, #tpu.memory_space<hbm>> -> memref<64x128xf32, #tpu.memory_space<hbm>>
          %dma_start3A_440 = tpu.memref_slice %arg8[%dma_start3A_433] : memref<6x!tpu.dma_semaphore, #tpu.memory_space<semaphore_mem>> -> memref<1x!tpu.dma_semaphore, #tpu.memory_space<semaphore_mem>>
          %dma_start3A_441 = tpu.memref_squeeze %dma_start3A_440 : memref<1x!tpu.dma_semaphore, #tpu.memory_space<semaphore_mem>> -> memref<!tpu.dma_semaphore, #tpu.memory_space<semaphore_mem>>
          %dma_start3A_442 = arith.constant 0 : i32
          %dma_start3A_443 = arith.constant 0 : i32
          %dma_start3A_444 = tpu.memref_slice %arg4[%dma_start3A_432, %dma_start3A_442, %dma_start3A_443] : memref<6x64x128xf32, #tpu.memory_space<vmem>> -> memref<1x64x128xf32, #tpu.memory_space<vmem>>
          %dma_start3A_445 = tpu.memref_squeeze %dma_start3A_444 : memref<1x64x128xf32, #tpu.memory_space<vmem>> -> memref<64x128xf32, #tpu.memory_space<vmem>>
          %dma_start3A_446 = arith.constant 0 : i32
          %dma_start3A_447 = tpu.memref_slice %arg2[%dma_start3A_446, %mul3A_431] : memref<64x1000000xf32, #tpu.memory_space<hbm>> -> memref<64x128xf32, #tpu.memory_space<hbm>>
          tpu.enqueue_dma source(%dma_start3A_447 : memref<64x128xf32, #tpu.memory_space<hbm>>) target(%dma_start3A_445 : memref<64x128xf32, #tpu.memory_space<vmem>>) target_semaphore(%dma_start3A_441 : memref<!tpu.dma_semaphore, #tpu.memory_space<semaphore_mem>>)
        } else {
        }
      } else {
      }
    }
    %scan3A_134 = arith.constant 41 : i32
    %sub3A_135 = arith.constant 1 : i32
    %sub3A_136 = arith.subi %add3A_10, %sub3A_135 : i32
    %sub3A_137 = arith.constant 1 : i32
    %sub3A_138 = arith.subi %add3A_10, %sub3A_137 : i32
    %sub3A_139 = arith.subi %sub3A_138, %add3A_4 : i32
    %sub3A_140 = arith.constant 0 : i32
    %sub3A_141 = arith.subi %sub3A_139, %sub3A_140 : i32
    %rem3A = arith.constant 6 : i32
    %rem3A_142 = arith.remsi %sub3A_141, %rem3A : i32
    %sub3A_143 = arith.subi %sub3A_136, %rem3A_142 : i32
    %mul3A_144 = arith.constant 64 : i32
    %mul3A_145 = arith.muli %mul3A_144, %sub3A_143 : i32
    %dma_wait3A = arith.constant 0 : i32
    %dma_wait3A_146 = arith.constant 0 : i32
    %dma_wait3A_147 = arith.constant 0 : i32
    %dma_wait3A_148 = arith.constant 0 : i32
    %dma_wait3A_149 = tpu.memref_slice %arg5[%dma_wait3A, %dma_wait3A_147, %dma_wait3A_148] : memref<6x64x128xf32, #tpu.memory_space<vmem>> -> memref<1x64x128xf32, #tpu.memory_space<vmem>>
    %dma_wait3A_150 = tpu.memref_squeeze %dma_wait3A_149 : memref<1x64x128xf32, #tpu.memory_space<vmem>> -> memref<64x128xf32, #tpu.memory_space<vmem>>
    %dma_wait3A_151 = arith.constant 0 : i32
    %dma_wait3A_152 = tpu.memref_slice %arg3[%mul3A_145, %dma_wait3A_151] : memref<500000x128xf32, #tpu.memory_space<hbm>> -> memref<64x128xf32, #tpu.memory_space<hbm>>
    %dma_wait3A_153 = tpu.memref_slice %arg9[%dma_wait3A_146] : memref<6x!tpu.dma_semaphore, #tpu.memory_space<semaphore_mem>> -> memref<1x!tpu.dma_semaphore, #tpu.memory_space<semaphore_mem>>
    %dma_wait3A_154 = tpu.memref_squeeze %dma_wait3A_153 : memref<1x!tpu.dma_semaphore, #tpu.memory_space<semaphore_mem>> -> memref<!tpu.dma_semaphore, #tpu.memory_space<semaphore_mem>>
    %dma_wait3A_155 = arith.constant 0 : i32
    %dma_wait3A_156 = tpu.memref_slice %arg3[%mul3A_145, %dma_wait3A_155] : memref<500000x128xf32, #tpu.memory_space<hbm>> -> memref<64x128xf32, #tpu.memory_space<hbm>>
    %dma_wait3A_157 = arith.constant 0 : i32
    %dma_wait3A_158 = arith.constant 0 : i32
    %dma_wait3A_159 = tpu.memref_slice %arg5[%dma_wait3A, %dma_wait3A_157, %dma_wait3A_158] : memref<6x64x128xf32, #tpu.memory_space<vmem>> -> memref<1x64x128xf32, #tpu.memory_space<vmem>>
    %dma_wait3A_160 = tpu.memref_squeeze %dma_wait3A_159 : memref<1x64x128xf32, #tpu.memory_space<vmem>> -> memref<64x128xf32, #tpu.memory_space<vmem>>
    tpu.wait_dma2 semaphore(%dma_wait3A_154 : memref<!tpu.dma_semaphore, #tpu.memory_space<semaphore_mem>>) src(%dma_wait3A_160 : memref<64x128xf32, #tpu.memory_space<vmem>>) dst(%dma_wait3A_156 : memref<64x128xf32, #tpu.memory_space<hbm>>)
    %sub3A_161 = arith.constant 1 : i32
    %sub3A_162 = arith.subi %add3A_10, %sub3A_161 : i32
    %sub3A_163 = arith.constant 1 : i32
    %sub3A_164 = arith.subi %add3A_10, %sub3A_163 : i32
    %sub3A_165 = arith.subi %sub3A_164, %add3A_4 : i32
    %sub3A_166 = arith.constant 1 : i32
    %sub3A_167 = arith.subi %sub3A_165, %sub3A_166 : i32
    %rem3A_168 = arith.constant 6 : i32
    %rem3A_169 = arith.remsi %sub3A_167, %rem3A_168 : i32
    %sub3A_170 = arith.subi %sub3A_162, %rem3A_169 : i32
    %mul3A_171 = arith.constant 64 : i32
    %mul3A_172 = arith.muli %mul3A_171, %sub3A_170 : i32
    %dma_wait3A_173 = arith.constant 1 : i32
    %dma_wait3A_174 = arith.constant 1 : i32
    %dma_wait3A_175 = arith.constant 0 : i32
    %dma_wait3A_176 = arith.constant 0 : i32
    %dma_wait3A_177 = tpu.memref_slice %arg5[%dma_wait3A_173, %dma_wait3A_175, %dma_wait3A_176] : memref<6x64x128xf32, #tpu.memory_space<vmem>> -> memref<1x64x128xf32, #tpu.memory_space<vmem>>
    %dma_wait3A_178 = tpu.memref_squeeze %dma_wait3A_177 : memref<1x64x128xf32, #tpu.memory_space<vmem>> -> memref<64x128xf32, #tpu.memory_space<vmem>>
    %dma_wait3A_179 = arith.constant 0 : i32
    %dma_wait3A_180 = tpu.memref_slice %arg3[%mul3A_172, %dma_wait3A_179] : memref<500000x128xf32, #tpu.memory_space<hbm>> -> memref<64x128xf32, #tpu.memory_space<hbm>>
    %dma_wait3A_181 = tpu.memref_slice %arg9[%dma_wait3A_174] : memref<6x!tpu.dma_semaphore, #tpu.memory_space<semaphore_mem>> -> memref<1x!tpu.dma_semaphore, #tpu.memory_space<semaphore_mem>>
    %dma_wait3A_182 = tpu.memref_squeeze %dma_wait3A_181 : memref<1x!tpu.dma_semaphore, #tpu.memory_space<semaphore_mem>> -> memref<!tpu.dma_semaphore, #tpu.memory_space<semaphore_mem>>
    %dma_wait3A_183 = arith.constant 0 : i32
    %dma_wait3A_184 = tpu.memref_slice %arg3[%mul3A_172, %dma_wait3A_183] : memref<500000x128xf32, #tpu.memory_space<hbm>> -> memref<64x128xf32, #tpu.memory_space<hbm>>
    %dma_wait3A_185 = arith.constant 0 : i32
    %dma_wait3A_186 = arith.constant 0 : i32
    %dma_wait3A_187 = tpu.memref_slice %arg5[%dma_wait3A_173, %dma_wait3A_185, %dma_wait3A_186] : memref<6x64x128xf32, #tpu.memory_space<vmem>> -> memref<1x64x128xf32, #tpu.memory_space<vmem>>
    %dma_wait3A_188 = tpu.memref_squeeze %dma_wait3A_187 : memref<1x64x128xf32, #tpu.memory_space<vmem>> -> memref<64x128xf32, #tpu.memory_space<vmem>>
    tpu.wait_dma2 semaphore(%dma_wait3A_182 : memref<!tpu.dma_semaphore, #tpu.memory_space<semaphore_mem>>) src(%dma_wait3A_188 : memref<64x128xf32, #tpu.memory_space<vmem>>) dst(%dma_wait3A_184 : memref<64x128xf32, #tpu.memory_space<hbm>>)
    %sub3A_189 = arith.constant 1 : i32
    %sub3A_190 = arith.subi %add3A_10, %sub3A_189 : i32
    %sub3A_191 = arith.constant 1 : i32
    %sub3A_192 = arith.subi %add3A_10, %sub3A_191 : i32
    %sub3A_193 = arith.subi %sub3A_192, %add3A_4 : i32
    %sub3A_194 = arith.constant 2 : i32
    %sub3A_195 = arith.subi %sub3A_193, %sub3A_194 : i32
    %rem3A_196 = arith.constant 6 : i32
    %rem3A_197 = arith.remsi %sub3A_195, %rem3A_196 : i32
    %sub3A_198 = arith.subi %sub3A_190, %rem3A_197 : i32
    %mul3A_199 = arith.constant 64 : i32
    %mul3A_200 = arith.muli %mul3A_199, %sub3A_198 : i32
    %dma_wait3A_201 = arith.constant 2 : i32
    %dma_wait3A_202 = arith.constant 2 : i32
    %dma_wait3A_203 = arith.constant 0 : i32
    %dma_wait3A_204 = arith.constant 0 : i32
    %dma_wait3A_205 = tpu.memref_slice %arg5[%dma_wait3A_201, %dma_wait3A_203, %dma_wait3A_204] : memref<6x64x128xf32, #tpu.memory_space<vmem>> -> memref<1x64x128xf32, #tpu.memory_space<vmem>>
    %dma_wait3A_206 = tpu.memref_squeeze %dma_wait3A_205 : memref<1x64x128xf32, #tpu.memory_space<vmem>> -> memref<64x128xf32, #tpu.memory_space<vmem>>
    %dma_wait3A_207 = arith.constant 0 : i32
    %dma_wait3A_208 = tpu.memref_slice %arg3[%mul3A_200, %dma_wait3A_207] : memref<500000x128xf32, #tpu.memory_space<hbm>> -> memref<64x128xf32, #tpu.memory_space<hbm>>
    %dma_wait3A_209 = tpu.memref_slice %arg9[%dma_wait3A_202] : memref<6x!tpu.dma_semaphore, #tpu.memory_space<semaphore_mem>> -> memref<1x!tpu.dma_semaphore, #tpu.memory_space<semaphore_mem>>
    %dma_wait3A_210 = tpu.memref_squeeze %dma_wait3A_209 : memref<1x!tpu.dma_semaphore, #tpu.memory_space<semaphore_mem>> -> memref<!tpu.dma_semaphore, #tpu.memory_space<semaphore_mem>>
    %dma_wait3A_211 = arith.constant 0 : i32
    %dma_wait3A_212 = tpu.memref_slice %arg3[%mul3A_200, %dma_wait3A_211] : memref<500000x128xf32, #tpu.memory_space<hbm>> -> memref<64x128xf32, #tpu.memory_space<hbm>>
    %dma_wait3A_213 = arith.constant 0 : i32
    %dma_wait3A_214 = arith.constant 0 : i32
    %dma_wait3A_215 = tpu.memref_slice %arg5[%dma_wait3A_201, %dma_wait3A_213, %dma_wait3A_214] : memref<6x64x128xf32, #tpu.memory_space<vmem>> -> memref<1x64x128xf32, #tpu.memory_space<vmem>>
    %dma_wait3A_216 = tpu.memref_squeeze %dma_wait3A_215 : memref<1x64x128xf32, #tpu.memory_space<vmem>> -> memref<64x128xf32, #tpu.memory_space<vmem>>
    tpu.wait_dma2 semaphore(%dma_wait3A_210 : memref<!tpu.dma_semaphore, #tpu.memory_space<semaphore_mem>>) src(%dma_wait3A_216 : memref<64x128xf32, #tpu.memory_space<vmem>>) dst(%dma_wait3A_212 : memref<64x128xf32, #tpu.memory_space<hbm>>)
    %sub3A_217 = arith.constant 1 : i32
    %sub3A_218 = arith.subi %add3A_10, %sub3A_217 : i32
    %sub3A_219 = arith.constant 1 : i32
    %sub3A_220 = arith.subi %add3A_10, %sub3A_219 : i32
    %sub3A_221 = arith.subi %sub3A_220, %add3A_4 : i32
    %sub3A_222 = arith.constant 3 : i32
    %sub3A_223 = arith.subi %sub3A_221, %sub3A_222 : i32
    %rem3A_224 = arith.constant 6 : i32
    %rem3A_225 = arith.remsi %sub3A_223, %rem3A_224 : i32
    %sub3A_226 = arith.subi %sub3A_218, %rem3A_225 : i32
    %mul3A_227 = arith.constant 64 : i32
    %mul3A_228 = arith.muli %mul3A_227, %sub3A_226 : i32
    %dma_wait3A_229 = arith.constant 3 : i32
    %dma_wait3A_230 = arith.constant 3 : i32
    %dma_wait3A_231 = arith.constant 0 : i32
    %dma_wait3A_232 = arith.constant 0 : i32
    %dma_wait3A_233 = tpu.memref_slice %arg5[%dma_wait3A_229, %dma_wait3A_231, %dma_wait3A_232] : memref<6x64x128xf32, #tpu.memory_space<vmem>> -> memref<1x64x128xf32, #tpu.memory_space<vmem>>
    %dma_wait3A_234 = tpu.memref_squeeze %dma_wait3A_233 : memref<1x64x128xf32, #tpu.memory_space<vmem>> -> memref<64x128xf32, #tpu.memory_space<vmem>>
    %dma_wait3A_235 = arith.constant 0 : i32
    %dma_wait3A_236 = tpu.memref_slice %arg3[%mul3A_228, %dma_wait3A_235] : memref<500000x128xf32, #tpu.memory_space<hbm>> -> memref<64x128xf32, #tpu.memory_space<hbm>>
    %dma_wait3A_237 = tpu.memref_slice %arg9[%dma_wait3A_230] : memref<6x!tpu.dma_semaphore, #tpu.memory_space<semaphore_mem>> -> memref<1x!tpu.dma_semaphore, #tpu.memory_space<semaphore_mem>>
    %dma_wait3A_238 = tpu.memref_squeeze %dma_wait3A_237 : memref<1x!tpu.dma_semaphore, #tpu.memory_space<semaphore_mem>> -> memref<!tpu.dma_semaphore, #tpu.memory_space<semaphore_mem>>
    %dma_wait3A_239 = arith.constant 0 : i32
    %dma_wait3A_240 = tpu.memref_slice %arg3[%mul3A_228, %dma_wait3A_239] : memref<500000x128xf32, #tpu.memory_space<hbm>> -> memref<64x128xf32, #tpu.memory_space<hbm>>
    %dma_wait3A_241 = arith.constant 0 : i32
    %dma_wait3A_242 = arith.constant 0 : i32
    %dma_wait3A_243 = tpu.memref_slice %arg5[%dma_wait3A_229, %dma_wait3A_241, %dma_wait3A_242] : memref<6x64x128xf32, #tpu.memory_space<vmem>> -> memref<1x64x128xf32, #tpu.memory_space<vmem>>
    %dma_wait3A_244 = tpu.memref_squeeze %dma_wait3A_243 : memref<1x64x128xf32, #tpu.memory_space<vmem>> -> memref<64x128xf32, #tpu.memory_space<vmem>>
    tpu.wait_dma2 semaphore(%dma_wait3A_238 : memref<!tpu.dma_semaphore, #tpu.memory_space<semaphore_mem>>) src(%dma_wait3A_244 : memref<64x128xf32, #tpu.memory_space<vmem>>) dst(%dma_wait3A_240 : memref<64x128xf32, #tpu.memory_space<hbm>>)
    %sub3A_245 = arith.constant 1 : i32
    %sub3A_246 = arith.subi %add3A_10, %sub3A_245 : i32
    %sub3A_247 = arith.constant 1 : i32
    %sub3A_248 = arith.subi %add3A_10, %sub3A_247 : i32
    %sub3A_249 = arith.subi %sub3A_248, %add3A_4 : i32
    %sub3A_250 = arith.constant 4 : i32
    %sub3A_251 = arith.subi %sub3A_249, %sub3A_250 : i32
    %rem3A_252 = arith.constant 6 : i32
    %rem3A_253 = arith.remsi %sub3A_251, %rem3A_252 : i32
    %sub3A_254 = arith.subi %sub3A_246, %rem3A_253 : i32
    %mul3A_255 = arith.constant 64 : i32
    %mul3A_256 = arith.muli %mul3A_255, %sub3A_254 : i32
    %dma_wait3A_257 = arith.constant 4 : i32
    %dma_wait3A_258 = arith.constant 4 : i32
    %dma_wait3A_259 = arith.constant 0 : i32
    %dma_wait3A_260 = arith.constant 0 : i32
    %dma_wait3A_261 = tpu.memref_slice %arg5[%dma_wait3A_257, %dma_wait3A_259, %dma_wait3A_260] : memref<6x64x128xf32, #tpu.memory_space<vmem>> -> memref<1x64x128xf32, #tpu.memory_space<vmem>>
    %dma_wait3A_262 = tpu.memref_squeeze %dma_wait3A_261 : memref<1x64x128xf32, #tpu.memory_space<vmem>> -> memref<64x128xf32, #tpu.memory_space<vmem>>
    %dma_wait3A_263 = arith.constant 0 : i32
    %dma_wait3A_264 = tpu.memref_slice %arg3[%mul3A_256, %dma_wait3A_263] : memref<500000x128xf32, #tpu.memory_space<hbm>> -> memref<64x128xf32, #tpu.memory_space<hbm>>
    %dma_wait3A_265 = tpu.memref_slice %arg9[%dma_wait3A_258] : memref<6x!tpu.dma_semaphore, #tpu.memory_space<semaphore_mem>> -> memref<1x!tpu.dma_semaphore, #tpu.memory_space<semaphore_mem>>
    %dma_wait3A_266 = tpu.memref_squeeze %dma_wait3A_265 : memref<1x!tpu.dma_semaphore, #tpu.memory_space<semaphore_mem>> -> memref<!tpu.dma_semaphore, #tpu.memory_space<semaphore_mem>>
    %dma_wait3A_267 = arith.constant 0 : i32
    %dma_wait3A_268 = tpu.memref_slice %arg3[%mul3A_256, %dma_wait3A_267] : memref<500000x128xf32, #tpu.memory_space<hbm>> -> memref<64x128xf32, #tpu.memory_space<hbm>>
    %dma_wait3A_269 = arith.constant 0 : i32
    %dma_wait3A_270 = arith.constant 0 : i32
    %dma_wait3A_271 = tpu.memref_slice %arg5[%dma_wait3A_257, %dma_wait3A_269, %dma_wait3A_270] : memref<6x64x128xf32, #tpu.memory_space<vmem>> -> memref<1x64x128xf32, #tpu.memory_space<vmem>>
    %dma_wait3A_272 = tpu.memref_squeeze %dma_wait3A_271 : memref<1x64x128xf32, #tpu.memory_space<vmem>> -> memref<64x128xf32, #tpu.memory_space<vmem>>
    tpu.wait_dma2 semaphore(%dma_wait3A_266 : memref<!tpu.dma_semaphore, #tpu.memory_space<semaphore_mem>>) src(%dma_wait3A_272 : memref<64x128xf32, #tpu.memory_space<vmem>>) dst(%dma_wait3A_268 : memref<64x128xf32, #tpu.memory_space<hbm>>)
    %sub3A_273 = arith.constant 1 : i32
    %sub3A_274 = arith.subi %add3A_10, %sub3A_273 : i32
    %sub3A_275 = arith.constant 1 : i32
    %sub3A_276 = arith.subi %add3A_10, %sub3A_275 : i32
    %sub3A_277 = arith.subi %sub3A_276, %add3A_4 : i32
    %sub3A_278 = arith.constant 5 : i32
    %sub3A_279 = arith.subi %sub3A_277, %sub3A_278 : i32
    %rem3A_280 = arith.constant 6 : i32
    %rem3A_281 = arith.remsi %sub3A_279, %rem3A_280 : i32
    %sub3A_282 = arith.subi %sub3A_274, %rem3A_281 : i32
    %mul3A_283 = arith.constant 64 : i32
    %mul3A_284 = arith.muli %mul3A_283, %sub3A_282 : i32
    %dma_wait3A_285 = arith.constant 5 : i32
    %dma_wait3A_286 = arith.constant 5 : i32
    %dma_wait3A_287 = arith.constant 0 : i32
    %dma_wait3A_288 = arith.constant 0 : i32
    %dma_wait3A_289 = tpu.memref_slice %arg5[%dma_wait3A_285, %dma_wait3A_287, %dma_wait3A_288] : memref<6x64x128xf32, #tpu.memory_space<vmem>> -> memref<1x64x128xf32, #tpu.memory_space<vmem>>
    %dma_wait3A_290 = tpu.memref_squeeze %dma_wait3A_289 : memref<1x64x128xf32, #tpu.memory_space<vmem>> -> memref<64x128xf32, #tpu.memory_space<vmem>>
    %dma_wait3A_291 = arith.constant 0 : i32
    %dma_wait3A_292 = tpu.memref_slice %arg3[%mul3A_284, %dma_wait3A_291] : memref<500000x128xf32, #tpu.memory_space<hbm>> -> memref<64x128xf32, #tpu.memory_space<hbm>>
    %dma_wait3A_293 = tpu.memref_slice %arg9[%dma_wait3A_286] : memref<6x!tpu.dma_semaphore, #tpu.memory_space<semaphore_mem>> -> memref<1x!tpu.dma_semaphore, #tpu.memory_space<semaphore_mem>>
    %dma_wait3A_294 = tpu.memref_squeeze %dma_wait3A_293 : memref<1x!tpu.dma_semaphore, #tpu.memory_space<semaphore_mem>> -> memref<!tpu.dma_semaphore, #tpu.memory_space<semaphore_mem>>
    %dma_wait3A_295 = arith.constant 0 : i32
    %dma_wait3A_296 = tpu.memref_slice %arg3[%mul3A_284, %dma_wait3A_295] : memref<500000x128xf32, #tpu.memory_space<hbm>> -> memref<64x128xf32, #tpu.memory_space<hbm>>
    %dma_wait3A_297 = arith.constant 0 : i32
    %dma_wait3A_298 = arith.constant 0 : i32
    %dma_wait3A_299 = tpu.memref_slice %arg5[%dma_wait3A_285, %dma_wait3A_297, %dma_wait3A_298] : memref<6x64x128xf32, #tpu.memory_space<vmem>> -> memref<1x64x128xf32, #tpu.memory_space<vmem>>
    %dma_wait3A_300 = tpu.memref_squeeze %dma_wait3A_299 : memref<1x64x128xf32, #tpu.memory_space<vmem>> -> memref<64x128xf32, #tpu.memory_space<vmem>>
    tpu.wait_dma2 semaphore(%dma_wait3A_294 : memref<!tpu.dma_semaphore, #tpu.memory_space<semaphore_mem>>) src(%dma_wait3A_300 : memref<64x128xf32, #tpu.memory_space<vmem>>) dst(%dma_wait3A_296 : memref<64x128xf32, #tpu.memory_space<hbm>>)
    %eq3A_301 = arith.constant 31 : i32
    %eq3A_302 = arith.cmpi eq, %add3A, %eq3A_301 : i32
    %convert_element_type3A = arith.extui %eq3A_302 : i1 to i32
    %cond3A = arith.constant 0 : i32
    %cond3A_303 = arith.cmpi ne, %convert_element_type3A, %cond3A : i32
    scf.if %cond3A_303 {
      "tpu.region"() ({
        %run_scoped3A = tpu.sem_alloc : memref<!tpu.dma_semaphore, #tpu.memory_space<semaphore_mem>>
        %dma_start3A_317 = arith.constant 0 : i32
        %dma_start3A_318 = arith.constant 999936 : i32
        %dma_start3A_319 = tpu.memref_slice %arg2[%dma_start3A_317, %dma_start3A_318] : memref<64x1000000xf32, #tpu.memory_space<hbm>> -> memref<64x64xf32, #tpu.memory_space<hbm>>
        %dma_start3A_320 = arith.constant 0 : i32
        %dma_start3A_321 = arith.constant 999936 : i32
        %dma_start3A_322 = tpu.memref_slice %arg2[%dma_start3A_320, %dma_start3A_321] : memref<64x1000000xf32, #tpu.memory_space<hbm>> -> memref<64x64xf32, #tpu.memory_space<hbm>>
        tpu.enqueue_dma source(%dma_start3A_322 : memref<64x64xf32, #tpu.memory_space<hbm>>) target(%arg6 : memref<64x64xf32, #tpu.memory_space<vmem>>) target_semaphore(%run_scoped3A : memref<!tpu.dma_semaphore, #tpu.memory_space<semaphore_mem>>)
        %dma_wait3A_323 = arith.constant 0 : i32
        %dma_wait3A_324 = arith.constant 999936 : i32
        %dma_wait3A_325 = tpu.memref_slice %arg2[%dma_wait3A_323, %dma_wait3A_324] : memref<64x1000000xf32, #tpu.memory_space<hbm>> -> memref<64x64xf32, #tpu.memory_space<hbm>>
        %dma_wait3A_326 = arith.constant 0 : i32
        %dma_wait3A_327 = arith.constant 999936 : i32
        %dma_wait3A_328 = tpu.memref_slice %arg2[%dma_wait3A_326, %dma_wait3A_327] : memref<64x1000000xf32, #tpu.memory_space<hbm>> -> memref<64x64xf32, #tpu.memory_space<hbm>>
        tpu.wait_dma2 semaphore(%run_scoped3A : memref<!tpu.dma_semaphore, #tpu.memory_space<semaphore_mem>>) src(%dma_wait3A_328 : memref<64x64xf32, #tpu.memory_space<hbm>>) dst(%arg6 : memref<64x64xf32, #tpu.memory_space<vmem>>)
        tpu.yield
      }) : () -> ()
      %iota3A = tpu.iota {dimensions = array<i32: 0>} : vector<16xi32>
      %add3A_304 = arith.constant 0 : i32
      %add3A_305 = vector.broadcast %add3A_304 : i32 to vector<16xi32>
      %add3A_306 = arith.addi %iota3A, %add3A_305 : vector<16xi32>
      %iota3A_307 = tpu.iota {dimensions = array<i32: 0>} : vector<16xi32>
      %add3A_308 = arith.constant 16 : i32
      %add3A_309 = vector.broadcast %add3A_308 : i32 to vector<16xi32>
      %add3A_310 = arith.addi %iota3A_307, %add3A_309 : vector<16xi32>
      %iota3A_311 = tpu.iota {dimensions = array<i32: 0>} : vector<16xi32>
      %mul3A_312 = arith.constant 2 : i32
      %mul3A_313 = vector.broadcast %mul3A_312 : i32 to vector<16xi32>
      %mul3A_314 = arith.muli %iota3A_311, %mul3A_313 : vector<16xi32>
      %parallel_loop3A = arith.constant 0 : i32
      %parallel_loop3A_315 = arith.constant 128 : i32
      %parallel_loop3A_316 = arith.constant 1 : i32
      scf.for %parallel_loop3A_317 = %parallel_loop3A to %parallel_loop3A_315 step %parallel_loop3A_316  : i32 {
        %parallel_loop3A_318 = arith.constant 63 : i32
        %parallel_loop3A_319 = arith.andi %parallel_loop3A_317, %parallel_loop3A_318 : i32
        %parallel_loop3A_320 = vector.broadcast %parallel_loop3A_319 : i32 to vector<16xi32>
        %parallel_loop3A_321 = arith.constant 6 : i32
        %parallel_loop3A_322 = arith.shrui %parallel_loop3A_317, %parallel_loop3A_321 : i32
        %parallel_loop3A_323 = vector.broadcast %parallel_loop3A_322 : i32 to vector<16xi32>
        %parallel_loop3A_324 = arith.addi %mul3A_314, %parallel_loop3A_323 : vector<16xi32>
        %parallel_loop3A_325 = arith.constant 0 : i32
        %parallel_loop3A_326 = vector.broadcast %parallel_loop3A_325 : i32 to vector<16xi32>
        %parallel_loop3A_327 = arith.addi %parallel_loop3A_324, %parallel_loop3A_326 : vector<16xi32>
        %parallel_loop3A_328 = tpu.vector_load_idx %arg6[%parallel_loop3A_320, %parallel_loop3A_327] : memref<64x64xf32, #tpu.memory_space<vmem>>[vector<16xi32>, vector<16xi32>], vector<16xf32>,
        %parallel_loop3A_329 = vector.broadcast %parallel_loop3A_317 : i32 to vector<16xi32>
        %parallel_loop3A_330 = arith.addi %add3A_306, %parallel_loop3A_329 : vector<16xi32>
        %parallel_loop3A_331 = arith.constant 127 : i32
        %parallel_loop3A_332 = vector.broadcast %parallel_loop3A_331 : i32 to vector<16xi32>
        %parallel_loop3A_333 = arith.andi %parallel_loop3A_330, %parallel_loop3A_332 : vector<16xi32>
        tpu.vector_store_idx %arg7[%add3A_306, %parallel_loop3A_333], %parallel_loop3A_328 : memref<32x128xf32, #tpu.memory_space<vmem>>[vector<16xi32>, vector<16xi32>], vector<16xf32>,
        %parallel_loop3A_334 = arith.constant 32 : i32
        %parallel_loop3A_335 = vector.broadcast %parallel_loop3A_334 : i32 to vector<16xi32>
        %parallel_loop3A_336 = arith.addi %parallel_loop3A_324, %parallel_loop3A_335 : vector<16xi32>
        %parallel_loop3A_337 = tpu.vector_load_idx %arg6[%parallel_loop3A_320, %parallel_loop3A_336] : memref<64x64xf32, #tpu.memory_space<vmem>>[vector<16xi32>, vector<16xi32>], vector<16xf32>,
        %parallel_loop3A_338 = vector.broadcast %parallel_loop3A_317 : i32 to vector<16xi32>
        %parallel_loop3A_339 = arith.addi %add3A_310, %parallel_loop3A_338 : vector<16xi32>
        %parallel_loop3A_340 = arith.constant 127 : i32
        %parallel_loop3A_341 = vector.broadcast %parallel_loop3A_340 : i32 to vector<16xi32>
        %parallel_loop3A_342 = arith.andi %parallel_loop3A_339, %parallel_loop3A_341 : vector<16xi32>
        tpu.vector_store_idx %arg7[%add3A_310, %parallel_loop3A_342], %parallel_loop3A_337 : memref<32x128xf32, #tpu.memory_space<vmem>>[vector<16xi32>, vector<16xi32>], vector<16xf32>,
      } {sc.loop_unroll_factor = 4 : i64, sc.parallel_access}
      "tpu.region"() ({
        %run_scoped3A = tpu.sem_alloc : memref<!tpu.dma_semaphore, #tpu.memory_space<semaphore_mem>>
        %dma_start3A_317 = arith.constant 499968 : i32
        %dma_start3A_318 = arith.constant 0 : i32
        %dma_start3A_319 = tpu.memref_slice %arg3[%dma_start3A_317, %dma_start3A_318] : memref<500000x128xf32, #tpu.memory_space<hbm>> -> memref<32x128xf32, #tpu.memory_space<hbm>>
        %dma_start3A_320 = arith.constant 499968 : i32
        %dma_start3A_321 = arith.constant 0 : i32
        %dma_start3A_322 = tpu.memref_slice %arg3[%dma_start3A_320, %dma_start3A_321] : memref<500000x128xf32, #tpu.memory_space<hbm>> -> memref<32x128xf32, #tpu.memory_space<hbm>>
        tpu.enqueue_dma source(%arg7 : memref<32x128xf32, #tpu.memory_space<vmem>>) target(%dma_start3A_322 : memref<32x128xf32, #tpu.memory_space<hbm>>) target_semaphore(%run_scoped3A : memref<!tpu.dma_semaphore, #tpu.memory_space<semaphore_mem>>)
        %dma_wait3A_323 = arith.constant 499968 : i32
        %dma_wait3A_324 = arith.constant 0 : i32
        %dma_wait3A_325 = tpu.memref_slice %arg3[%dma_wait3A_323, %dma_wait3A_324] : memref<500000x128xf32, #tpu.memory_space<hbm>> -> memref<32x128xf32, #tpu.memory_space<hbm>>
        %dma_wait3A_326 = arith.constant 499968 : i32
        %dma_wait3A_327 = arith.constant 0 : i32
        %dma_wait3A_328 = tpu.memref_slice %arg3[%dma_wait3A_326, %dma_wait3A_327] : memref<500000x128xf32, #tpu.memory_space<hbm>> -> memref<32x128xf32, #tpu.memory_space<hbm>>
        tpu.wait_dma2 semaphore(%run_scoped3A : memref<!tpu.dma_semaphore, #tpu.memory_space<semaphore_mem>>) src(%arg7 : memref<32x128xf32, #tpu.memory_space<vmem>>) dst(%dma_wait3A_328 : memref<32x128xf32, #tpu.memory_space<hbm>>)
        tpu.yield
      }) : () -> ()
    } else {
    }
    return
  }
}

</mosaic_0001>

<sc_bundles>
// kernel: _phase_a.3.cloned.1.call-start
scs
__scs_entry_jumppad:
0x0: {  	(pc) =	sbr.rel $0x88, $3  }
0x1: {  	(tag) =	ssettag $0x0;
	lr =	simm.s32 $0x1  }
0x2: {  	[smem:$0x3FA0] =	sst lr;
	_ =	strace $0xD0000000  }
0x3: {  	_ = 	snop  }
0x4: {  	_ = 	snop  }
0x5: {  	_ = 	snop  }
0x6: {  	_ = 	snop  }
0x7: {  	_ = 	snop  }
__scs_overlays_trampoline_lowered:
0x8: {  	[smem:$0x3FAF] =	sst s0  }
0x9: {  	[smem:$0x3FB0] =	sst s1  }
0xa: {  	[smem:$0x3FB1] =	sst s2  }
0xb: {  	[smem:$0x3FB2] =	sst s3  }
0xc: {  	[smem:$0x3FB3] =	sst s4  }
0xd: {  	[smem:$0x3FB4] =	sst s5  }
0xe: {  	[smem:$0x3FB5] =	sst s6  }
0xf: {  	[smem:$0x3FB6] =	sst s7  }
0x10: {  	[smem:$0x3FB7] =	sst s8  }
0x11: {  	[smem:$0x3FB8] =	sst s9;
	s0 =	simm.s32 @!p0 $0x0  }
0x12: {  	s1 =	sld [smem:$0x3F9E];
	s0 =	simm.s32 @p0 $0x1  }
0x13: {  	[smem:$0x3FB9] =	sst s0;
	s0 =	simm.s32 @!p1 $0x0  }
0x14: {  	s2 =	sld [smem:$0x3F9D];
	s0 =	simm.s32 @p1 $0x1  }
0x15: {  	[smem:$0x3FBA] =	sst s0;
	s0 =	simm.s32 @!p2 $0x0  }
0x16: {  	s3 =	sld [smem:$0x3FDB];
	s0 =	simm.s32 @p2 $0x1  }
0x17: {  	s4 =	simm.s32 $0x1BF5;
	[smem:$0x3FBC] =	sst s0  }
0x18: {  	s0 =	sld [smem:$0x3F9F];
	_ =	swait.ge [sflag:s4], $0x0  }
0x19: {  	s7 =	sld [smem:$0x3FA0]  }
0x1a: {  	s8 =	sadd.s32 $0xFFFFE003, lr  }
0x1b: {  	s9 =	sadd.s32 $0xFFFFFEF7, lr;
	s5 =	simm.s32 $0xFFFFFFFF;
	p2 =	slt.u32 s8, $0xFFFFF086  }
0x1c: {  	p1 =	slt.u32 s9, $0xF7A;
	s5 =	simm.s32 @!p2 $0x0  }
0x1d: {  	s5 =	simm.s32 @p1 $0x1;
	p0 =	seq.s32 s7, s2  }
0x1e: {  	s7 =	smul.u32 @!p0 $0xF7A, s2;
	p2 =	seq.s32 @!p0 s5, $0x0  }
0x1f: {  	s9 =	smul.u32 $0xF7A, s1;
	s8 =	simm.s32 @!p0 $0x1BF5;
	p2 =	por !p2, p0  }
0x20: {  	[sflag:s8] =	ssyncset.s32 @!p0 $0xFFFFF086;
	s6 =	sadd.s32 @!p0 s3, s7;
	s7 =	simm.s32 @!p0 $0x108  }
0x21: {  	s3 =	sadd.s32 s3, s9;
	s6 =	sadd.s32 @!p0 $0x88, s6;
	s7 =	simm.s32 @p2 $0x1082  }
0x22: {  	[simem:s7], [sflag:s8] =	dma.local @!p0 [hbm:s6], $0xF7A  }
0x23: {  	s9 =	sor.u32 $0xD0000000, s2;
	s6 =	simm.s32 $0x108;
	_ =	swait.ge @!p0 [sflag:s8], $0x0  }
0x24: {  	s3 =	sadd.s32 $0x88, s3;
	s6 =	simm.s32 @!p1 $0x1082;
	[sflag:s4] =	ssyncset.s32 $0xFFFFF086  }
0x25: {  	[simem:s6], [sflag:s4] =	dma.local [hbm:s3], $0xF7A  }
0x26: {  	[smem:$0x3FA0] =	sst s1;
	(tag) =	ssettag s2;
	_ =	strace s9  }
0x27: {  	s1 =	sld [smem:$0x3FB0]  }
0x28: {  	s2 =	sld [smem:$0x3FB1]  }
0x29: {  	s4 =	sld [smem:$0x3FB3]  }
0x2a: {  	p0 =	seq.s32 s5, $0x0;
	s5 =	sld [smem:$0x3FB4]  }
0x2b: {  	s6 =	sld [smem:$0x3FB5]  }
0x2c: {  	s7 =	sld [smem:$0x3FB6]  }
0x2d: {  	s3 =	simm.s32 $0x108;
	s8 =	sld [smem:$0x3FB7]  }
0x2e: {  	s3 =	simm.s32 @!p0 $0x1082;
	s9 =	sld [smem:$0x3FB8]  }
0x2f: {  	lr =	sadd.s32 s0, s3;
	s0 =	sld [smem:$0x3FAF]  }
0x30: {  	s3 =	sld [smem:$0x3FB2]  }
0x31: {  	[smem:$0x3FBB] =	sst s10  }
0x32: {  	s10 =	sld [smem:$0x3FB9];
	_ =	sdelay $0x3  }
0x33: {  	p0 =	seq.s32 s10, $0x1;
	s10 =	sld [smem:$0x3FBB];
	_ =	sdelay $0x3  }
0x34: {  	[smem:$0x3FBB] =	sst s10  }
0x35: {  	s10 =	sld [smem:$0x3FBA];
	_ =	sdelay $0x3  }
0x36: {  	p1 =	seq.s32 s10, $0x1;
	s10 =	sld [smem:$0x3FBB];
	_ =	sdelay $0x3  }
0x37: {  	[smem:$0x3FBB] =	sst s10  }
0x38: {  	s10 =	sld [smem:$0x3FBC]  }
0x39: {  	_ = 	snop;
	(pc) =	sbr.ind lr, $3  }
0x3a: {  	_ = 	snop  }
0x3b: {  	_ = 	snop  }
0x3c: {  	p2 =	seq.s32 s10, $0x1;
	s10 =	sld [smem:$0x3FBB]  }
0x3d: {  	_ =	shalt  }
0x3e: {  	_ =	shalt  }
0x3f: {  	_ =	shalt  }
0x40: {  	_ =	shalt  }
0x41: {  	_ =	shalt  }
0x42: {  	_ =	shalt  }
0x43: {  	_ =	shalt  }
0x44: {  	_ =	shalt  }
0x45: {  	_ =	shalt  }
0x46: {  	_ =	shalt  }
0x47: {  	_ =	shalt  }
0x48: {  	_ =	shalt  }
0x49: {  	_ =	shalt  }
0x4a: {  	_ =	shalt  }
0x4b: {  	_ =	shalt  }
0x4c: {  	_ =	shalt  }
0x4d: {  	_ =	shalt  }
0x4e: {  	_ =	shalt  }
0x4f: {  	_ =	shalt  }
0x50: {  	_ =	shalt  }
0x51: {  	_ =	shalt  }
0x52: {  	_ =	shalt  }
0x53: {  	_ =	shalt  }
0x54: {  	_ =	shalt  }
0x55: {  	_ =	shalt  }
0x56: {  	_ =	shalt  }
0x57: {  	_ =	shalt  }
0x58: {  	_ =	shalt  }
0x59: {  	_ =	shalt  }
0x5a: {  	_ =	shalt  }
0x5b: {  	_ =	shalt  }
0x5c: {  	_ =	shalt  }
0x5d: {  	_ =	shalt  }
0x5e: {  	_ =	shalt  }
0x5f: {  	_ =	shalt  }
0x60: {  	_ =	shalt  }
0x61: {  	_ =	shalt  }
0x62: {  	_ =	shalt  }
0x63: {  	_ =	shalt  }
0x64: {  	_ =	shalt  }
0x65: {  	_ =	shalt  }
0x66: {  	_ =	shalt  }
0x67: {  	_ =	shalt  }
0x68: {  	_ =	shalt  }
0x69: {  	_ =	shalt  }
0x6a: {  	_ =	shalt  }
0x6b: {  	_ =	shalt  }
0x6c: {  	_ =	shalt  }
0x6d: {  	_ =	shalt  }
0x6e: {  	_ =	shalt  }
0x6f: {  	_ =	shalt  }
0x70: {  	_ =	shalt  }
0x71: {  	_ =	shalt  }
0x72: {  	_ =	shalt  }
0x73: {  	_ =	shalt  }
0x74: {  	_ =	shalt  }
0x75: {  	_ =	shalt  }
0x76: {  	_ =	shalt  }
0x77: {  	_ =	shalt  }
0x78: {  	_ =	shalt  }
0x79: {  	_ =	shalt  }
0x7a: {  	_ =	shalt  }
0x7b: {  	_ =	shalt  }
0x7c: {  	_ =	shalt  }
0x7d: {  	_ =	shalt  }
0x7e: {  	_ =	shalt  }
0x7f: {  	_ =	shalt  }
0x80: {  	_ =	shalt  }
0x81: {  	_ =	shalt  }
0x82: {  	_ =	shalt  }
0x83: {  	_ =	shalt  }
0x84: {  	_ =	shalt  }
0x85: {  	_ =	shalt  }
0x86: {  	_ =	shalt  }
0x87: {  	_ =	shalt  }
.Lfunc_end0:
.L_simem_size_0:
called_computation_lowered:
.L_overlay_start_0:
0x88: {  	s2 =	sld [smem:$0x3FD9]  }
0x89: {  	s3 =	sld [smem:$0x3FFE];
	_ =	sdelay $0x1  }
0x8a: {  	s1 =	srdreg.scid  }
0x8b: {  	s0 =	sand.u32 $0x1, s1  }
0x8c: {  	s18 =	sshll.u32 s0, $0xA;
	s2 =	sadd.s32 s3, s2  }
0x8d: {  	s2 =	sadd.s32 s2, s18  }
0x8e: {  	[smem:$0x3FC7] =	sst s2  }
0x8f: {  	_ = 	snop  }
0x90: {  	s2 =	sld [smem:$0x3FC9]  }
0x91: {  	s19 =	sld [smem:$0x3FD0];
	(tm) =	ssettm $0x1  }
0x92: {  	s4 =	sld [smem:$0x3FFB];
	_ =	sdelay $0x3  }
0x93: {  	_ =	strace s4  }
0x94: {  	s4 =	sld [smem:$0x3FFC];
	_ =	sdelay $0x3  }
0x95: {  	_ =	strace s4  }
0x96: {  	s4 =	sld [smem:$0x3FFD];
	_ =	sdelay $0x3  }
0x97: {  	_ =	strace s4  }
0x98: {  	_ =	strace $0x8FFFFFFF  }
0x99: {  	s20 =	sld [smem:$0x3FDB];
	_ =	sdelay $0x1  }
0x9a: {  	s5 =	simm.s32 $_scs_section_size  }
0x9b: {  	s6 =	simm.s32 $_size__tile_overlayer_lowered;
	s7 =	simm.s32 $_tile_overlayer_lowered  }
0x9c: {  	s23 =	simm.s32 $0x1BFF;
	s22 =	sshll.u32 s7, $0x1;
	s4 =	sadd.s32 s5, s20  }
0x9d: {  	s8 =	simm.s32 $0x0;
	s21 =	sshll.u32 s6, $0x1;
	s6 =	sadd.s32 s22, s4  }
0x9e: {  	[timem:s8], [sflag:s23] =	dma.local [hbm:s6], s21  }
0x9f: {  	_ =	swait.ge [sflag:s23], s21  }
0xa0: {  	s5 =	ssub.s32 $0x0, s21;
	[sflag:s23] =	ssyncset.done $0x0  }
0xa1: {  	[sflag:s23] =	ssyncadd.s32 s5;
	_ =	sdelay $0x1  }
0xa2: {  	s24 =	simm.s32 $0x1B8B  }
0xa3: {  	_ =	swait.ge [sflag:s24], $0x1  }
0xa4: {  	[sflag:s24] =	ssyncset.done $0x0  }
0xa5: {  	s25 =	simm.s32 $0x1B8E;
	[sflag:s24] =	ssyncadd.s32 $0xFFFFFFFF  }
0xa6: {  	s26 =	simm.s32 $execute0_lowered;
	[smem:$0x3FD2] =	sst s25  }
0xa7: {  	s5 =	sshll.u32 s26, $0x1;
	_ =	strace $0x80000046;
	[dreg:$0x1] =	wrdreg $0xFFFFFFFF  }
0xa8: {  	s28 =	simm.s32 $_size_execute0_lowered;
	s4 =	sadd.s32 s4, s5;
	[dreg:$0x0] =	wrdreg $0x0  }
0xa9: {  	s5 =	sshll.u32 s28, $0x1;
	[dreg:$0x2] =	wrdreg s4  }
0xaa: {  	[dreg:$0x3] =	wrdreg s5  }
0xab: {  	[dreg:$0x4] =	wrdreg $0xC0  }
0xac: {  	_ =	task [dreg:s8], $0x5FFFF  }
0xad: {  	[dreg:$0x1] =	wrdreg $0xFFFFFFFF  }
0xae: {  	[dreg:$0x0] =	wrdreg $0x60  }
0xaf: {  	[dreg:$0x2] =	wrdreg s2  }
0xb0: {  	[dreg:$0x3] =	wrdreg s19  }
0xb1: {  	[dreg:$0x4] =	wrdreg $0x9  }
0xb2: {  	_ =	task.clear_ibuf [dreg:s8], $0x5FFFF;
	_ =	strace $0x90000046  }
0xb3: {  	s29 =	simm.s32 $0x9;
	_ =	strace $0x80000048  }
0xb4: {  	_ =	swait.ge [sflag:s29], $0x1  }
0xb5: {  	[sflag:s29] =	ssyncadd.s32 $0xFFFFFFFF  }
0xb6: {  	_ =	strace $0x90000048  }
0xb7: {  	_ =	sfence  }
0xb8: {  	s30 =	sld [smem:$0x0];
	_ =	sdelay $0x2  }
0xb9: {  	s31 =	sshll.u32 s1, $0xD;
	s1 =	sshrl.u32 s1, $0x2  }
0xba: {  	s3 =	sand.u32 $0x4000, s31;
	s1 =	sadd.s32 s1, s30  }
0xbb: {  	s0 =	sor.u32 s3, s0;
	s1 =	sshll.u32 s1, $0x11  }
0xbc: {  	s0 =	sor.u32 s1, s0  }
0xbd: {  	s0 =	sadd.s32 $0x8F2B, s0  }
0xbe: {  	[sflag:s0] =	ssyncadd.remote.s32 $0x1  }
0xbf: {  	_ =	sfence.sel $0xFFFF  }
0xc0: {  	[dreg:$0x0] =	wrdreg $0xFFFFFFFF;
	(pc) =	sbr.abs _section_cstart, $3  }
0xc1: {  	[dreg:$0x1] =	wrdreg $0xFFFFFFFF  }
0xc2: {  	_ =	task.clear_ibuf [dreg:s8], $0x2FFFF;
	_ =	strace $0x9FFFFFFF  }
0xc3: {  	(tm) =	ssettm $0x7FFFFFFF  }
tec
execute0_lowered:
.L_overlay_start_1:
0x0: {  	(tag) =	ssettag $0x1  }
0x1: {  	s2 =	rddreg [dreg:$0x0]  }
0x2: {  	s0 =	srdreg.scid;
	s1 =	stileid.u32  }
0x3: {  	s9 =	rddreg [dreg:$0x1];
	s4 =	simm.s32 $0x0;
	s19 =	simm.s32 $0x2000  }
0x4: {  	s20 =	simm.s32 $0x4000;
	s21 =	simm.s32 $0x6000;
	s22 =	simm.s32 $0x8000  }
0x5: {  	s28 =	simm.s32 $0xE000;
	s30 =	simm.s32 $0x10000;
	s14 =	simm.s32 $0x14000  }
0x6: {  	s10 =	simm.s32 $0x18000;
	s12 =	simm.s32 $0x1A000;
	s0 =	sand.u32 $0x1, s0  }
0x7: {  	s1 =	sshll.u32 s1, $0x1;
	[smem:$0x7FF] =	sst s4;
	s31 =	sadd.s32 $0x7A1000, s9  }
0x8: {  	s1 =	sor.u32 s0, s1;
	s0 =	ssub.s32 $0x2, s0;
	_ =	strace $0x80000047  }
0x9: {  	[dreg:$0xc] =	wrdreg s31;
	s5 =	smul.u32 $0xF4, s1;
	s7 =	sshrl.u32 s0, $0x1  }
0xa: {  	s6 =	smin.u32 s1, $0x5;
	p0 =	slt.u32 s1, $0x5;
	s0 =	ssub.s32 s0, s7  }
0xb: {  	s3 =	sadd.s32 s6, s5;
	s6 =	simm.s32 $0xF5;
	s0 =	smax.u32 s0, $0x1  }
0xc: {  	s6 =	simm.s32 @!p0 $0xF4;
	p0 =	seq.s32 s1, $0x1F;
	[dreg:$0x3] =	wrdreg s3  }
0xd: {  	s5 =	sshll.u32 s3, $0x7;
	[dreg:$0xd] =	wrdreg s0;
	s6 =	simm.s32 @p0 $0xF3  }
0xe: {  	s5 =	sadd.s32 s2, s5;
	s2 =	sadd.s32 $0xF4200, s2;
	[dreg:$0x4] =	wrdreg s6  }
0xf: {  	p0 =	sne.s32 s1, $0x1F;
	s1 =	simm.s32 $0x12000;
	[dreg:$0x5] =	wrdreg s5  }
0x10: {  	s8 =	sadd.s32 s3, s6;
	s23 =	sadd.s32 $0x80, s5;
	[dreg:$0xb] =	wrdreg s2  }
.Ltmp0:
0x11: {  	v0 =	vlaneseq.u32;
	s24 =	sadd.s32 $0x100, s5;
	[dreg:$0x6] =	wrdreg s23;
	(pc) =	sbr.rel .LBB2_1-.Ltmp0, $4  }
0x12: {  	v1 =	vmul.u32 $0x2, v0;
	v2 =	vmul.u32 $0x80, v0;
	s25 =	sadd.s32 $0x180, s5;
	s26 =	sadd.s32 $0x200, s5;
	[dreg:$0x7] =	wrdreg s24  }
0x13: {  	v4 =	vor.u32 $0x10, v0;
	v7 =	vor.u32 $0x20, v0;
	v10 =	vor.u32 $0x30, v0;
	s29 =	sadd.s32 $0x280, s5;
	s3 =	smov.u32 s9;
	[dreg:$0x8] =	wrdreg s25  }
0x14: {  	v3 =	vor.u32 $0x20, v1;
	v5 =	vor.u32 $0x800, v2;
	v6 =	vor.u32 $0x40, v1;
	s9 =	simm.s32 $0x16000;
	s2 =	simm.s32 $0x0;
	[dreg:$0x9] =	wrdreg s26  }
0x15: {  	v8 =	vor.u32 $0x1000, v2;
	v9 =	vor.u32 $0x60, v1;
	v11 =	vor.u32 $0x1800, v2;
	[dreg:$0xa] =	wrdreg s29;
	s23 =	simm.s32 $0xA000;
	s25 =	simm.s32 $0xC000  }
.LBB2_53:
0x16: {  	_ = 	snop  }
.LBB2_58:
0x17: {  	_ =	sdelay $0x3  }
0x18: {  	[tilespmem:v34+s12+$0x0] =	vst.idx.msk @p1 $0xffff, v27;
	v59 =	vadd.s32 s0, v4  }
0x19: {  	[tilespmem:v28+s12+$0x0] =	vst.idx.msk $0xffff, v24;
	v60 =	vand.u32 $0x7F, v59  }
0x1a: {  	[tilespmem:v15+s12+$0x0] =	vst.idx.msk $0xffff, v21;
	v61 =	vld.idx.msk [tilespmem:v26+s10+$0x0], $0xffff;
	v62 =	vor.u32 v5, v60  }
0x1b: {  	v20 =	vld.idx.msk [tilespmem:v20+s10+$0x0], $0xffff;
	[tilespmem:v16+s12+$0x0] =	vst.idx.msk $0xffff, v22  }
0x1c: {  	v16 =	vld.idx.msk [tilespmem:v18+s10+$0x0], $0xffff;
	[tilespmem:v12+s12+$0x0] =	vst.idx.msk $0xffff, v23  }
0x1d: {  	v63 =	vor.u32 v5, v30;
	[tilespmem:v33+s12+$0x0] =	vst.idx.msk @p1 $0xffff, v25;
	v18 =	vmov @p1 v29;
	v19 =	vld.idx.msk [tilespmem:v19+s10+$0x0], $0xffff  }
0x1e: {  	[tilespmem:v17+s12+$0x0] =	vst.idx.msk @p1 $0xffff, v18  }
0x1f: {  	[tilespmem:v62+s12+$0x0] =	vst.idx.msk $0xffff, v61  }
0x20: {  	[tilespmem:v14+s12+$0x0] =	vst.idx.msk $0xffff, v20  }
0x21: {  	[tilespmem:v13+s12+$0x0] =	vst.idx.msk $0xffff, v16  }
0x22: {  	[tilespmem:v63+s12+$0x0] =	vst.idx.msk $0xffff, v19  }
0x23: {  	s31 =	simm.s32 $0xD;
	s29 =	rddreg [dreg:$0xc]  }
0x24: {  	[hbm4b:s29+s4] =	stream.linear.scatter [tilespmem:s12], [sflag:$0xD], $0x1000, $0x38;
	[tilespmem:$0x1B000] =	vst v63  }
0x25: {  	_ =	swait.ge [sflag:s31], $0x1000  }
0x26: {  	[sflag:s31] =	ssyncset.done $0x0  }
0x27: {  	s2 =	rddreg [dreg:$0xe];
	[sflag:s31] =	ssyncadd.s32 $0xFFFFF000  }
.LBB2_59:
0x28: {  	s2 =	sadd.s32 $0x1, s2;
	s0 =	rddreg [dreg:$0xd]  }
0x29: {  	p1 =	sne.s32 s2, s0  }
.Ltmp1:
0x2a: {  	_ = 	snop;
	(pc) =	sbr.rel @!p1 .LBB2_60-.Ltmp1, $1  }
0x2b: {  	_ =	sdelay $0x3  }
.LBB2_1:
0x2c: {  	s0 =	rddreg [dreg:$0x5];
	s17 =	simm.s32 $0x400;
	s5 =	simm.s32 $0x7A1400  }
0x2d: {  	[tilespmem:s4], [sflag:$0x1] =	stream.strided.gather [hbm4b:s0+s17], $0x2000, s5, s17, $0x38;
	[tilespmem:$0x1B000] =	vst v63  }
0x2e: {  	s18 =	rddreg [dreg:$0x6]  }
0x2f: {  	[tilespmem:s19], [sflag:$0x2] =	stream.strided.gather [hbm4b:s18+s17], $0x2000, s5, s17, $0x38;
	[tilespmem:$0x1B000] =	vst v63  }
0x30: {  	s24 =	rddreg [dreg:$0x7]  }
0x31: {  	[tilespmem:s20], [sflag:$0x3] =	stream.strided.gather [hbm4b:s24+s17], $0x2000, s5, s17, $0x38;
	[tilespmem:$0x1B000] =	vst v63  }
0x32: {  	s26 =	rddreg [dreg:$0x8]  }
0x33: {  	[tilespmem:s21], [sflag:$0x4] =	stream.strided.gather [hbm4b:s26+s17], $0x2000, s5, s17, $0x38;
	[tilespmem:$0x1B000] =	vst v63  }
.Ltmp2:
0x34: {  	[dreg:$0xe] =	wrdreg s2;
	(pc) =	sbr.rel .LBB2_2-.Ltmp2, $4  }
0x35: {  	s29 =	rddreg [dreg:$0x9]  }
0x36: {  	[tilespmem:s22], [sflag:$0x5] =	stream.strided.gather [hbm4b:s29+s17], $0x2000, s5, s17, $0x38;
	[tilespmem:$0x1B000] =	vst v63  }
0x37: {  	s31 =	rddreg [dreg:$0xa];
	s16 =	simm.s32 $0x0  }
0x38: {  	[tilespmem:s23], [sflag:$0x6] =	stream.strided.gather [hbm4b:s31+s17], $0x2000, s5, s17, $0x38;
	[tilespmem:$0x1B000] =	vst v63  }
.LBB2_44:
0x39: {  	_ = 	snop  }
.LBB2_49:
0x3a: {  	_ =	sdelay $0x2  }
0x3b: {  	v20 =	vadd.s32 s24, v4  }
0x3c: {  	[tilespmem:v38+s9+$0x0] =	vst.idx.msk $0xffff, v22;
	v20 =	vand.u32 $0x7F, v20  }
0x3d: {  	v13 =	vld.idx.msk [tilespmem:v13+s23+$0x0], $0xffff;
	v20 =	vor.u32 v5, v20  }
0x3e: {  	v21 =	vor.u32 s26, v42  }
0x3f: {  	[tilespmem:v28+s9+$0x0] =	vst.idx.msk $0xffff, v33  }
0x40: {  	[tilespmem:v26+s9+$0x0] =	vst.idx.msk $0xffff, v27;
	v56 =	vld.idx.msk [tilespmem:v39+s23+$0x0], $0xffff  }
0x41: {  	v24 =	vld.idx.msk [tilespmem:v24+s23+$0x0], $0xffff;
	[tilespmem:v35+s9+$0x0] =	vst.idx.msk $0xffff, v36  }
0x42: {  	v19 =	vand.u32 $0x7F, v19;
	v55 =	vld.idx.msk [tilespmem:v30+s23+$0x0], $0xffff;
	[tilespmem:v20+s9+$0x0] =	vst.idx.msk $0xffff, v13  }
0x43: {  	v23 =	vor.u32 s17, v17;
	v57 =	vor.u32 v8, v19;
	v58 =	vld.idx.msk [tilespmem:v21+s23+$0x0], $0xffff  }
0x44: {  	[tilespmem:v29+s9+$0x0] =	vst.idx.msk @p1 $0xffff, v40;
	v59 =	vor.u32 s26, v17  }
0x45: {  	[tilespmem:v18+s9+$0x0] =	vst.idx.msk $0xffff, v56  }
0x46: {  	v14 =	vor.u32 v11, v14;
	[tilespmem:v32+s9+$0x0] =	vst.idx.msk $0xffff, v24;
	v16 =	vld.idx.msk [tilespmem:v16+s23+$0x0], $0xffff  }
0x47: {  	v61 =	vadd.s32 s24, v10;
	v62 =	vld.idx.msk [tilespmem:v25+s23+$0x0], $0xffff;
	[tilespmem:v15+s9+$0x0] =	vst.idx.msk $0xffff, v55  }
0x48: {  	v60 =	vor.u32 v11, v31;
	v20 =	vand.u32 $0x7F, v61;
	v15 =	vld.idx.msk [tilespmem:v23+s23+$0x0], $0xffff;
	[tilespmem:v57+s9+$0x0] =	vst.idx.msk $0xffff, v58  }
0x49: {  	[tilespmem:v37+s9+$0x0] =	vst.idx.msk @p1 $0xffff, v34;
	v63 =	vor.u32 v11, v20;
	v17 =	vld.idx.msk [tilespmem:v59+s23+$0x0], $0xffff  }
0x4a: {  	[tilespmem:v43+s9+$0x0] =	vst.idx.msk @p1 $0xffff, v41  }
0x4b: {  	[tilespmem:v14+s9+$0x0] =	vst.idx.msk $0xffff, v16  }
0x4c: {  	s0 =	sshll.u32 s11, $0xA;
	[tilespmem:v12+s9+$0x0] =	vst.idx.msk $0xffff, v62  }
0x4d: {  	s0 =	sand.u32 $0x1FFFFC00, s0;
	[tilespmem:v60+s9+$0x0] =	vst.idx.msk $0xffff, v15  }
0x4e: {  	s0 =	sadd.s32 s3, s0;
	[tilespmem:v63+s9+$0x0] =	vst.idx.msk $0xffff, v17  }
0x4f: {  	[hbm4b:s0+s4] =	stream.linear.scatter [tilespmem:s9], [sflag:$0xC], $0x2000, $0x38;
	[tilespmem:$0x1B000] =	vst v63  }
0x50: {  	s0 =	sadd.s32 $0xB, s7  }
0x51: {  	p1 =	sge.u32 s0, s8  }
0x52: {  	s0 =	sshll.u32 @!p1 s0, $0x7  }
0x53: {  	s2 =	rddreg [dreg:$0x0];
	s5 =	simm.s32 @!p1 $0x7A1400;
	s0 =	sand.u32 @!p1 $0x1FFFFF80, s0  }
0x54: {  	s6 =	simm.s32 @!p1 $0xA000;
	s0 =	sadd.s32 @!p1 s2, s0;
	s2 =	simm.s32 @!p1 $0x400  }
0x55: {  	[tilespmem:s6], [sflag:$0x6] =	stream.strided.gather @!p1 [hbm4b:s0+s2], $0x2000, s5, s2, $0x38;
	[tilespmem:$0x1B000] =	vst v63  }
.LBB2_50:
0x56: {  	s16 =	sadd.s32 $0x1, s16  }
0x57: {  	p1 =	sne.s32 s16, $0x29  }
.Ltmp3:
0x58: {  	_ = 	snop;
	(pc) =	sbr.rel @!p1 .LBB2_51-.Ltmp3, $1  }
0x59: {  	_ =	sdelay $0x3  }
.LBB2_2:
0x5a: {  	s0 =	smul.u32 $0x6, s16  }
0x5b: {  	s2 =	rddreg [dreg:$0x4]  }
0x5c: {  	p2 =	sge.u32 s0, s2  }
.Ltmp4:
0x5d: {  	_ = 	snop;
	(pc) =	sbr.rel @p2 .LBB2_10-.Ltmp4, $3  }
0x5e: {  	_ =	sdelay $0x1  }
0x5f: {  	s31 =	rddreg [dreg:$0x3]  }
0x60: {  	p1 =	seq.s32 s16, $0x0;
	s7 =	sadd.s32 s31, s0  }
0x61: {  	s15 =	simm.s32 $0x0  }
0x62: {  	s17 =	simm.s32 $0x1;
	s0 =	simm.s32 $0x0;
	v12 =	vadd.s32 s15, v0  }
0x63: {  	s18 =	simm.s32 $0x2;
	v13 =	vadd.s32 s17, v0;
	v14 =	vor.u32 s0, v1;
	v15 =	vor.u32 s0, v3  }
0x64: {  	s13 =	simm.s32 $0x3;
	s2 =	simm.s32 $0x1;
	v17 =	vadd.s32 s18, v0;
	v18 =	vadd.s32 s18, v4;
	v20 =	vadd.s32 s15, v7  }
0x65: {  	s5 =	sand.u32 $0x3C, s15;
	s31 =	sand.u32 $0x3F, s13;
	s26 =	sand.u32 $0x3D, s17;
	v22 =	vadd.s32 s17, v4;
	v42 =	vor.u32 s0, v6;
	v12 =	vand.u32 $0x7F, v12  }
0x66: {  	_ =	swait.ge [sflag:s2], $0x2000;
	s11 =	sshll.u32 s5, $0x7;
	v13 =	vand.u32 $0x7F, v13;
	v17 =	vand.u32 $0x7F, v17;
	s6 =	sshll.u32 s26, $0x7;
	v25 =	vand.u32 $0x7F, v18  }
0x67: {  	s24 =	sshll.u32 s31, $0x7;
	[sflag:s2] =	ssyncset.done $0x0;
	s31 =	sand.u32 $0x3E, s18;
	v18 =	vadd.s32 s18, v7;
	v16 =	vor.u32 s11, v14;
	v21 =	vor.u32 s6, v14  }
0x68: {  	s29 =	simm.s32 @!p1 $0x7;
	v19 =	vor.u32 s24, v14;
	[sflag:s2] =	ssyncadd.s32 $0xFFFFE000;
	v23 =	vor.u32 v2, v13;
	s26 =	sshll.u32 s31, $0x7;
	v24 =	vor.u32 v2, v17  }
0x69: {  	v29 =	vor.u32 s11, v15;
	v13 =	vor.u32 s24, v15;
	_ =	swait.ge @!p1 [sflag:s29], $0x2000;
	v14 =	vor.u32 s26, v14  }
0x6a: {  	v17 =	vadd.s32 s15, v4;
	v30 =	vor.u32 v2, v12;
	v12 =	vadd.s32 s17, v7;
	[sflag:s29] =	ssyncset.done @!p1 $0x0  }
0x6b: {  	v39 =	vor.u32 s6, v42;
	v27 =	vor.u32 s26, v15;
	v34 =	vand.u32 $0x7F, v17;
	[sflag:s29] =	ssyncadd.s32 @!p1 $0xFFFFE000  }
0x6c: {  	v17 =	vand.u32 $0x7F, v22;
	v26 =	vand.u32 $0x7F, v12;
	v12 =	vand.u32 $0x7F, v18;
	v21 =	vld.idx.msk [tilespmem:v21+s4+$0x0], $0xffff  }
0x6d: {  	v18 =	vand.u32 $0x7F, v20;
	v20 =	vor.u32 s6, v15;
	v15 =	vadd.s32 s17, v10;
	v16 =	vld.idx.msk [tilespmem:v16+s4+$0x0], $0xffff  }
0x6e: {  	v22 =	vadd.s32 s18, v10;
	v32 =	vor.u32 v8, v12;
	v35 =	vld.idx.msk [tilespmem:v14+s4+$0x0], $0xffff;
	v14 =	vadd.s32 s15, v10  }
0x6f: {  	p3 =	por $0x1, $0x1;
	v31 =	vand.u32 $0x7F, v14;
	v14 =	vand.u32 $0x7F, v15;
	v15 =	vand.u32 $0x7F, v22  }
.Ltmp5:
0x70: {  	v28 =	vor.u32 v5, v17;
	v17 =	vor.u32 s0, v9;
	v22 =	vld.idx.msk [tilespmem:v19+s4+$0x0], $0xffff;
	v12 =	vor.u32 v11, v15;
	(pc) =	sbr.rel @!p3 .LBB2_4-.Ltmp5, $4  }
0x71: {  	v19 =	vadd.s32 s13, v7;
	v15 =	vor.u32 v8, v18;
	v18 =	vor.u32 v8, v26;
	[tilespmem:v23+s25+$0x0] =	vst.idx.msk $0xffff, v21  }
0x72: {  	v26 =	vor.u32 v5, v25;
	v25 =	vor.u32 s26, v17;
	v21 =	vadd.s32 s13, v0;
	[tilespmem:v30+s25+$0x0] =	vst.idx.msk $0xffff, v16;
	v33 =	vld.idx.msk [tilespmem:v20+s4+$0x0], $0xffff  }
0x73: {  	v16 =	vor.u32 s6, v17;
	v30 =	vor.u32 s11, v42;
	v20 =	vand.u32 $0x7F, v21;
	[tilespmem:v24+s25+$0x0] =	vst.idx.msk $0xffff, v35;
	v36 =	vld.idx.msk [tilespmem:v29+s4+$0x0], $0xffff  }
0x74: {  	p2 =	por $0x0, $0x0;
	s17 =	simm.s32 $0x7;
	v35 =	vor.u32 v5, v34;
	v24 =	vor.u32 s26, v42;
	v38 =	vor.u32 v2, v20;
	v27 =	vld.idx.msk [tilespmem:v27+s4+$0x0], $0xffff  }
0x75: {  	s15 =	simm.s32 $0x4;
	v23 =	vor.u32 s11, v17;
	v20 =	vadd.s32 s13, v4;
	v21 =	vor.u32 s24, v42  }
0x76: {  	s29 =	simm.s32 $0x5;
	s26 =	simm.s32 $0x0;
	v19 =	vand.u32 $0x7F, v19;
	v63 =	vor.u32 s24, v17;
	v29 =	vadd.s32 s15, v0  }
0x77: {  	s31 =	simm.s32 $0x6;
	v34 =	vadd.s32 s29, v0;
	v20 =	vand.u32 $0x7F, v20;
	v37 =	vor.u32 s26, v1  }
0x78: {  	v40 =	vor.u32 s26, v3;
	v51 =	vadd.s32 s31, v0;
	v41 =	vadd.s32 s31, v4  }
0x79: {  	s0 =	sand.u32 $0x3C, s15;
	v54 =	vadd.s32 s15, v7;
	v59 =	vadd.s32 s15, v4;
	v45 =	vadd.s32 s29, v4  }
0x7a: {  	[tilespmem:v38+s25+$0x0] =	vst.idx.msk $0xffff, v22;
	s6 =	sand.u32 $0x3D, s29;
	v60 =	vadd.s32 s31, v7;
	v61 =	vor.u32 v8, v19;
	v42 =	vor.u32 s26, v6;
	s11 =	sshll.u32 s0, $0x7  }
0x7b: {  	s5 =	sand.u32 $0x3F, s17;
	s2 =	sand.u32 $0x3E, s31;
	v29 =	vand.u32 $0x7F, v29;
	[tilespmem:v28+s25+$0x0] =	vst.idx.msk $0xffff, v33;
	v22 =	vand.u32 $0x7F, v34;
	s0 =	sshll.u32 s6, $0x7;
	v28 =	vor.u32 s11, v37  }
0x7c: {  	s18 =	sshll.u32 s5, $0x7;
	v57 =	vld.idx.msk [tilespmem:v13+s4+$0x0], $0xffff;
	s5 =	sshll.u32 s2, $0x7;
	v20 =	vor.u32 v5, v20;
	v55 =	vor.u32 v2, v22;
	v22 =	vor.u32 s0, v37  }
0x7d: {  	v33 =	vand.u32 $0x7F, v51;
	v52 =	vor.u32 s18, v37;
	v53 =	vld.idx.msk [tilespmem:v39+s4+$0x0], $0xffff;
	v56 =	vor.u32 s5, v37;
	[tilespmem:v35+s25+$0x0] =	vst.idx.msk $0xffff, v36  }
0x7e: {  	v13 =	vor.u32 s18, v40;
	v41 =	vand.u32 $0x7F, v41;
	v46 =	vand.u32 $0x7F, v59;
	v30 =	vld.idx.msk [tilespmem:v30+s4+$0x0], $0xffff;
	[tilespmem:v26+s25+$0x0] =	vst.idx.msk $0xffff, v27  }
0x7f: {  	v43 =	vor.u32 v2, v33;
	v44 =	vor.u32 s11, v40;
	v58 =	vor.u32 s5, v40;
	v24 =	vld.idx.msk [tilespmem:v24+s4+$0x0], $0xffff  }
0x80: {  	v36 =	vand.u32 $0x7F, v60;
	v39 =	vand.u32 $0x7F, v54;
	v35 =	vor.u32 v5, v46;
	v26 =	vld.idx.msk [tilespmem:v28+s4+$0x0], $0xffff  }
0x81: {  	v62 =	vor.u32 s0, v40;
	v27 =	vor.u32 v2, v29;
	v29 =	vadd.s32 s29, v7;
	[tilespmem:v20+s25+$0x0] =	vst.idx.msk $0xffff, v57;
	v19 =	vld.idx.msk [tilespmem:v22+s4+$0x0], $0xffff  }
0x82: {  	v20 =	vadd.s32 s15, v10;
	v28 =	vand.u32 $0x7F, v45;
	[tilespmem:v18+s25+$0x0] =	vst.idx.msk $0xffff, v53;
	v18 =	vand.u32 $0x7F, v29;
	v17 =	vld.idx.msk [tilespmem:v56+s4+$0x0], $0xffff  }
0x83: {  	v22 =	vadd.s32 s29, v10;
	v29 =	vor.u32 v11, v14;
	v20 =	vand.u32 $0x7F, v20;
	[tilespmem:v15+s25+$0x0] =	vst.idx.msk $0xffff, v30;
	v30 =	vld.idx.msk [tilespmem:v21+s4+$0x0], $0xffff  }
0x84: {  	v14 =	vand.u32 $0x7F, v22;
	v21 =	vor.u32 v8, v36;
	v22 =	vld.idx.msk [tilespmem:v52+s4+$0x0], $0xffff;
	v28 =	vor.u32 v5, v28  }
0x85: {  	v15 =	vadd.s32 s31, v10;
	v40 =	vld.idx.msk [tilespmem:v16+s4+$0x0], $0xffff;
	v18 =	vor.u32 v8, v18;
	v16 =	vadd.s32 s17, v0;
	[tilespmem:v32+s25+$0x0] =	vst.idx.msk $0xffff, v24  }
0x86: {  	p3 =	por $0x1, $0x1;
	v15 =	vand.u32 $0x7F, v15;
	v47 =	vld.idx.msk [tilespmem:v23+s4+$0x0], $0xffff;
	v23 =	vadd.s32 s13, v10;
	v24 =	vor.u32 v11, v31;
	[tilespmem:v27+s25+$0x0] =	vst.idx.msk $0xffff, v26  }
.Ltmp6:
0x87: {  	v32 =	vor.u32 v11, v15;
	[tilespmem:v55+s25+$0x0] =	vst.idx.msk $0xffff, v19;
	v26 =	vor.u32 v5, v41;
	v41 =	vld.idx.msk [tilespmem:v25+s4+$0x0], $0xffff;
	(pc) =	sbr.rel @!p3 .LBB2_6-.Ltmp6, $4  }
0x88: {  	v16 =	vand.u32 $0x7F, v16;
	v31 =	vand.u32 $0x7F, v23;
	v15 =	vor.u32 v8, v39;
	[tilespmem:v43+s25+$0x0] =	vst.idx.msk $0xffff, v17;
	v33 =	vld.idx.msk [tilespmem:v62+s4+$0x0], $0xffff  }
0x89: {  	v38 =	vor.u32 v2, v16;
	v39 =	vor.u32 s0, v42;
	v17 =	vor.u32 s26, v9;
	v27 =	vld.idx.msk [tilespmem:v58+s4+$0x0], $0xffff  }
0x8a: {  	v37 =	vor.u32 v11, v31;
	v19 =	vadd.s32 s17, v7;
	[tilespmem:v61+s25+$0x0] =	vst.idx.msk $0xffff, v30;
	v36 =	vld.idx.msk [tilespmem:v44+s4+$0x0], $0xffff;
	v16 =	vor.u32 s0, v17  }
0x8b: {  	p2 =	por $0x1, $0x1;
	s13 =	simm.s32 $0xB;
	v23 =	vor.u32 s5, v17;
	v30 =	vor.u32 s11, v42;
	v34 =	vld.idx.msk [tilespmem:v63+s4+$0x0], $0xffff;
	[tilespmem:v24+s25+$0x0] =	vst.idx.msk $0xffff, v47;
	v24 =	vor.u32 s5, v42  }
.LBB2_7:
0x8c: {  	s0 =	sadd.s32 $0xFFFFFFFD, s13;
	s15 =	sadd.s32 $0xFFFFFFFE, s13;
	s31 =	sadd.s32 $0xFFFFFFFF, s13;
	v25 =	vor.u32 s11, v17;
	v31 =	vadd.s32 s17, v4;
	v42 =	vor.u32 s18, v42;
	[tilespmem:v29+s25+$0x0] =	vst.idx.msk $0xffff, v40  }
0x8d: {  	s26 =	sand.u32 $0x3F, s13;
	s5 =	sand.u32 $0x3C, s0;
	s24 =	sshrl.u32 s0, $0x6;
	v29 =	vadd.s32 s0, v0;
	v40 =	vadd.s32 s15, v0;
	[tilespmem:v28+s25+$0x0] =	vst.idx.msk $0xffff, v33;
	v28 =	vand.u32 $0x7F, v31  }
0x8e: {  	p3 =	slt.u32 s0, $0x7C;
	v31 =	vor.u32 s24, v1;
	s11 =	sshll.u32 s5, $0x7;
	v29 =	vand.u32 $0x7F, v29;
	v33 =	vor.u32 s24, v3;
	s5 =	sand.u32 $0x3E, s31;
	[tilespmem:v26+s25+$0x0] =	vst.idx.msk $0xffff, v27  }
0x8f: {  	s29 =	sand.u32 $0x3D, s15;
	v43 =	vadd.s32 s31, v4;
	s6 =	sshll.u32 s26, $0x7;
	v27 =	vadd.s32 s31, v0;
	v26 =	vor.u32 s11, v31;
	[tilespmem:v38+s25+$0x0] =	vst.idx.msk $0xffff, v22  }
0x90: {  	v22 =	vand.u32 $0x7F, v40;
	v27 =	vand.u32 $0x7F, v27;
	v38 =	vor.u32 s6, v31;
	[tilespmem:v35+s25+$0x0] =	vst.idx.msk $0xffff, v36;
	v35 =	vld.idx.msk [tilespmem:v39+s4+$0x0], $0xffff  }
0x91: {  	s26 =	sshll.u32 s29, $0x7;
	s29 =	sshll.u32 s5, $0x7;
	v36 =	vadd.s32 s0, v7;
	v39 =	vor.u32 v2, v22;
	v27 =	vor.u32 v2, v27;
	[tilespmem:v12+s25+$0x0] =	vst.idx.msk $0xffff, v41  }
0x92: {  	v22 =	vor.u32 s26, v31;
	v31 =	vor.u32 s29, v31;
	v41 =	vor.u32 s11, v33;
	v12 =	vmovc v32;
	v40 =	vld.idx.msk [tilespmem:v13+s4+$0x0], $0xffff  }
0x93: {  	v28 =	vor.u32 v5, v28;
	v44 =	vor.u32 s29, v33;
	v13 =	vor.u32 s6, v33;
	v30 =	vld.idx.msk [tilespmem:v30+s4+$0x0], $0xffff;
	[tilespmem:v37+s25+$0x0] =	vst.idx.msk $0xffff, v34  }
0x94: {  	v32 =	vadd.s32 s0, v4;
	v34 =	vadd.s32 s15, v4;
	v37 =	vand.u32 $0x7F, v43;
	v26 =	vld.idx.msk [tilespmem:v26+s4+$0x0], $0xffff  }
0x95: {  	v45 =	vand.u32 $0x7F, v32;
	v43 =	vor.u32 v2, v29;
	v34 =	vand.u32 $0x7F, v34;
	v24 =	vld.idx.msk [tilespmem:v24+s4+$0x0], $0xffff  }
0x96: {  	v32 =	vadd.s32 s31, v7;
	v29 =	vadd.s32 s15, v7;
	[tilespmem:v18+s25+$0x0] =	vst.idx.msk $0xffff, v35;
	v18 =	vand.u32 $0x7F, v19  }
0x97: {  	v35 =	vand.u32 $0x7F, v29;
	v19 =	vld.idx.msk [tilespmem:v22+s4+$0x0], $0xffff;
	v22 =	vand.u32 $0x7F, v32;
	v46 =	vor.u32 v8, v18  }
0x98: {  	v33 =	vor.u32 s26, v33;
	v18 =	vand.u32 $0x7F, v36;
	v36 =	vor.u32 s18, v17;
	s18 =	smov.u32 s6;
	v31 =	vld.idx.msk [tilespmem:v31+s4+$0x0], $0xffff;
	[tilespmem:v28+s25+$0x0] =	vst.idx.msk $0xffff, v40  }
0x99: {  	v29 =	vor.u32 v11, v14;
	v17 =	vadd.s32 s0, v10;
	v28 =	vadd.s32 s15, v10;
	[tilespmem:v15+s25+$0x0] =	vst.idx.msk $0xffff, v30;
	v30 =	vld.idx.msk [tilespmem:v42+s4+$0x0], $0xffff  }
0x9a: {  	v15 =	vand.u32 $0x7F, v17;
	v14 =	vand.u32 $0x7F, v28;
	v17 =	vadd.s32 s31, v10;
	[tilespmem:v43+s25+$0x0] =	vst.idx.msk $0xffff, v26  }
0x9b: {  	v17 =	vand.u32 $0x7F, v17;
	v25 =	vld.idx.msk [tilespmem:v25+s4+$0x0], $0xffff;
	[tilespmem:v21+s25+$0x0] =	vst.idx.msk $0xffff, v24;
	v21 =	vor.u32 v8, v22;
	v24 =	vadd.s32 s17, v10;
	s17 =	smov.u32 s13  }
0x9c: {  	v43 =	vor.u32 v11, v20;
	v20 =	vmovc v15;
	v32 =	vor.u32 v11, v17;
	v22 =	vld.idx.msk [tilespmem:v38+s4+$0x0], $0xffff;
	v24 =	vand.u32 $0x7F, v24  }
0x9d: {  	v28 =	vor.u32 v5, v34;
	v15 =	vor.u32 v8, v18;
	[tilespmem:v39+s25+$0x0] =	vst.idx.msk $0xffff, v19;
	v40 =	vld.idx.msk [tilespmem:v16+s4+$0x0], $0xffff  }
.Ltmp7:
0x9e: {  	v18 =	vor.u32 v8, v35;
	v16 =	vadd.s32 s13, v0;
	v19 =	vadd.s32 s13, v7;
	v33 =	vld.idx.msk [tilespmem:v33+s4+$0x0], $0xffff;
	[tilespmem:v27+s25+$0x0] =	vst.idx.msk $0xffff, v31;
	(pc) =	sbr.rel @p3 .LBB2_7-.Ltmp7, $4  }
0x9f: {  	v26 =	vor.u32 v5, v37;
	v17 =	vor.u32 s24, v9;
	v16 =	vand.u32 $0x7F, v16;
	v27 =	vld.idx.msk [tilespmem:v44+s4+$0x0], $0xffff;
	[tilespmem:v46+s25+$0x0] =	vst.idx.msk $0xffff, v30  }
0xa0: {  	v37 =	vor.u32 v11, v24;
	v31 =	vor.u32 s29, v17;
	v38 =	vor.u32 v2, v16;
	v34 =	vld.idx.msk [tilespmem:v36+s4+$0x0], $0xffff  }
0xa1: {  	v42 =	vor.u32 s24, v6;
	v35 =	vor.u32 v5, v45;
	v16 =	vor.u32 s26, v17;
	v36 =	vld.idx.msk [tilespmem:v41+s4+$0x0], $0xffff;
	[tilespmem:v43+s25+$0x0] =	vst.idx.msk $0xffff, v25  }
0xa2: {  	v39 =	vor.u32 s26, v42;
	v24 =	vor.u32 s29, v42;
	s13 =	sadd.s32 $0x4, s13;
	v30 =	vor.u32 s11, v42;
	v41 =	vld.idx.msk [tilespmem:v23+s4+$0x0], $0xffff;
	v23 =	vmovc v31  }
0xa3: {  	v43 =	vmovc v12;
	s13 =	smov.u32 s17;
	s24 =	smov.u32 s18;
	v12 =	vmovc v32;
	v32 =	vmov v21;
	v31 =	vmov v20;
	v25 =	vmov v23  }
.LBB2_9:
0xa4: {  	_ =	sdelay $0x2  }
0xa5: {  	v20 =	vadd.s32 s13, v4  }
0xa6: {  	[tilespmem:v38+s25+$0x0] =	vst.idx.msk $0xffff, v22;
	v20 =	vand.u32 $0x7F, v20  }
0xa7: {  	v13 =	vld.idx.msk [tilespmem:v13+s4+$0x0], $0xffff;
	v20 =	vor.u32 v5, v20  }
0xa8: {  	v21 =	vor.u32 s24, v42  }
0xa9: {  	[tilespmem:v28+s25+$0x0] =	vst.idx.msk $0xffff, v33  }
0xaa: {  	[tilespmem:v26+s25+$0x0] =	vst.idx.msk $0xffff, v27;
	v56 =	vld.idx.msk [tilespmem:v39+s4+$0x0], $0xffff  }
0xab: {  	v24 =	vld.idx.msk [tilespmem:v24+s4+$0x0], $0xffff;
	[tilespmem:v35+s25+$0x0] =	vst.idx.msk $0xffff, v36  }
0xac: {  	v19 =	vand.u32 $0x7F, v19;
	v55 =	vld.idx.msk [tilespmem:v30+s4+$0x0], $0xffff;
	[tilespmem:v20+s25+$0x0] =	vst.idx.msk $0xffff, v13  }
0xad: {  	v23 =	vor.u32 s11, v17;
	v57 =	vor.u32 v8, v19;
	v58 =	vld.idx.msk [tilespmem:v21+s4+$0x0], $0xffff  }
0xae: {  	[tilespmem:v29+s25+$0x0] =	vst.idx.msk @p2 $0xffff, v40;
	v59 =	vor.u32 s24, v17  }
0xaf: {  	[tilespmem:v18+s25+$0x0] =	vst.idx.msk $0xffff, v56  }
0xb0: {  	v14 =	vor.u32 v11, v14;
	[tilespmem:v32+s25+$0x0] =	vst.idx.msk $0xffff, v24;
	v16 =	vld.idx.msk [tilespmem:v16+s4+$0x0], $0xffff  }
0xb1: {  	v61 =	vadd.s32 s13, v10;
	v62 =	vld.idx.msk [tilespmem:v25+s4+$0x0], $0xffff;
	[tilespmem:v15+s25+$0x0] =	vst.idx.msk $0xffff, v55  }
0xb2: {  	v60 =	vor.u32 v11, v31;
	v20 =	vand.u32 $0x7F, v61;
	v15 =	vld.idx.msk [tilespmem:v23+s4+$0x0], $0xffff;
	[tilespmem:v57+s25+$0x0] =	vst.idx.msk $0xffff, v58  }
0xb3: {  	[tilespmem:v37+s25+$0x0] =	vst.idx.msk @p2 $0xffff, v34;
	v63 =	vor.u32 v11, v20;
	v17 =	vld.idx.msk [tilespmem:v59+s4+$0x0], $0xffff  }
0xb4: {  	[tilespmem:v43+s25+$0x0] =	vst.idx.msk @p2 $0xffff, v41  }
0xb5: {  	[tilespmem:v14+s25+$0x0] =	vst.idx.msk $0xffff, v16  }
0xb6: {  	s0 =	sshll.u32 s7, $0xA;
	[tilespmem:v12+s25+$0x0] =	vst.idx.msk $0xffff, v62  }
0xb7: {  	s0 =	sand.u32 $0x1FFFFC00, s0;
	[tilespmem:v60+s25+$0x0] =	vst.idx.msk $0xffff, v15  }
0xb8: {  	s0 =	sadd.s32 s3, s0;
	[tilespmem:v63+s25+$0x0] =	vst.idx.msk $0xffff, v17  }
0xb9: {  	[hbm4b:s0+s4] =	stream.linear.scatter [tilespmem:s25], [sflag:$0x7], $0x2000, $0x38;
	[tilespmem:$0x1B000] =	vst v63  }
0xba: {  	s0 =	sadd.s32 $0x6, s7  }
0xbb: {  	p2 =	sge.u32 s0, s8  }
0xbc: {  	s0 =	sshll.u32 @!p2 s0, $0x7  }
0xbd: {  	s2 =	rddreg [dreg:$0x0];
	s5 =	simm.s32 @!p2 $0x400;
	s0 =	sand.u32 @!p2 $0x1FFFFF80, s0  }
0xbe: {  	s6 =	simm.s32 @!p2 $0x7A1400;
	s11 =	simm.s32 @!p2 $0x0;
	s0 =	sadd.s32 @!p2 s2, s0  }
0xbf: {  	[tilespmem:s11], [sflag:$0x1] =	stream.strided.gather @!p2 [hbm4b:s0+s5], $0x2000, s6, s5, $0x38;
	[tilespmem:$0x1B000] =	vst v63  }
.LBB2_10:
0xc0: {  	s11 =	sadd.s32 $0x1, s7  }
0xc1: {  	p2 =	sge.u32 s11, s8  }
.Ltmp8:
0xc2: {  	_ = 	snop;
	(pc) =	sbr.rel @p2 .LBB2_18-.Ltmp8, $1  }
0xc3: {  	_ =	sdelay $0x3  }
0xc4: {  	s6 =	simm.s32 $0x0  }
0xc5: {  	s13 =	simm.s32 $0x1;
	s0 =	simm.s32 $0x0;
	v12 =	vadd.s32 s6, v0  }
0xc6: {  	s15 =	simm.s32 $0x2;
	v13 =	vadd.s32 s13, v0;
	v14 =	vor.u32 s0, v1;
	v15 =	vor.u32 s0, v3  }
0xc7: {  	s24 =	simm.s32 $0x3;
	s2 =	simm.s32 $0x2;
	s5 =	sand.u32 $0x3C, s6;
	v17 =	vadd.s32 s15, v0;
	v18 =	vadd.s32 s15, v4;
	v20 =	vadd.s32 s6, v7  }
0xc8: {  	s29 =	sand.u32 $0x3F, s24;
	s18 =	sand.u32 $0x3D, s13;
	_ =	swait.ge [sflag:s2], $0x2000;
	v22 =	vadd.s32 s13, v4;
	v42 =	vor.u32 s0, v6;
	v12 =	vand.u32 $0x7F, v12  }
0xc9: {  	s31 =	sand.u32 $0x3E, s15;
	s17 =	sshll.u32 s5, $0x7;
	v13 =	vand.u32 $0x7F, v13;
	v17 =	vand.u32 $0x7F, v17;
	s5 =	sshll.u32 s18, $0x7;
	v25 =	vand.u32 $0x7F, v18  }
0xca: {  	s26 =	sshll.u32 s29, $0x7;
	[sflag:s2] =	ssyncset.done $0x0;
	s18 =	sshll.u32 s31, $0x7;
	v18 =	vadd.s32 s15, v7;
	v16 =	vor.u32 s17, v14;
	v21 =	vor.u32 s5, v14  }
0xcb: {  	s29 =	simm.s32 @!p1 $0x8;
	v19 =	vor.u32 s26, v14;
	[sflag:s2] =	ssyncadd.s32 $0xFFFFE000;
	v23 =	vor.u32 v2, v13;
	v14 =	vor.u32 s18, v14  }
0xcc: {  	v24 =	vor.u32 v2, v17;
	v29 =	vor.u32 s17, v15;
	v27 =	vor.u32 s18, v15;
	_ =	swait.ge @!p1 [sflag:s29], $0x2000  }
0xcd: {  	v13 =	vor.u32 s26, v15;
	v17 =	vadd.s32 s6, v4;
	v30 =	vor.u32 v2, v12;
	[sflag:s29] =	ssyncset.done @!p1 $0x0  }
0xce: {  	v12 =	vadd.s32 s13, v7;
	v39 =	vor.u32 s5, v42;
	v34 =	vand.u32 $0x7F, v17;
	[sflag:s29] =	ssyncadd.s32 @!p1 $0xFFFFE000  }
0xcf: {  	v17 =	vand.u32 $0x7F, v22;
	v26 =	vand.u32 $0x7F, v12;
	v12 =	vand.u32 $0x7F, v18;
	v21 =	vld.idx.msk [tilespmem:v21+s19+$0x0], $0xffff  }
0xd0: {  	v18 =	vand.u32 $0x7F, v20;
	v20 =	vor.u32 s5, v15;
	v15 =	vadd.s32 s13, v10;
	v35 =	vld.idx.msk [tilespmem:v14+s19+$0x0], $0xffff  }
0xd1: {  	v22 =	vadd.s32 s15, v10;
	v32 =	vor.u32 v8, v12;
	v14 =	vadd.s32 s6, v10;
	v16 =	vld.idx.msk [tilespmem:v16+s19+$0x0], $0xffff  }
0xd2: {  	p3 =	por $0x1, $0x1;
	v31 =	vand.u32 $0x7F, v14;
	v14 =	vand.u32 $0x7F, v15;
	v15 =	vand.u32 $0x7F, v22  }
.Ltmp9:
0xd3: {  	v28 =	vor.u32 v5, v17;
	v17 =	vor.u32 s0, v9;
	v22 =	vld.idx.msk [tilespmem:v19+s19+$0x0], $0xffff;
	v12 =	vor.u32 v11, v15;
	(pc) =	sbr.rel @!p3 .LBB2_12-.Ltmp9, $4  }
0xd4: {  	v19 =	vadd.s32 s24, v7;
	v15 =	vor.u32 v8, v18;
	v18 =	vor.u32 v8, v26;
	[tilespmem:v23+s28+$0x0] =	vst.idx.msk $0xffff, v21  }
0xd5: {  	v26 =	vor.u32 v5, v25;
	v25 =	vor.u32 s18, v17;
	v21 =	vadd.s32 s24, v0;
	[tilespmem:v24+s28+$0x0] =	vst.idx.msk $0xffff, v35;
	v33 =	vld.idx.msk [tilespmem:v20+s19+$0x0], $0xffff  }
0xd6: {  	[tilespmem:v30+s28+$0x0] =	vst.idx.msk $0xffff, v16;
	v35 =	vor.u32 v5, v34;
	v16 =	vor.u32 s5, v17;
	v20 =	vand.u32 $0x7F, v21;
	v27 =	vld.idx.msk [tilespmem:v27+s19+$0x0], $0xffff  }
0xd7: {  	p2 =	por $0x0, $0x0;
	v30 =	vor.u32 s17, v42;
	v24 =	vor.u32 s18, v42;
	s18 =	simm.s32 $0x7;
	v36 =	vld.idx.msk [tilespmem:v29+s19+$0x0], $0xffff;
	v38 =	vor.u32 v2, v20  }
0xd8: {  	s15 =	simm.s32 $0x4;
	v23 =	vor.u32 s17, v17;
	v20 =	vadd.s32 s24, v4;
	v21 =	vor.u32 s26, v42  }
0xd9: {  	s31 =	simm.s32 $0x5;
	s29 =	simm.s32 $0x0;
	v19 =	vand.u32 $0x7F, v19;
	v63 =	vor.u32 s26, v17;
	v29 =	vadd.s32 s15, v0  }
0xda: {  	s6 =	simm.s32 $0x6;
	v34 =	vadd.s32 s31, v0;
	v20 =	vand.u32 $0x7F, v20;
	v37 =	vor.u32 s29, v1  }
0xdb: {  	v40 =	vor.u32 s29, v3;
	v51 =	vadd.s32 s6, v0;
	v41 =	vadd.s32 s6, v4  }
0xdc: {  	s0 =	sand.u32 $0x3C, s15;
	v54 =	vadd.s32 s15, v7;
	v59 =	vadd.s32 s15, v4;
	v45 =	vadd.s32 s31, v4  }
0xdd: {  	s5 =	sand.u32 $0x3F, s18;
	[tilespmem:v38+s28+$0x0] =	vst.idx.msk $0xffff, v22;
	s2 =	sand.u32 $0x3D, s31;
	v60 =	vadd.s32 s6, v7;
	v61 =	vor.u32 v8, v19;
	v42 =	vor.u32 s29, v6;
	s17 =	sshll.u32 s0, $0x7  }
0xde: {  	s13 =	sshll.u32 s5, $0x7;
	s5 =	sand.u32 $0x3E, s6;
	v29 =	vand.u32 $0x7F, v29;
	[tilespmem:v28+s28+$0x0] =	vst.idx.msk $0xffff, v33;
	v22 =	vand.u32 $0x7F, v34;
	s0 =	sshll.u32 s2, $0x7;
	v28 =	vor.u32 s17, v37  }
0xdf: {  	v57 =	vld.idx.msk [tilespmem:v13+s19+$0x0], $0xffff;
	s5 =	sshll.u32 s5, $0x7;
	v20 =	vor.u32 v5, v20;
	v55 =	vor.u32 v2, v22;
	v22 =	vor.u32 s0, v37  }
0xe0: {  	v33 =	vand.u32 $0x7F, v51;
	v52 =	vor.u32 s13, v37;
	v53 =	vld.idx.msk [tilespmem:v39+s19+$0x0], $0xffff;
	v56 =	vor.u32 s5, v37;
	[tilespmem:v26+s28+$0x0] =	vst.idx.msk $0xffff, v27  }
0xe1: {  	v13 =	vor.u32 s13, v40;
	v41 =	vand.u32 $0x7F, v41;
	v46 =	vand.u32 $0x7F, v59;
	[tilespmem:v35+s28+$0x0] =	vst.idx.msk $0xffff, v36;
	v24 =	vld.idx.msk [tilespmem:v24+s19+$0x0], $0xffff  }
0xe2: {  	v43 =	vor.u32 v2, v33;
	v44 =	vor.u32 s17, v40;
	v58 =	vor.u32 s5, v40;
	v30 =	vld.idx.msk [tilespmem:v30+s19+$0x0], $0xffff  }
0xe3: {  	v27 =	vor.u32 v2, v29;
	v29 =	vadd.s32 s31, v7;
	v39 =	vand.u32 $0x7F, v54;
	v26 =	vld.idx.msk [tilespmem:v28+s19+$0x0], $0xffff  }
0xe4: {  	v62 =	vor.u32 s0, v40;
	v36 =	vand.u32 $0x7F, v60;
	v35 =	vor.u32 v5, v46;
	[tilespmem:v20+s28+$0x0] =	vst.idx.msk $0xffff, v57;
	v19 =	vld.idx.msk [tilespmem:v22+s19+$0x0], $0xffff  }
0xe5: {  	v20 =	vadd.s32 s15, v10;
	v28 =	vand.u32 $0x7F, v45;
	[tilespmem:v18+s28+$0x0] =	vst.idx.msk $0xffff, v53;
	v17 =	vld.idx.msk [tilespmem:v56+s19+$0x0], $0xffff;
	v22 =	vadd.s32 s31, v10  }
0xe6: {  	v18 =	vand.u32 $0x7F, v29;
	v29 =	vor.u32 v11, v14;
	v14 =	vand.u32 $0x7F, v22;
	[tilespmem:v32+s28+$0x0] =	vst.idx.msk $0xffff, v24;
	v22 =	vld.idx.msk [tilespmem:v52+s19+$0x0], $0xffff  }
0xe7: {  	v24 =	vor.u32 v11, v31;
	v28 =	vor.u32 v5, v28;
	v40 =	vld.idx.msk [tilespmem:v16+s19+$0x0], $0xffff;
	v18 =	vor.u32 v8, v18  }
0xe8: {  	v16 =	vadd.s32 s18, v0;
	[tilespmem:v15+s28+$0x0] =	vst.idx.msk $0xffff, v30;
	v30 =	vld.idx.msk [tilespmem:v21+s19+$0x0], $0xffff;
	v15 =	vadd.s32 s6, v10;
	v21 =	vor.u32 v8, v36  }
0xe9: {  	p3 =	por $0x1, $0x1;
	v16 =	vand.u32 $0x7F, v16;
	v15 =	vand.u32 $0x7F, v15;
	v47 =	vld.idx.msk [tilespmem:v23+s19+$0x0], $0xffff;
	v23 =	vadd.s32 s24, v10;
	[tilespmem:v27+s28+$0x0] =	vst.idx.msk $0xffff, v26  }
.Ltmp10:
0xea: {  	v38 =	vor.u32 v2, v16;
	[tilespmem:v55+s28+$0x0] =	vst.idx.msk $0xffff, v19;
	v26 =	vor.u32 v5, v41;
	v41 =	vld.idx.msk [tilespmem:v25+s19+$0x0], $0xffff;
	(pc) =	sbr.rel @!p3 .LBB2_14-.Ltmp10, $4  }
0xeb: {  	v20 =	vand.u32 $0x7F, v20;
	v32 =	vor.u32 v11, v15;
	v31 =	vand.u32 $0x7F, v23;
	[tilespmem:v43+s28+$0x0] =	vst.idx.msk $0xffff, v17;
	v33 =	vld.idx.msk [tilespmem:v62+s19+$0x0], $0xffff  }
0xec: {  	v15 =	vor.u32 v8, v39;
	v39 =	vor.u32 s0, v42;
	v17 =	vor.u32 s29, v9;
	v27 =	vld.idx.msk [tilespmem:v58+s19+$0x0], $0xffff  }
0xed: {  	v19 =	vadd.s32 s18, v7;
	v37 =	vor.u32 v11, v31;
	v36 =	vld.idx.msk [tilespmem:v44+s19+$0x0], $0xffff;
	v16 =	vor.u32 s0, v17;
	[tilespmem:v61+s28+$0x0] =	vst.idx.msk $0xffff, v30  }
0xee: {  	p2 =	por $0x1, $0x1;
	s24 =	simm.s32 $0xB;
	v23 =	vor.u32 s5, v17;
	v30 =	vor.u32 s17, v42;
	v34 =	vld.idx.msk [tilespmem:v63+s19+$0x0], $0xffff;
	[tilespmem:v24+s28+$0x0] =	vst.idx.msk $0xffff, v47;
	v24 =	vor.u32 s5, v42  }
.LBB2_15:
0xef: {  	s15 =	sadd.s32 $0xFFFFFFFD, s24;
	s5 =	sadd.s32 $0xFFFFFFFE, s24;
	s0 =	sadd.s32 $0xFFFFFFFF, s24;
	v25 =	vor.u32 s17, v17;
	v31 =	vadd.s32 s18, v4;
	v42 =	vor.u32 s13, v42;
	[tilespmem:v29+s28+$0x0] =	vst.idx.msk $0xffff, v40  }
0xf0: {  	s29 =	sand.u32 $0x3F, s24;
	s6 =	sand.u32 $0x3C, s15;
	s26 =	sshrl.u32 s15, $0x6;
	v29 =	vadd.s32 s15, v0;
	v40 =	vadd.s32 s5, v0;
	[tilespmem:v28+s28+$0x0] =	vst.idx.msk $0xffff, v33;
	v28 =	vand.u32 $0x7F, v31  }
0xf1: {  	p3 =	slt.u32 s15, $0x7C;
	v31 =	vor.u32 s26, v1;
	s17 =	sshll.u32 s6, $0x7;
	v29 =	vand.u32 $0x7F, v29;
	v33 =	vor.u32 s26, v3;
	s6 =	sand.u32 $0x3E, s0;
	[tilespmem:v26+s28+$0x0] =	vst.idx.msk $0xffff, v27  }
0xf2: {  	s31 =	sand.u32 $0x3D, s5;
	v43 =	vadd.s32 s0, v4;
	s2 =	sshll.u32 s29, $0x7;
	v27 =	vadd.s32 s0, v0;
	v26 =	vor.u32 s17, v31;
	[tilespmem:v38+s28+$0x0] =	vst.idx.msk $0xffff, v22  }
0xf3: {  	v22 =	vand.u32 $0x7F, v40;
	v27 =	vand.u32 $0x7F, v27;
	v38 =	vor.u32 s2, v31;
	[tilespmem:v35+s28+$0x0] =	vst.idx.msk $0xffff, v36;
	v35 =	vld.idx.msk [tilespmem:v39+s19+$0x0], $0xffff  }
0xf4: {  	s29 =	sshll.u32 s31, $0x7;
	s31 =	sshll.u32 s6, $0x7;
	v36 =	vadd.s32 s15, v7;
	v39 =	vor.u32 v2, v22;
	v27 =	vor.u32 v2, v27;
	[tilespmem:v12+s28+$0x0] =	vst.idx.msk $0xffff, v41  }
0xf5: {  	v22 =	vor.u32 s29, v31;
	v31 =	vor.u32 s31, v31;
	v41 =	vor.u32 s17, v33;
	v12 =	vmovc v32;
	v40 =	vld.idx.msk [tilespmem:v13+s19+$0x0], $0xffff  }
0xf6: {  	v28 =	vor.u32 v5, v28;
	v44 =	vor.u32 s31, v33;
	v13 =	vor.u32 s2, v33;
	v30 =	vld.idx.msk [tilespmem:v30+s19+$0x0], $0xffff;
	[tilespmem:v37+s28+$0x0] =	vst.idx.msk $0xffff, v34  }
0xf7: {  	v32 =	vadd.s32 s15, v4;
	v34 =	vadd.s32 s5, v4;
	v37 =	vand.u32 $0x7F, v43;
	v26 =	vld.idx.msk [tilespmem:v26+s19+$0x0], $0xffff  }
0xf8: {  	v45 =	vand.u32 $0x7F, v32;
	v43 =	vor.u32 v2, v29;
	v34 =	vand.u32 $0x7F, v34;
	v24 =	vld.idx.msk [tilespmem:v24+s19+$0x0], $0xffff  }
0xf9: {  	v32 =	vadd.s32 s0, v7;
	v29 =	vadd.s32 s5, v7;
	[tilespmem:v18+s28+$0x0] =	vst.idx.msk $0xffff, v35;
	v18 =	vand.u32 $0x7F, v19  }
0xfa: {  	v35 =	vand.u32 $0x7F, v29;
	v19 =	vld.idx.msk [tilespmem:v22+s19+$0x0], $0xffff;
	v22 =	vand.u32 $0x7F, v32;
	v46 =	vor.u32 v8, v18  }
0xfb: {  	v33 =	vor.u32 s29, v33;
	v18 =	vand.u32 $0x7F, v36;
	v36 =	vor.u32 s13, v17;
	s13 =	smov.u32 s2;
	v31 =	vld.idx.msk [tilespmem:v31+s19+$0x0], $0xffff;
	[tilespmem:v28+s28+$0x0] =	vst.idx.msk $0xffff, v40  }
0xfc: {  	v29 =	vor.u32 v11, v14;
	v17 =	vadd.s32 s15, v10;
	v28 =	vadd.s32 s5, v10;
	[tilespmem:v15+s28+$0x0] =	vst.idx.msk $0xffff, v30;
	v30 =	vld.idx.msk [tilespmem:v42+s19+$0x0], $0xffff  }
0xfd: {  	v15 =	vand.u32 $0x7F, v17;
	v14 =	vand.u32 $0x7F, v28;
	v17 =	vadd.s32 s0, v10;
	[tilespmem:v43+s28+$0x0] =	vst.idx.msk $0xffff, v26  }
0xfe: {  	v17 =	vand.u32 $0x7F, v17;
	v25 =	vld.idx.msk [tilespmem:v25+s19+$0x0], $0xffff;
	[tilespmem:v21+s28+$0x0] =	vst.idx.msk $0xffff, v24;
	v21 =	vor.u32 v8, v22;
	v24 =	vadd.s32 s18, v10;
	s18 =	smov.u32 s24  }
0xff: {  	v43 =	vor.u32 v11, v20;
	v20 =	vmovc v15;
	v32 =	vor.u32 v11, v17;
	v22 =	vld.idx.msk [tilespmem:v38+s19+$0x0], $0xffff;
	v24 =	vand.u32 $0x7F, v24  }
0x100: {  	v28 =	vor.u32 v5, v34;
	v15 =	vor.u32 v8, v18;
	[tilespmem:v39+s28+$0x0] =	vst.idx.msk $0xffff, v19;
	v40 =	vld.idx.msk [tilespmem:v16+s19+$0x0], $0xffff  }
.Ltmp11:
0x101: {  	v18 =	vor.u32 v8, v35;
	v16 =	vadd.s32 s24, v0;
	v19 =	vadd.s32 s24, v7;
	v33 =	vld.idx.msk [tilespmem:v33+s19+$0x0], $0xffff;
	[tilespmem:v27+s28+$0x0] =	vst.idx.msk $0xffff, v31;
	(pc) =	sbr.rel @p3 .LBB2_15-.Ltmp11, $4  }
0x102: {  	v26 =	vor.u32 v5, v37;
	v17 =	vor.u32 s26, v9;
	v16 =	vand.u32 $0x7F, v16;
	v27 =	vld.idx.msk [tilespmem:v44+s19+$0x0], $0xffff;
	[tilespmem:v46+s28+$0x0] =	vst.idx.msk $0xffff, v30  }
0x103: {  	v37 =	vor.u32 v11, v24;
	v31 =	vor.u32 s31, v17;
	v38 =	vor.u32 v2, v16;
	v34 =	vld.idx.msk [tilespmem:v36+s19+$0x0], $0xffff  }
0x104: {  	v42 =	vor.u32 s26, v6;
	v35 =	vor.u32 v5, v45;
	v16 =	vor.u32 s29, v17;
	v36 =	vld.idx.msk [tilespmem:v41+s19+$0x0], $0xffff;
	[tilespmem:v43+s28+$0x0] =	vst.idx.msk $0xffff, v25  }
0x105: {  	v39 =	vor.u32 s29, v42;
	v24 =	vor.u32 s31, v42;
	s24 =	sadd.s32 $0x4, s24;
	v30 =	vor.u32 s17, v42;
	v41 =	vld.idx.msk [tilespmem:v23+s19+$0x0], $0xffff;
	v23 =	vmovc v31  }
0x106: {  	v43 =	vmovc v12;
	s24 =	smov.u32 s18;
	s26 =	smov.u32 s13;
	v12 =	vmovc v32;
	v32 =	vmov v21;
	v31 =	vmov v20;
	v25 =	vmov v23  }
.LBB2_17:
0x107: {  	_ =	sdelay $0x2  }
0x108: {  	v20 =	vadd.s32 s24, v4  }
0x109: {  	[tilespmem:v38+s28+$0x0] =	vst.idx.msk $0xffff, v22;
	v20 =	vand.u32 $0x7F, v20  }
0x10a: {  	v13 =	vld.idx.msk [tilespmem:v13+s19+$0x0], $0xffff;
	v20 =	vor.u32 v5, v20  }
0x10b: {  	v21 =	vor.u32 s26, v42  }
0x10c: {  	[tilespmem:v28+s28+$0x0] =	vst.idx.msk $0xffff, v33  }
0x10d: {  	[tilespmem:v26+s28+$0x0] =	vst.idx.msk $0xffff, v27;
	v56 =	vld.idx.msk [tilespmem:v39+s19+$0x0], $0xffff  }
0x10e: {  	v24 =	vld.idx.msk [tilespmem:v24+s19+$0x0], $0xffff;
	[tilespmem:v35+s28+$0x0] =	vst.idx.msk $0xffff, v36  }
0x10f: {  	v19 =	vand.u32 $0x7F, v19;
	v55 =	vld.idx.msk [tilespmem:v30+s19+$0x0], $0xffff;
	[tilespmem:v20+s28+$0x0] =	vst.idx.msk $0xffff, v13  }
0x110: {  	v23 =	vor.u32 s17, v17;
	v57 =	vor.u32 v8, v19;
	v58 =	vld.idx.msk [tilespmem:v21+s19+$0x0], $0xffff  }
0x111: {  	[tilespmem:v29+s28+$0x0] =	vst.idx.msk @p2 $0xffff, v40;
	v59 =	vor.u32 s26, v17  }
0x112: {  	[tilespmem:v18+s28+$0x0] =	vst.idx.msk $0xffff, v56  }
0x113: {  	v14 =	vor.u32 v11, v14;
	[tilespmem:v32+s28+$0x0] =	vst.idx.msk $0xffff, v24;
	v16 =	vld.idx.msk [tilespmem:v16+s19+$0x0], $0xffff  }
0x114: {  	v61 =	vadd.s32 s24, v10;
	v62 =	vld.idx.msk [tilespmem:v25+s19+$0x0], $0xffff;
	[tilespmem:v15+s28+$0x0] =	vst.idx.msk $0xffff, v55  }
0x115: {  	v60 =	vor.u32 v11, v31;
	v20 =	vand.u32 $0x7F, v61;
	v15 =	vld.idx.msk [tilespmem:v23+s19+$0x0], $0xffff;
	[tilespmem:v57+s28+$0x0] =	vst.idx.msk $0xffff, v58  }
0x116: {  	[tilespmem:v37+s28+$0x0] =	vst.idx.msk @p2 $0xffff, v34;
	v63 =	vor.u32 v11, v20;
	v17 =	vld.idx.msk [tilespmem:v59+s19+$0x0], $0xffff  }
0x117: {  	[tilespmem:v43+s28+$0x0] =	vst.idx.msk @p2 $0xffff, v41  }
0x118: {  	[tilespmem:v14+s28+$0x0] =	vst.idx.msk $0xffff, v16  }
0x119: {  	s0 =	sshll.u32 s11, $0xA;
	[tilespmem:v12+s28+$0x0] =	vst.idx.msk $0xffff, v62  }
0x11a: {  	s0 =	sand.u32 $0x1FFFFC00, s0;
	[tilespmem:v60+s28+$0x0] =	vst.idx.msk $0xffff, v15  }
0x11b: {  	s0 =	sadd.s32 s3, s0;
	[tilespmem:v63+s28+$0x0] =	vst.idx.msk $0xffff, v17  }
0x11c: {  	[hbm4b:s0+s4] =	stream.linear.scatter [tilespmem:s28], [sflag:$0x8], $0x2000, $0x38;
	[tilespmem:$0x1B000] =	vst v63  }
0x11d: {  	s0 =	sadd.s32 $0x7, s7  }
0x11e: {  	p2 =	sge.u32 s0, s8  }
0x11f: {  	s0 =	sshll.u32 @!p2 s0, $0x7  }
0x120: {  	s2 =	rddreg [dreg:$0x0];
	s5 =	simm.s32 @!p2 $0x7A1400;
	s0 =	sand.u32 @!p2 $0x1FFFFF80, s0  }
0x121: {  	s6 =	simm.s32 @!p2 $0x2000;
	s0 =	sadd.s32 @!p2 s2, s0;
	s2 =	simm.s32 @!p2 $0x400  }
0x122: {  	[tilespmem:s6], [sflag:$0x2] =	stream.strided.gather @!p2 [hbm4b:s0+s2], $0x2000, s5, s2, $0x38;
	[tilespmem:$0x1B000] =	vst v63  }
.LBB2_18:
0x123: {  	s11 =	sadd.s32 $0x2, s7  }
0x124: {  	p2 =	sge.u32 s11, s8  }
.Ltmp12:
0x125: {  	_ = 	snop;
	(pc) =	sbr.rel @p2 .LBB2_26-.Ltmp12, $1  }
0x126: {  	_ =	sdelay $0x3  }
0x127: {  	s2 =	simm.s32 $0x0  }
0x128: {  	s6 =	simm.s32 $0x1;
	s0 =	simm.s32 $0x0;
	v12 =	vadd.s32 s2, v0  }
0x129: {  	s13 =	simm.s32 $0x2;
	v13 =	vadd.s32 s6, v0;
	v14 =	vor.u32 s0, v1;
	v15 =	vor.u32 s0, v3  }
0x12a: {  	s24 =	simm.s32 $0x3;
	s18 =	simm.s32 $0x3;
	s5 =	sand.u32 $0x3C, s2;
	v17 =	vadd.s32 s13, v0;
	v18 =	vadd.s32 s13, v4;
	v20 =	vadd.s32 s2, v7  }
0x12b: {  	s26 =	sand.u32 $0x3F, s24;
	s15 =	sand.u32 $0x3D, s6;
	_ =	swait.ge [sflag:s18], $0x2000;
	v22 =	vadd.s32 s6, v4;
	v42 =	vor.u32 s0, v6;
	v12 =	vand.u32 $0x7F, v12  }
0x12c: {  	s31 =	sand.u32 $0x3E, s13;
	s17 =	sshll.u32 s5, $0x7;
	v13 =	vand.u32 $0x7F, v13;
	v17 =	vand.u32 $0x7F, v17;
	s29 =	sshll.u32 s15, $0x7;
	v25 =	vand.u32 $0x7F, v18  }
0x12d: {  	s26 =	sshll.u32 s26, $0x7;
	[sflag:s18] =	ssyncset.done $0x0;
	s15 =	sshll.u32 s31, $0x7;
	v18 =	vadd.s32 s13, v7;
	v16 =	vor.u32 s17, v14;
	v21 =	vor.u32 s29, v14  }
0x12e: {  	v19 =	vor.u32 s26, v14;
	[sflag:s18] =	ssyncadd.s32 $0xFFFFE000;
	s18 =	simm.s32 @!p1 $0x9;
	v23 =	vor.u32 v2, v13;
	v14 =	vor.u32 s15, v14  }
0x12f: {  	v24 =	vor.u32 v2, v17;
	v29 =	vor.u32 s17, v15;
	v27 =	vor.u32 s15, v15;
	_ =	swait.ge @!p1 [sflag:s18], $0x2000  }
0x130: {  	v13 =	vor.u32 s26, v15;
	v17 =	vadd.s32 s2, v4;
	v30 =	vor.u32 v2, v12;
	[sflag:s18] =	ssyncset.done @!p1 $0x0  }
0x131: {  	v12 =	vadd.s32 s6, v7;
	v39 =	vor.u32 s29, v42;
	v34 =	vand.u32 $0x7F, v17;
	[sflag:s18] =	ssyncadd.s32 @!p1 $0xFFFFE000  }
0x132: {  	v17 =	vand.u32 $0x7F, v22;
	v26 =	vand.u32 $0x7F, v12;
	v12 =	vand.u32 $0x7F, v18;
	v21 =	vld.idx.msk [tilespmem:v21+s20+$0x0], $0xffff  }
0x133: {  	v18 =	vand.u32 $0x7F, v20;
	v20 =	vor.u32 s29, v15;
	v15 =	vadd.s32 s6, v10;
	v35 =	vld.idx.msk [tilespmem:v14+s20+$0x0], $0xffff  }
0x134: {  	v22 =	vadd.s32 s13, v10;
	v32 =	vor.u32 v8, v12;
	v14 =	vadd.s32 s2, v10;
	v16 =	vld.idx.msk [tilespmem:v16+s20+$0x0], $0xffff  }
0x135: {  	p3 =	por $0x1, $0x1;
	v31 =	vand.u32 $0x7F, v14;
	v14 =	vand.u32 $0x7F, v15;
	v15 =	vand.u32 $0x7F, v22  }
.Ltmp13:
0x136: {  	v28 =	vor.u32 v5, v17;
	v17 =	vor.u32 s0, v9;
	v22 =	vld.idx.msk [tilespmem:v19+s20+$0x0], $0xffff;
	v12 =	vor.u32 v11, v15;
	(pc) =	sbr.rel @!p3 .LBB2_20-.Ltmp13, $4  }
0x137: {  	v19 =	vadd.s32 s24, v7;
	v15 =	vor.u32 v8, v18;
	v18 =	vor.u32 v8, v26;
	[tilespmem:v23+s30+$0x0] =	vst.idx.msk $0xffff, v21  }
0x138: {  	v26 =	vor.u32 v5, v25;
	v25 =	vor.u32 s15, v17;
	v21 =	vadd.s32 s24, v0;
	[tilespmem:v24+s30+$0x0] =	vst.idx.msk $0xffff, v35;
	v33 =	vld.idx.msk [tilespmem:v20+s20+$0x0], $0xffff  }
0x139: {  	[tilespmem:v30+s30+$0x0] =	vst.idx.msk $0xffff, v16;
	v35 =	vor.u32 v5, v34;
	v16 =	vor.u32 s29, v17;
	v20 =	vand.u32 $0x7F, v21;
	v27 =	vld.idx.msk [tilespmem:v27+s20+$0x0], $0xffff  }
0x13a: {  	p2 =	por $0x0, $0x0;
	s18 =	simm.s32 $0x7;
	v30 =	vor.u32 s17, v42;
	v24 =	vor.u32 s15, v42;
	v36 =	vld.idx.msk [tilespmem:v29+s20+$0x0], $0xffff;
	v38 =	vor.u32 v2, v20  }
0x13b: {  	s15 =	simm.s32 $0x4;
	v23 =	vor.u32 s17, v17;
	v20 =	vadd.s32 s24, v4;
	v21 =	vor.u32 s26, v42  }
0x13c: {  	s31 =	simm.s32 $0x5;
	s29 =	simm.s32 $0x0;
	v19 =	vand.u32 $0x7F, v19;
	v63 =	vor.u32 s26, v17;
	v29 =	vadd.s32 s15, v0  }
0x13d: {  	s2 =	simm.s32 $0x6;
	v34 =	vadd.s32 s31, v0;
	v20 =	vand.u32 $0x7F, v20;
	v37 =	vor.u32 s29, v1  }
0x13e: {  	v40 =	vor.u32 s29, v3;
	v51 =	vadd.s32 s2, v0;
	v41 =	vadd.s32 s2, v4  }
0x13f: {  	s0 =	sand.u32 $0x3C, s15;
	v54 =	vadd.s32 s15, v7;
	v59 =	vadd.s32 s15, v4;
	v45 =	vadd.s32 s31, v4  }
0x140: {  	s5 =	sand.u32 $0x3F, s18;
	[tilespmem:v38+s30+$0x0] =	vst.idx.msk $0xffff, v22;
	s6 =	sand.u32 $0x3D, s31;
	v60 =	vadd.s32 s2, v7;
	v61 =	vor.u32 v8, v19;
	v42 =	vor.u32 s29, v6;
	s17 =	sshll.u32 s0, $0x7  }
0x141: {  	s13 =	sshll.u32 s5, $0x7;
	s5 =	sand.u32 $0x3E, s2;
	v29 =	vand.u32 $0x7F, v29;
	[tilespmem:v28+s30+$0x0] =	vst.idx.msk $0xffff, v33;
	v22 =	vand.u32 $0x7F, v34;
	s0 =	sshll.u32 s6, $0x7;
	v28 =	vor.u32 s17, v37  }
0x142: {  	v57 =	vld.idx.msk [tilespmem:v13+s20+$0x0], $0xffff;
	s5 =	sshll.u32 s5, $0x7;
	v20 =	vor.u32 v5, v20;
	v55 =	vor.u32 v2, v22;
	v22 =	vor.u32 s0, v37  }
0x143: {  	v33 =	vand.u32 $0x7F, v51;
	v52 =	vor.u32 s13, v37;
	v53 =	vld.idx.msk [tilespmem:v39+s20+$0x0], $0xffff;
	v56 =	vor.u32 s5, v37;
	[tilespmem:v26+s30+$0x0] =	vst.idx.msk $0xffff, v27  }
0x144: {  	v13 =	vor.u32 s13, v40;
	v41 =	vand.u32 $0x7F, v41;
	v46 =	vand.u32 $0x7F, v59;
	[tilespmem:v35+s30+$0x0] =	vst.idx.msk $0xffff, v36;
	v24 =	vld.idx.msk [tilespmem:v24+s20+$0x0], $0xffff  }
0x145: {  	v43 =	vor.u32 v2, v33;
	v44 =	vor.u32 s17, v40;
	v58 =	vor.u32 s5, v40;
	v30 =	vld.idx.msk [tilespmem:v30+s20+$0x0], $0xffff  }
0x146: {  	v27 =	vor.u32 v2, v29;
	v29 =	vadd.s32 s31, v7;
	v39 =	vand.u32 $0x7F, v54;
	v26 =	vld.idx.msk [tilespmem:v28+s20+$0x0], $0xffff  }
0x147: {  	v62 =	vor.u32 s0, v40;
	v36 =	vand.u32 $0x7F, v60;
	v35 =	vor.u32 v5, v46;
	[tilespmem:v20+s30+$0x0] =	vst.idx.msk $0xffff, v57;
	v19 =	vld.idx.msk [tilespmem:v22+s20+$0x0], $0xffff  }
0x148: {  	v20 =	vadd.s32 s15, v10;
	v28 =	vand.u32 $0x7F, v45;
	[tilespmem:v18+s30+$0x0] =	vst.idx.msk $0xffff, v53;
	v17 =	vld.idx.msk [tilespmem:v56+s20+$0x0], $0xffff;
	v22 =	vadd.s32 s31, v10  }
0x149: {  	v18 =	vand.u32 $0x7F, v29;
	v29 =	vor.u32 v11, v14;
	v14 =	vand.u32 $0x7F, v22;
	[tilespmem:v32+s30+$0x0] =	vst.idx.msk $0xffff, v24;
	v22 =	vld.idx.msk [tilespmem:v52+s20+$0x0], $0xffff  }
0x14a: {  	v24 =	vor.u32 v11, v31;
	v28 =	vor.u32 v5, v28;
	v40 =	vld.idx.msk [tilespmem:v16+s20+$0x0], $0xffff;
	v18 =	vor.u32 v8, v18  }
0x14b: {  	v16 =	vadd.s32 s18, v0;
	[tilespmem:v15+s30+$0x0] =	vst.idx.msk $0xffff, v30;
	v30 =	vld.idx.msk [tilespmem:v21+s20+$0x0], $0xffff;
	v15 =	vadd.s32 s2, v10;
	v21 =	vor.u32 v8, v36  }
0x14c: {  	p3 =	por $0x1, $0x1;
	v16 =	vand.u32 $0x7F, v16;
	v15 =	vand.u32 $0x7F, v15;
	v47 =	vld.idx.msk [tilespmem:v23+s20+$0x0], $0xffff;
	v23 =	vadd.s32 s24, v10;
	[tilespmem:v27+s30+$0x0] =	vst.idx.msk $0xffff, v26  }
.Ltmp14:
0x14d: {  	v38 =	vor.u32 v2, v16;
	[tilespmem:v55+s30+$0x0] =	vst.idx.msk $0xffff, v19;
	v26 =	vor.u32 v5, v41;
	v41 =	vld.idx.msk [tilespmem:v25+s20+$0x0], $0xffff;
	(pc) =	sbr.rel @!p3 .LBB2_22-.Ltmp14, $4  }
0x14e: {  	v20 =	vand.u32 $0x7F, v20;
	v32 =	vor.u32 v11, v15;
	v31 =	vand.u32 $0x7F, v23;
	[tilespmem:v43+s30+$0x0] =	vst.idx.msk $0xffff, v17;
	v33 =	vld.idx.msk [tilespmem:v62+s20+$0x0], $0xffff  }
0x14f: {  	v15 =	vor.u32 v8, v39;
	v39 =	vor.u32 s0, v42;
	v17 =	vor.u32 s29, v9;
	v27 =	vld.idx.msk [tilespmem:v58+s20+$0x0], $0xffff  }
0x150: {  	v19 =	vadd.s32 s18, v7;
	v37 =	vor.u32 v11, v31;
	v36 =	vld.idx.msk [tilespmem:v44+s20+$0x0], $0xffff;
	v16 =	vor.u32 s0, v17;
	[tilespmem:v61+s30+$0x0] =	vst.idx.msk $0xffff, v30  }
0x151: {  	p2 =	por $0x1, $0x1;
	s24 =	simm.s32 $0xB;
	v23 =	vor.u32 s5, v17;
	v30 =	vor.u32 s17, v42;
	v34 =	vld.idx.msk [tilespmem:v63+s20+$0x0], $0xffff;
	[tilespmem:v24+s30+$0x0] =	vst.idx.msk $0xffff, v47;
	v24 =	vor.u32 s5, v42  }
.LBB2_23:
0x152: {  	s5 =	sadd.s32 $0xFFFFFFFD, s24;
	s15 =	sadd.s32 $0xFFFFFFFE, s24;
	s0 =	sadd.s32 $0xFFFFFFFF, s24;
	v25 =	vor.u32 s17, v17;
	v31 =	vadd.s32 s18, v4;
	v42 =	vor.u32 s13, v42;
	[tilespmem:v29+s30+$0x0] =	vst.idx.msk $0xffff, v40  }
0x153: {  	s6 =	sand.u32 $0x3F, s24;
	s2 =	sand.u32 $0x3C, s5;
	s26 =	sshrl.u32 s5, $0x6;
	v29 =	vadd.s32 s5, v0;
	v40 =	vadd.s32 s15, v0;
	[tilespmem:v28+s30+$0x0] =	vst.idx.msk $0xffff, v33;
	v28 =	vand.u32 $0x7F, v31  }
0x154: {  	p3 =	slt.u32 s5, $0x7C;
	v31 =	vor.u32 s26, v1;
	s17 =	sshll.u32 s2, $0x7;
	v29 =	vand.u32 $0x7F, v29;
	v33 =	vor.u32 s26, v3;
	s2 =	sand.u32 $0x3E, s0;
	[tilespmem:v26+s30+$0x0] =	vst.idx.msk $0xffff, v27  }
0x155: {  	s29 =	sand.u32 $0x3D, s15;
	v43 =	vadd.s32 s0, v4;
	s6 =	sshll.u32 s6, $0x7;
	v27 =	vadd.s32 s0, v0;
	v26 =	vor.u32 s17, v31;
	[tilespmem:v38+s30+$0x0] =	vst.idx.msk $0xffff, v22  }
0x156: {  	v22 =	vand.u32 $0x7F, v40;
	v27 =	vand.u32 $0x7F, v27;
	v38 =	vor.u32 s6, v31;
	[tilespmem:v35+s30+$0x0] =	vst.idx.msk $0xffff, v36;
	v35 =	vld.idx.msk [tilespmem:v39+s20+$0x0], $0xffff  }
0x157: {  	s29 =	sshll.u32 s29, $0x7;
	s31 =	sshll.u32 s2, $0x7;
	v36 =	vadd.s32 s5, v7;
	v39 =	vor.u32 v2, v22;
	v27 =	vor.u32 v2, v27;
	[tilespmem:v12+s30+$0x0] =	vst.idx.msk $0xffff, v41  }
0x158: {  	v22 =	vor.u32 s29, v31;
	v31 =	vor.u32 s31, v31;
	v41 =	vor.u32 s17, v33;
	v12 =	vmovc v32;
	v40 =	vld.idx.msk [tilespmem:v13+s20+$0x0], $0xffff  }
0x159: {  	v28 =	vor.u32 v5, v28;
	v44 =	vor.u32 s31, v33;
	v13 =	vor.u32 s6, v33;
	v30 =	vld.idx.msk [tilespmem:v30+s20+$0x0], $0xffff;
	[tilespmem:v37+s30+$0x0] =	vst.idx.msk $0xffff, v34  }
0x15a: {  	v32 =	vadd.s32 s5, v4;
	v34 =	vadd.s32 s15, v4;
	v37 =	vand.u32 $0x7F, v43;
	v26 =	vld.idx.msk [tilespmem:v26+s20+$0x0], $0xffff  }
0x15b: {  	v45 =	vand.u32 $0x7F, v32;
	v43 =	vor.u32 v2, v29;
	v34 =	vand.u32 $0x7F, v34;
	v24 =	vld.idx.msk [tilespmem:v24+s20+$0x0], $0xffff  }
0x15c: {  	v32 =	vadd.s32 s0, v7;
	v29 =	vadd.s32 s15, v7;
	[tilespmem:v18+s30+$0x0] =	vst.idx.msk $0xffff, v35;
	v18 =	vand.u32 $0x7F, v19  }
0x15d: {  	v35 =	vand.u32 $0x7F, v29;
	v19 =	vld.idx.msk [tilespmem:v22+s20+$0x0], $0xffff;
	v22 =	vand.u32 $0x7F, v32;
	v46 =	vor.u32 v8, v18  }
0x15e: {  	v33 =	vor.u32 s29, v33;
	v18 =	vand.u32 $0x7F, v36;
	v36 =	vor.u32 s13, v17;
	s13 =	smov.u32 s6;
	v31 =	vld.idx.msk [tilespmem:v31+s20+$0x0], $0xffff;
	[tilespmem:v28+s30+$0x0] =	vst.idx.msk $0xffff, v40  }
0x15f: {  	v29 =	vor.u32 v11, v14;
	v17 =	vadd.s32 s5, v10;
	v28 =	vadd.s32 s15, v10;
	[tilespmem:v15+s30+$0x0] =	vst.idx.msk $0xffff, v30;
	v30 =	vld.idx.msk [tilespmem:v42+s20+$0x0], $0xffff  }
0x160: {  	v15 =	vand.u32 $0x7F, v17;
	v14 =	vand.u32 $0x7F, v28;
	v17 =	vadd.s32 s0, v10;
	[tilespmem:v43+s30+$0x0] =	vst.idx.msk $0xffff, v26  }
0x161: {  	v17 =	vand.u32 $0x7F, v17;
	v25 =	vld.idx.msk [tilespmem:v25+s20+$0x0], $0xffff;
	[tilespmem:v21+s30+$0x0] =	vst.idx.msk $0xffff, v24;
	v21 =	vor.u32 v8, v22;
	v24 =	vadd.s32 s18, v10;
	s18 =	smov.u32 s24  }
0x162: {  	v43 =	vor.u32 v11, v20;
	v20 =	vmovc v15;
	v32 =	vor.u32 v11, v17;
	v22 =	vld.idx.msk [tilespmem:v38+s20+$0x0], $0xffff;
	v24 =	vand.u32 $0x7F, v24  }
0x163: {  	v28 =	vor.u32 v5, v34;
	v15 =	vor.u32 v8, v18;
	[tilespmem:v39+s30+$0x0] =	vst.idx.msk $0xffff, v19;
	v40 =	vld.idx.msk [tilespmem:v16+s20+$0x0], $0xffff  }
.Ltmp15:
0x164: {  	v18 =	vor.u32 v8, v35;
	v16 =	vadd.s32 s24, v0;
	v19 =	vadd.s32 s24, v7;
	v33 =	vld.idx.msk [tilespmem:v33+s20+$0x0], $0xffff;
	[tilespmem:v27+s30+$0x0] =	vst.idx.msk $0xffff, v31;
	(pc) =	sbr.rel @p3 .LBB2_23-.Ltmp15, $4  }
0x165: {  	v26 =	vor.u32 v5, v37;
	v17 =	vor.u32 s26, v9;
	v16 =	vand.u32 $0x7F, v16;
	v27 =	vld.idx.msk [tilespmem:v44+s20+$0x0], $0xffff;
	[tilespmem:v46+s30+$0x0] =	vst.idx.msk $0xffff, v30  }
0x166: {  	v37 =	vor.u32 v11, v24;
	v31 =	vor.u32 s31, v17;
	v38 =	vor.u32 v2, v16;
	v34 =	vld.idx.msk [tilespmem:v36+s20+$0x0], $0xffff  }
0x167: {  	v42 =	vor.u32 s26, v6;
	v35 =	vor.u32 v5, v45;
	v16 =	vor.u32 s29, v17;
	v36 =	vld.idx.msk [tilespmem:v41+s20+$0x0], $0xffff;
	[tilespmem:v43+s30+$0x0] =	vst.idx.msk $0xffff, v25  }
0x168: {  	v39 =	vor.u32 s29, v42;
	v24 =	vor.u32 s31, v42;
	s24 =	sadd.s32 $0x4, s24;
	v30 =	vor.u32 s17, v42;
	v41 =	vld.idx.msk [tilespmem:v23+s20+$0x0], $0xffff;
	v23 =	vmovc v31  }
0x169: {  	v43 =	vmovc v12;
	s24 =	smov.u32 s18;
	s26 =	smov.u32 s13;
	v12 =	vmovc v32;
	v32 =	vmov v21;
	v31 =	vmov v20;
	v25 =	vmov v23  }
.LBB2_25:
0x16a: {  	_ =	sdelay $0x2  }
0x16b: {  	v20 =	vadd.s32 s24, v4  }
0x16c: {  	[tilespmem:v38+s30+$0x0] =	vst.idx.msk $0xffff, v22;
	v20 =	vand.u32 $0x7F, v20  }
0x16d: {  	v13 =	vld.idx.msk [tilespmem:v13+s20+$0x0], $0xffff;
	v20 =	vor.u32 v5, v20  }
0x16e: {  	v21 =	vor.u32 s26, v42  }
0x16f: {  	[tilespmem:v28+s30+$0x0] =	vst.idx.msk $0xffff, v33  }
0x170: {  	[tilespmem:v26+s30+$0x0] =	vst.idx.msk $0xffff, v27;
	v56 =	vld.idx.msk [tilespmem:v39+s20+$0x0], $0xffff  }
0x171: {  	v24 =	vld.idx.msk [tilespmem:v24+s20+$0x0], $0xffff;
	[tilespmem:v35+s30+$0x0] =	vst.idx.msk $0xffff, v36  }
0x172: {  	v19 =	vand.u32 $0x7F, v19;
	v55 =	vld.idx.msk [tilespmem:v30+s20+$0x0], $0xffff;
	[tilespmem:v20+s30+$0x0] =	vst.idx.msk $0xffff, v13  }
0x173: {  	v23 =	vor.u32 s17, v17;
	v57 =	vor.u32 v8, v19;
	v58 =	vld.idx.msk [tilespmem:v21+s20+$0x0], $0xffff  }
0x174: {  	[tilespmem:v29+s30+$0x0] =	vst.idx.msk @p2 $0xffff, v40;
	v59 =	vor.u32 s26, v17  }
0x175: {  	[tilespmem:v18+s30+$0x0] =	vst.idx.msk $0xffff, v56  }
0x176: {  	v14 =	vor.u32 v11, v14;
	[tilespmem:v32+s30+$0x0] =	vst.idx.msk $0xffff, v24;
	v16 =	vld.idx.msk [tilespmem:v16+s20+$0x0], $0xffff  }
0x177: {  	v61 =	vadd.s32 s24, v10;
	v62 =	vld.idx.msk [tilespmem:v25+s20+$0x0], $0xffff;
	[tilespmem:v15+s30+$0x0] =	vst.idx.msk $0xffff, v55  }
0x178: {  	v60 =	vor.u32 v11, v31;
	v20 =	vand.u32 $0x7F, v61;
	v15 =	vld.idx.msk [tilespmem:v23+s20+$0x0], $0xffff;
	[tilespmem:v57+s30+$0x0] =	vst.idx.msk $0xffff, v58  }
0x179: {  	[tilespmem:v37+s30+$0x0] =	vst.idx.msk @p2 $0xffff, v34;
	v63 =	vor.u32 v11, v20;
	v17 =	vld.idx.msk [tilespmem:v59+s20+$0x0], $0xffff  }
0x17a: {  	[tilespmem:v43+s30+$0x0] =	vst.idx.msk @p2 $0xffff, v41  }
0x17b: {  	[tilespmem:v14+s30+$0x0] =	vst.idx.msk $0xffff, v16  }
0x17c: {  	s0 =	sshll.u32 s11, $0xA;
	[tilespmem:v12+s30+$0x0] =	vst.idx.msk $0xffff, v62  }
0x17d: {  	s0 =	sand.u32 $0x1FFFFC00, s0;
	[tilespmem:v60+s30+$0x0] =	vst.idx.msk $0xffff, v15  }
0x17e: {  	s0 =	sadd.s32 s3, s0;
	[tilespmem:v63+s30+$0x0] =	vst.idx.msk $0xffff, v17  }
0x17f: {  	[hbm4b:s0+s4] =	stream.linear.scatter [tilespmem:s30], [sflag:$0x9], $0x2000, $0x38;
	[tilespmem:$0x1B000] =	vst v63  }
0x180: {  	s0 =	sadd.s32 $0x8, s7  }
0x181: {  	p2 =	sge.u32 s0, s8  }
0x182: {  	s0 =	sshll.u32 @!p2 s0, $0x7  }
0x183: {  	s2 =	rddreg [dreg:$0x0];
	s5 =	simm.s32 @!p2 $0x7A1400;
	s0 =	sand.u32 @!p2 $0x1FFFFF80, s0  }
0x184: {  	s6 =	simm.s32 @!p2 $0x4000;
	s0 =	sadd.s32 @!p2 s2, s0;
	s2 =	simm.s32 @!p2 $0x400  }
0x185: {  	[tilespmem:s6], [sflag:$0x3] =	stream.strided.gather @!p2 [hbm4b:s0+s2], $0x2000, s5, s2, $0x38;
	[tilespmem:$0x1B000] =	vst v63  }
.LBB2_26:
0x186: {  	s11 =	sadd.s32 $0x3, s7  }
0x187: {  	p2 =	sge.u32 s11, s8  }
.Ltmp16:
0x188: {  	_ = 	snop;
	(pc) =	sbr.rel @p2 .LBB2_34-.Ltmp16, $1  }
0x189: {  	_ =	sdelay $0x3  }
0x18a: {  	s2 =	simm.s32 $0x0  }
0x18b: {  	s6 =	simm.s32 $0x1;
	s0 =	simm.s32 $0x0;
	v12 =	vadd.s32 s2, v0  }
0x18c: {  	s13 =	simm.s32 $0x2;
	v13 =	vadd.s32 s6, v0;
	v14 =	vor.u32 s0, v1;
	v15 =	vor.u32 s0, v3  }
0x18d: {  	s24 =	simm.s32 $0x3;
	s18 =	simm.s32 $0x4;
	s5 =	sand.u32 $0x3C, s2;
	v17 =	vadd.s32 s13, v0;
	v18 =	vadd.s32 s13, v4;
	v20 =	vadd.s32 s2, v7  }
0x18e: {  	s26 =	sand.u32 $0x3F, s24;
	s15 =	sand.u32 $0x3D, s6;
	_ =	swait.ge [sflag:s18], $0x2000;
	v22 =	vadd.s32 s6, v4;
	v42 =	vor.u32 s0, v6;
	v12 =	vand.u32 $0x7F, v12  }
0x18f: {  	s31 =	sand.u32 $0x3E, s13;
	s17 =	sshll.u32 s5, $0x7;
	v13 =	vand.u32 $0x7F, v13;
	v17 =	vand.u32 $0x7F, v17;
	s29 =	sshll.u32 s15, $0x7;
	v25 =	vand.u32 $0x7F, v18  }
0x190: {  	s26 =	sshll.u32 s26, $0x7;
	[sflag:s18] =	ssyncset.done $0x0;
	s15 =	sshll.u32 s31, $0x7;
	v18 =	vadd.s32 s13, v7;
	v16 =	vor.u32 s17, v14;
	v21 =	vor.u32 s29, v14  }
0x191: {  	v19 =	vor.u32 s26, v14;
	[sflag:s18] =	ssyncadd.s32 $0xFFFFE000;
	s18 =	simm.s32 @!p1 $0xA;
	v23 =	vor.u32 v2, v13;
	v14 =	vor.u32 s15, v14  }
0x192: {  	v24 =	vor.u32 v2, v17;
	v29 =	vor.u32 s17, v15;
	v27 =	vor.u32 s15, v15;
	_ =	swait.ge @!p1 [sflag:s18], $0x2000  }
0x193: {  	v13 =	vor.u32 s26, v15;
	v17 =	vadd.s32 s2, v4;
	v30 =	vor.u32 v2, v12;
	[sflag:s18] =	ssyncset.done @!p1 $0x0  }
0x194: {  	v12 =	vadd.s32 s6, v7;
	v39 =	vor.u32 s29, v42;
	v34 =	vand.u32 $0x7F, v17;
	[sflag:s18] =	ssyncadd.s32 @!p1 $0xFFFFE000  }
0x195: {  	v17 =	vand.u32 $0x7F, v22;
	v26 =	vand.u32 $0x7F, v12;
	v12 =	vand.u32 $0x7F, v18;
	v21 =	vld.idx.msk [tilespmem:v21+s21+$0x0], $0xffff  }
0x196: {  	v18 =	vand.u32 $0x7F, v20;
	v20 =	vor.u32 s29, v15;
	v15 =	vadd.s32 s6, v10;
	v35 =	vld.idx.msk [tilespmem:v14+s21+$0x0], $0xffff  }
0x197: {  	v22 =	vadd.s32 s13, v10;
	v32 =	vor.u32 v8, v12;
	v14 =	vadd.s32 s2, v10;
	v16 =	vld.idx.msk [tilespmem:v16+s21+$0x0], $0xffff  }
0x198: {  	p3 =	por $0x1, $0x1;
	v31 =	vand.u32 $0x7F, v14;
	v14 =	vand.u32 $0x7F, v15;
	v15 =	vand.u32 $0x7F, v22  }
.Ltmp17:
0x199: {  	v28 =	vor.u32 v5, v17;
	v17 =	vor.u32 s0, v9;
	v22 =	vld.idx.msk [tilespmem:v19+s21+$0x0], $0xffff;
	v12 =	vor.u32 v11, v15;
	(pc) =	sbr.rel @!p3 .LBB2_28-.Ltmp17, $4  }
0x19a: {  	v19 =	vadd.s32 s24, v7;
	v15 =	vor.u32 v8, v18;
	v18 =	vor.u32 v8, v26;
	[tilespmem:v23+s1+$0x0] =	vst.idx.msk $0xffff, v21  }
0x19b: {  	v26 =	vor.u32 v5, v25;
	v25 =	vor.u32 s15, v17;
	v21 =	vadd.s32 s24, v0;
	[tilespmem:v24+s1+$0x0] =	vst.idx.msk $0xffff, v35;
	v33 =	vld.idx.msk [tilespmem:v20+s21+$0x0], $0xffff  }
0x19c: {  	[tilespmem:v30+s1+$0x0] =	vst.idx.msk $0xffff, v16;
	v35 =	vor.u32 v5, v34;
	v16 =	vor.u32 s29, v17;
	v20 =	vand.u32 $0x7F, v21;
	v27 =	vld.idx.msk [tilespmem:v27+s21+$0x0], $0xffff  }
0x19d: {  	p2 =	por $0x0, $0x0;
	s18 =	simm.s32 $0x7;
	v30 =	vor.u32 s17, v42;
	v24 =	vor.u32 s15, v42;
	v36 =	vld.idx.msk [tilespmem:v29+s21+$0x0], $0xffff;
	v38 =	vor.u32 v2, v20  }
0x19e: {  	s15 =	simm.s32 $0x4;
	v23 =	vor.u32 s17, v17;
	v20 =	vadd.s32 s24, v4;
	v21 =	vor.u32 s26, v42  }
0x19f: {  	s31 =	simm.s32 $0x5;
	s29 =	simm.s32 $0x0;
	v19 =	vand.u32 $0x7F, v19;
	v63 =	vor.u32 s26, v17;
	v29 =	vadd.s32 s15, v0  }
0x1a0: {  	s2 =	simm.s32 $0x6;
	v34 =	vadd.s32 s31, v0;
	v20 =	vand.u32 $0x7F, v20;
	v37 =	vor.u32 s29, v1  }
0x1a1: {  	v40 =	vor.u32 s29, v3;
	v51 =	vadd.s32 s2, v0;
	v41 =	vadd.s32 s2, v4  }
0x1a2: {  	s0 =	sand.u32 $0x3C, s15;
	v54 =	vadd.s32 s15, v7;
	v59 =	vadd.s32 s15, v4;
	v45 =	vadd.s32 s31, v4  }
0x1a3: {  	s5 =	sand.u32 $0x3F, s18;
	[tilespmem:v38+s1+$0x0] =	vst.idx.msk $0xffff, v22;
	s6 =	sand.u32 $0x3D, s31;
	v60 =	vadd.s32 s2, v7;
	v61 =	vor.u32 v8, v19;
	v42 =	vor.u32 s29, v6;
	s17 =	sshll.u32 s0, $0x7  }
0x1a4: {  	s13 =	sshll.u32 s5, $0x7;
	s5 =	sand.u32 $0x3E, s2;
	v29 =	vand.u32 $0x7F, v29;
	[tilespmem:v28+s1+$0x0] =	vst.idx.msk $0xffff, v33;
	v22 =	vand.u32 $0x7F, v34;
	s0 =	sshll.u32 s6, $0x7;
	v28 =	vor.u32 s17, v37  }
0x1a5: {  	v57 =	vld.idx.msk [tilespmem:v13+s21+$0x0], $0xffff;
	s5 =	sshll.u32 s5, $0x7;
	v20 =	vor.u32 v5, v20;
	v55 =	vor.u32 v2, v22;
	v22 =	vor.u32 s0, v37  }
0x1a6: {  	v33 =	vand.u32 $0x7F, v51;
	v52 =	vor.u32 s13, v37;
	v53 =	vld.idx.msk [tilespmem:v39+s21+$0x0], $0xffff;
	v56 =	vor.u32 s5, v37;
	[tilespmem:v26+s1+$0x0] =	vst.idx.msk $0xffff, v27  }
0x1a7: {  	v13 =	vor.u32 s13, v40;
	v41 =	vand.u32 $0x7F, v41;
	v46 =	vand.u32 $0x7F, v59;
	[tilespmem:v35+s1+$0x0] =	vst.idx.msk $0xffff, v36;
	v24 =	vld.idx.msk [tilespmem:v24+s21+$0x0], $0xffff  }
0x1a8: {  	v43 =	vor.u32 v2, v33;
	v44 =	vor.u32 s17, v40;
	v58 =	vor.u32 s5, v40;
	v30 =	vld.idx.msk [tilespmem:v30+s21+$0x0], $0xffff  }
0x1a9: {  	v27 =	vor.u32 v2, v29;
	v29 =	vadd.s32 s31, v7;
	v39 =	vand.u32 $0x7F, v54;
	v26 =	vld.idx.msk [tilespmem:v28+s21+$0x0], $0xffff  }
0x1aa: {  	v62 =	vor.u32 s0, v40;
	v36 =	vand.u32 $0x7F, v60;
	v35 =	vor.u32 v5, v46;
	[tilespmem:v20+s1+$0x0] =	vst.idx.msk $0xffff, v57;
	v19 =	vld.idx.msk [tilespmem:v22+s21+$0x0], $0xffff  }
0x1ab: {  	v20 =	vadd.s32 s15, v10;
	v28 =	vand.u32 $0x7F, v45;
	[tilespmem:v18+s1+$0x0] =	vst.idx.msk $0xffff, v53;
	v17 =	vld.idx.msk [tilespmem:v56+s21+$0x0], $0xffff;
	v22 =	vadd.s32 s31, v10  }
0x1ac: {  	v18 =	vand.u32 $0x7F, v29;
	v29 =	vor.u32 v11, v14;
	v14 =	vand.u32 $0x7F, v22;
	[tilespmem:v32+s1+$0x0] =	vst.idx.msk $0xffff, v24;
	v22 =	vld.idx.msk [tilespmem:v52+s21+$0x0], $0xffff  }
0x1ad: {  	v24 =	vor.u32 v11, v31;
	v28 =	vor.u32 v5, v28;
	v40 =	vld.idx.msk [tilespmem:v16+s21+$0x0], $0xffff;
	v18 =	vor.u32 v8, v18  }
0x1ae: {  	v16 =	vadd.s32 s18, v0;
	[tilespmem:v15+s1+$0x0] =	vst.idx.msk $0xffff, v30;
	v30 =	vld.idx.msk [tilespmem:v21+s21+$0x0], $0xffff;
	v15 =	vadd.s32 s2, v10;
	v21 =	vor.u32 v8, v36  }
0x1af: {  	p3 =	por $0x1, $0x1;
	v16 =	vand.u32 $0x7F, v16;
	v15 =	vand.u32 $0x7F, v15;
	v47 =	vld.idx.msk [tilespmem:v23+s21+$0x0], $0xffff;
	v23 =	vadd.s32 s24, v10;
	[tilespmem:v27+s1+$0x0] =	vst.idx.msk $0xffff, v26  }
.Ltmp18:
0x1b0: {  	v38 =	vor.u32 v2, v16;
	[tilespmem:v55+s1+$0x0] =	vst.idx.msk $0xffff, v19;
	v26 =	vor.u32 v5, v41;
	v41 =	vld.idx.msk [tilespmem:v25+s21+$0x0], $0xffff;
	(pc) =	sbr.rel @!p3 .LBB2_30-.Ltmp18, $4  }
0x1b1: {  	v20 =	vand.u32 $0x7F, v20;
	v32 =	vor.u32 v11, v15;
	v31 =	vand.u32 $0x7F, v23;
	[tilespmem:v43+s1+$0x0] =	vst.idx.msk $0xffff, v17;
	v33 =	vld.idx.msk [tilespmem:v62+s21+$0x0], $0xffff  }
0x1b2: {  	v15 =	vor.u32 v8, v39;
	v39 =	vor.u32 s0, v42;
	v17 =	vor.u32 s29, v9;
	v27 =	vld.idx.msk [tilespmem:v58+s21+$0x0], $0xffff  }
0x1b3: {  	v19 =	vadd.s32 s18, v7;
	v37 =	vor.u32 v11, v31;
	v36 =	vld.idx.msk [tilespmem:v44+s21+$0x0], $0xffff;
	v16 =	vor.u32 s0, v17;
	[tilespmem:v61+s1+$0x0] =	vst.idx.msk $0xffff, v30  }
0x1b4: {  	p2 =	por $0x1, $0x1;
	s24 =	simm.s32 $0xB;
	v23 =	vor.u32 s5, v17;
	v30 =	vor.u32 s17, v42;
	v34 =	vld.idx.msk [tilespmem:v63+s21+$0x0], $0xffff;
	[tilespmem:v24+s1+$0x0] =	vst.idx.msk $0xffff, v47;
	v24 =	vor.u32 s5, v42  }
.LBB2_31:
0x1b5: {  	s5 =	sadd.s32 $0xFFFFFFFD, s24;
	s15 =	sadd.s32 $0xFFFFFFFE, s24;
	s0 =	sadd.s32 $0xFFFFFFFF, s24;
	v25 =	vor.u32 s17, v17;
	v31 =	vadd.s32 s18, v4;
	v42 =	vor.u32 s13, v42;
	[tilespmem:v29+s1+$0x0] =	vst.idx.msk $0xffff, v40  }
0x1b6: {  	s6 =	sand.u32 $0x3F, s24;
	s2 =	sand.u32 $0x3C, s5;
	s26 =	sshrl.u32 s5, $0x6;
	v29 =	vadd.s32 s5, v0;
	v40 =	vadd.s32 s15, v0;
	[tilespmem:v28+s1+$0x0] =	vst.idx.msk $0xffff, v33;
	v28 =	vand.u32 $0x7F, v31  }
0x1b7: {  	p3 =	slt.u32 s5, $0x7C;
	v31 =	vor.u32 s26, v1;
	s17 =	sshll.u32 s2, $0x7;
	v29 =	vand.u32 $0x7F, v29;
	v33 =	vor.u32 s26, v3;
	s2 =	sand.u32 $0x3E, s0;
	[tilespmem:v26+s1+$0x0] =	vst.idx.msk $0xffff, v27  }
0x1b8: {  	s29 =	sand.u32 $0x3D, s15;
	v43 =	vadd.s32 s0, v4;
	s6 =	sshll.u32 s6, $0x7;
	v27 =	vadd.s32 s0, v0;
	v26 =	vor.u32 s17, v31;
	[tilespmem:v38+s1+$0x0] =	vst.idx.msk $0xffff, v22  }
0x1b9: {  	v22 =	vand.u32 $0x7F, v40;
	v27 =	vand.u32 $0x7F, v27;
	v38 =	vor.u32 s6, v31;
	[tilespmem:v35+s1+$0x0] =	vst.idx.msk $0xffff, v36;
	v35 =	vld.idx.msk [tilespmem:v39+s21+$0x0], $0xffff  }
0x1ba: {  	s29 =	sshll.u32 s29, $0x7;
	s31 =	sshll.u32 s2, $0x7;
	v36 =	vadd.s32 s5, v7;
	v39 =	vor.u32 v2, v22;
	v27 =	vor.u32 v2, v27;
	[tilespmem:v12+s1+$0x0] =	vst.idx.msk $0xffff, v41  }
0x1bb: {  	v22 =	vor.u32 s29, v31;
	v31 =	vor.u32 s31, v31;
	v41 =	vor.u32 s17, v33;
	v12 =	vmovc v32;
	v40 =	vld.idx.msk [tilespmem:v13+s21+$0x0], $0xffff  }
0x1bc: {  	v28 =	vor.u32 v5, v28;
	v44 =	vor.u32 s31, v33;
	v13 =	vor.u32 s6, v33;
	v30 =	vld.idx.msk [tilespmem:v30+s21+$0x0], $0xffff;
	[tilespmem:v37+s1+$0x0] =	vst.idx.msk $0xffff, v34  }
0x1bd: {  	v32 =	vadd.s32 s5, v4;
	v34 =	vadd.s32 s15, v4;
	v37 =	vand.u32 $0x7F, v43;
	v26 =	vld.idx.msk [tilespmem:v26+s21+$0x0], $0xffff  }
0x1be: {  	v45 =	vand.u32 $0x7F, v32;
	v43 =	vor.u32 v2, v29;
	v34 =	vand.u32 $0x7F, v34;
	v24 =	vld.idx.msk [tilespmem:v24+s21+$0x0], $0xffff  }
0x1bf: {  	v32 =	vadd.s32 s0, v7;
	v29 =	vadd.s32 s15, v7;
	[tilespmem:v18+s1+$0x0] =	vst.idx.msk $0xffff, v35;
	v18 =	vand.u32 $0x7F, v19  }
0x1c0: {  	v35 =	vand.u32 $0x7F, v29;
	v19 =	vld.idx.msk [tilespmem:v22+s21+$0x0], $0xffff;
	v22 =	vand.u32 $0x7F, v32;
	v46 =	vor.u32 v8, v18  }
0x1c1: {  	v33 =	vor.u32 s29, v33;
	v18 =	vand.u32 $0x7F, v36;
	v36 =	vor.u32 s13, v17;
	s13 =	smov.u32 s6;
	v31 =	vld.idx.msk [tilespmem:v31+s21+$0x0], $0xffff;
	[tilespmem:v28+s1+$0x0] =	vst.idx.msk $0xffff, v40  }
0x1c2: {  	v29 =	vor.u32 v11, v14;
	v17 =	vadd.s32 s5, v10;
	v28 =	vadd.s32 s15, v10;
	[tilespmem:v15+s1+$0x0] =	vst.idx.msk $0xffff, v30;
	v30 =	vld.idx.msk [tilespmem:v42+s21+$0x0], $0xffff  }
0x1c3: {  	v15 =	vand.u32 $0x7F, v17;
	v14 =	vand.u32 $0x7F, v28;
	v17 =	vadd.s32 s0, v10;
	[tilespmem:v43+s1+$0x0] =	vst.idx.msk $0xffff, v26  }
0x1c4: {  	v17 =	vand.u32 $0x7F, v17;
	v25 =	vld.idx.msk [tilespmem:v25+s21+$0x0], $0xffff;
	[tilespmem:v21+s1+$0x0] =	vst.idx.msk $0xffff, v24;
	v21 =	vor.u32 v8, v22;
	v24 =	vadd.s32 s18, v10;
	s18 =	smov.u32 s24  }
0x1c5: {  	v43 =	vor.u32 v11, v20;
	v20 =	vmovc v15;
	v32 =	vor.u32 v11, v17;
	v22 =	vld.idx.msk [tilespmem:v38+s21+$0x0], $0xffff;
	v24 =	vand.u32 $0x7F, v24  }
0x1c6: {  	v28 =	vor.u32 v5, v34;
	v15 =	vor.u32 v8, v18;
	[tilespmem:v39+s1+$0x0] =	vst.idx.msk $0xffff, v19;
	v40 =	vld.idx.msk [tilespmem:v16+s21+$0x0], $0xffff  }
.Ltmp19:
0x1c7: {  	v18 =	vor.u32 v8, v35;
	v16 =	vadd.s32 s24, v0;
	v19 =	vadd.s32 s24, v7;
	v33 =	vld.idx.msk [tilespmem:v33+s21+$0x0], $0xffff;
	[tilespmem:v27+s1+$0x0] =	vst.idx.msk $0xffff, v31;
	(pc) =	sbr.rel @p3 .LBB2_31-.Ltmp19, $4  }
0x1c8: {  	v26 =	vor.u32 v5, v37;
	v17 =	vor.u32 s26, v9;
	v16 =	vand.u32 $0x7F, v16;
	v27 =	vld.idx.msk [tilespmem:v44+s21+$0x0], $0xffff;
	[tilespmem:v46+s1+$0x0] =	vst.idx.msk $0xffff, v30  }
0x1c9: {  	v37 =	vor.u32 v11, v24;
	v31 =	vor.u32 s31, v17;
	v38 =	vor.u32 v2, v16;
	v34 =	vld.idx.msk [tilespmem:v36+s21+$0x0], $0xffff  }
0x1ca: {  	v42 =	vor.u32 s26, v6;
	v35 =	vor.u32 v5, v45;
	v16 =	vor.u32 s29, v17;
	v36 =	vld.idx.msk [tilespmem:v41+s21+$0x0], $0xffff;
	[tilespmem:v43+s1+$0x0] =	vst.idx.msk $0xffff, v25  }
0x1cb: {  	v39 =	vor.u32 s29, v42;
	v24 =	vor.u32 s31, v42;
	s24 =	sadd.s32 $0x4, s24;
	v30 =	vor.u32 s17, v42;
	v41 =	vld.idx.msk [tilespmem:v23+s21+$0x0], $0xffff;
	v23 =	vmovc v31  }
0x1cc: {  	v43 =	vmovc v12;
	s24 =	smov.u32 s18;
	s26 =	smov.u32 s13;
	v12 =	vmovc v32;
	v32 =	vmov v21;
	v31 =	vmov v20;
	v25 =	vmov v23  }
.LBB2_33:
0x1cd: {  	_ =	sdelay $0x2  }
0x1ce: {  	v20 =	vadd.s32 s24, v4  }
0x1cf: {  	[tilespmem:v38+s1+$0x0] =	vst.idx.msk $0xffff, v22;
	v20 =	vand.u32 $0x7F, v20  }
0x1d0: {  	v13 =	vld.idx.msk [tilespmem:v13+s21+$0x0], $0xffff;
	v20 =	vor.u32 v5, v20  }
0x1d1: {  	v21 =	vor.u32 s26, v42  }
0x1d2: {  	[tilespmem:v28+s1+$0x0] =	vst.idx.msk $0xffff, v33  }
0x1d3: {  	[tilespmem:v26+s1+$0x0] =	vst.idx.msk $0xffff, v27;
	v56 =	vld.idx.msk [tilespmem:v39+s21+$0x0], $0xffff  }
0x1d4: {  	v24 =	vld.idx.msk [tilespmem:v24+s21+$0x0], $0xffff;
	[tilespmem:v35+s1+$0x0] =	vst.idx.msk $0xffff, v36  }
0x1d5: {  	v19 =	vand.u32 $0x7F, v19;
	v55 =	vld.idx.msk [tilespmem:v30+s21+$0x0], $0xffff;
	[tilespmem:v20+s1+$0x0] =	vst.idx.msk $0xffff, v13  }
0x1d6: {  	v23 =	vor.u32 s17, v17;
	v57 =	vor.u32 v8, v19;
	v58 =	vld.idx.msk [tilespmem:v21+s21+$0x0], $0xffff  }
0x1d7: {  	[tilespmem:v29+s1+$0x0] =	vst.idx.msk @p2 $0xffff, v40;
	v59 =	vor.u32 s26, v17  }
0x1d8: {  	[tilespmem:v18+s1+$0x0] =	vst.idx.msk $0xffff, v56  }
0x1d9: {  	v14 =	vor.u32 v11, v14;
	[tilespmem:v32+s1+$0x0] =	vst.idx.msk $0xffff, v24;
	v16 =	vld.idx.msk [tilespmem:v16+s21+$0x0], $0xffff  }
0x1da: {  	v61 =	vadd.s32 s24, v10;
	v62 =	vld.idx.msk [tilespmem:v25+s21+$0x0], $0xffff;
	[tilespmem:v15+s1+$0x0] =	vst.idx.msk $0xffff, v55  }
0x1db: {  	v60 =	vor.u32 v11, v31;
	v20 =	vand.u32 $0x7F, v61;
	v15 =	vld.idx.msk [tilespmem:v23+s21+$0x0], $0xffff;
	[tilespmem:v57+s1+$0x0] =	vst.idx.msk $0xffff, v58  }
0x1dc: {  	[tilespmem:v37+s1+$0x0] =	vst.idx.msk @p2 $0xffff, v34;
	v63 =	vor.u32 v11, v20;
	v17 =	vld.idx.msk [tilespmem:v59+s21+$0x0], $0xffff  }
0x1dd: {  	[tilespmem:v43+s1+$0x0] =	vst.idx.msk @p2 $0xffff, v41  }
0x1de: {  	[tilespmem:v14+s1+$0x0] =	vst.idx.msk $0xffff, v16  }
0x1df: {  	s0 =	sshll.u32 s11, $0xA;
	[tilespmem:v12+s1+$0x0] =	vst.idx.msk $0xffff, v62  }
0x1e0: {  	s0 =	sand.u32 $0x1FFFFC00, s0;
	[tilespmem:v60+s1+$0x0] =	vst.idx.msk $0xffff, v15  }
0x1e1: {  	s0 =	sadd.s32 s3, s0;
	[tilespmem:v63+s1+$0x0] =	vst.idx.msk $0xffff, v17  }
0x1e2: {  	[hbm4b:s0+s4] =	stream.linear.scatter [tilespmem:s1], [sflag:$0xA], $0x2000, $0x38;
	[tilespmem:$0x1B000] =	vst v63  }
0x1e3: {  	s0 =	sadd.s32 $0x9, s7  }
0x1e4: {  	p2 =	sge.u32 s0, s8  }
0x1e5: {  	s0 =	sshll.u32 @!p2 s0, $0x7  }
0x1e6: {  	s2 =	rddreg [dreg:$0x0];
	s5 =	simm.s32 @!p2 $0x7A1400;
	s0 =	sand.u32 @!p2 $0x1FFFFF80, s0  }
0x1e7: {  	s6 =	simm.s32 @!p2 $0x6000;
	s0 =	sadd.s32 @!p2 s2, s0;
	s2 =	simm.s32 @!p2 $0x400  }
0x1e8: {  	[tilespmem:s6], [sflag:$0x4] =	stream.strided.gather @!p2 [hbm4b:s0+s2], $0x2000, s5, s2, $0x38;
	[tilespmem:$0x1B000] =	vst v63  }
.LBB2_34:
0x1e9: {  	s11 =	sadd.s32 $0x4, s7  }
0x1ea: {  	p2 =	sge.u32 s11, s8  }
.Ltmp20:
0x1eb: {  	_ = 	snop;
	(pc) =	sbr.rel @p2 .LBB2_42-.Ltmp20, $1  }
0x1ec: {  	_ =	sdelay $0x3  }
0x1ed: {  	s2 =	simm.s32 $0x0  }
0x1ee: {  	s6 =	simm.s32 $0x1;
	s0 =	simm.s32 $0x0;
	v12 =	vadd.s32 s2, v0  }
0x1ef: {  	s13 =	simm.s32 $0x2;
	v13 =	vadd.s32 s6, v0;
	v14 =	vor.u32 s0, v1;
	v15 =	vor.u32 s0, v3  }
0x1f0: {  	s24 =	simm.s32 $0x3;
	s18 =	simm.s32 $0x5;
	s5 =	sand.u32 $0x3C, s2;
	v17 =	vadd.s32 s13, v0;
	v18 =	vadd.s32 s13, v4;
	v20 =	vadd.s32 s2, v7  }
0x1f1: {  	s26 =	sand.u32 $0x3F, s24;
	s15 =	sand.u32 $0x3D, s6;
	_ =	swait.ge [sflag:s18], $0x2000;
	v22 =	vadd.s32 s6, v4;
	v42 =	vor.u32 s0, v6;
	v12 =	vand.u32 $0x7F, v12  }
0x1f2: {  	s31 =	sand.u32 $0x3E, s13;
	s17 =	sshll.u32 s5, $0x7;
	v13 =	vand.u32 $0x7F, v13;
	v17 =	vand.u32 $0x7F, v17;
	s29 =	sshll.u32 s15, $0x7;
	v25 =	vand.u32 $0x7F, v18  }
0x1f3: {  	s26 =	sshll.u32 s26, $0x7;
	[sflag:s18] =	ssyncset.done $0x0;
	s15 =	sshll.u32 s31, $0x7;
	v18 =	vadd.s32 s13, v7;
	v16 =	vor.u32 s17, v14;
	v21 =	vor.u32 s29, v14  }
0x1f4: {  	v19 =	vor.u32 s26, v14;
	[sflag:s18] =	ssyncadd.s32 $0xFFFFE000;
	s18 =	simm.s32 @!p1 $0xB;
	v23 =	vor.u32 v2, v13;
	v14 =	vor.u32 s15, v14  }
0x1f5: {  	v24 =	vor.u32 v2, v17;
	v29 =	vor.u32 s17, v15;
	v27 =	vor.u32 s15, v15;
	_ =	swait.ge @!p1 [sflag:s18], $0x2000  }
0x1f6: {  	v13 =	vor.u32 s26, v15;
	v17 =	vadd.s32 s2, v4;
	v30 =	vor.u32 v2, v12;
	[sflag:s18] =	ssyncset.done @!p1 $0x0  }
0x1f7: {  	v12 =	vadd.s32 s6, v7;
	v39 =	vor.u32 s29, v42;
	v34 =	vand.u32 $0x7F, v17;
	[sflag:s18] =	ssyncadd.s32 @!p1 $0xFFFFE000  }
0x1f8: {  	v17 =	vand.u32 $0x7F, v22;
	v26 =	vand.u32 $0x7F, v12;
	v12 =	vand.u32 $0x7F, v18;
	v21 =	vld.idx.msk [tilespmem:v21+s22+$0x0], $0xffff  }
0x1f9: {  	v18 =	vand.u32 $0x7F, v20;
	v20 =	vor.u32 s29, v15;
	v15 =	vadd.s32 s6, v10;
	v35 =	vld.idx.msk [tilespmem:v14+s22+$0x0], $0xffff  }
0x1fa: {  	v22 =	vadd.s32 s13, v10;
	v32 =	vor.u32 v8, v12;
	v14 =	vadd.s32 s2, v10;
	v16 =	vld.idx.msk [tilespmem:v16+s22+$0x0], $0xffff  }
0x1fb: {  	p3 =	por $0x1, $0x1;
	v31 =	vand.u32 $0x7F, v14;
	v14 =	vand.u32 $0x7F, v15;
	v15 =	vand.u32 $0x7F, v22  }
.Ltmp21:
0x1fc: {  	v28 =	vor.u32 v5, v17;
	v17 =	vor.u32 s0, v9;
	v22 =	vld.idx.msk [tilespmem:v19+s22+$0x0], $0xffff;
	v12 =	vor.u32 v11, v15;
	(pc) =	sbr.rel @!p3 .LBB2_36-.Ltmp21, $4  }
0x1fd: {  	v19 =	vadd.s32 s24, v7;
	v15 =	vor.u32 v8, v18;
	v18 =	vor.u32 v8, v26;
	[tilespmem:v23+s14+$0x0] =	vst.idx.msk $0xffff, v21  }
0x1fe: {  	v26 =	vor.u32 v5, v25;
	v25 =	vor.u32 s15, v17;
	v21 =	vadd.s32 s24, v0;
	[tilespmem:v24+s14+$0x0] =	vst.idx.msk $0xffff, v35;
	v33 =	vld.idx.msk [tilespmem:v20+s22+$0x0], $0xffff  }
0x1ff: {  	[tilespmem:v30+s14+$0x0] =	vst.idx.msk $0xffff, v16;
	v35 =	vor.u32 v5, v34;
	v16 =	vor.u32 s29, v17;
	v20 =	vand.u32 $0x7F, v21;
	v27 =	vld.idx.msk [tilespmem:v27+s22+$0x0], $0xffff  }
0x200: {  	p2 =	por $0x0, $0x0;
	s18 =	simm.s32 $0x7;
	v30 =	vor.u32 s17, v42;
	v24 =	vor.u32 s15, v42;
	v36 =	vld.idx.msk [tilespmem:v29+s22+$0x0], $0xffff;
	v38 =	vor.u32 v2, v20  }
0x201: {  	s15 =	simm.s32 $0x4;
	v23 =	vor.u32 s17, v17;
	v20 =	vadd.s32 s24, v4;
	v21 =	vor.u32 s26, v42  }
0x202: {  	s31 =	simm.s32 $0x5;
	s29 =	simm.s32 $0x0;
	v19 =	vand.u32 $0x7F, v19;
	v63 =	vor.u32 s26, v17;
	v29 =	vadd.s32 s15, v0  }
0x203: {  	s2 =	simm.s32 $0x6;
	v34 =	vadd.s32 s31, v0;
	v20 =	vand.u32 $0x7F, v20;
	v37 =	vor.u32 s29, v1  }
0x204: {  	v40 =	vor.u32 s29, v3;
	v51 =	vadd.s32 s2, v0;
	v41 =	vadd.s32 s2, v4  }
0x205: {  	s0 =	sand.u32 $0x3C, s15;
	v54 =	vadd.s32 s15, v7;
	v59 =	vadd.s32 s15, v4;
	v45 =	vadd.s32 s31, v4  }
0x206: {  	s5 =	sand.u32 $0x3F, s18;
	[tilespmem:v38+s14+$0x0] =	vst.idx.msk $0xffff, v22;
	s6 =	sand.u32 $0x3D, s31;
	v60 =	vadd.s32 s2, v7;
	v61 =	vor.u32 v8, v19;
	v42 =	vor.u32 s29, v6;
	s17 =	sshll.u32 s0, $0x7  }
0x207: {  	s13 =	sshll.u32 s5, $0x7;
	s5 =	sand.u32 $0x3E, s2;
	v29 =	vand.u32 $0x7F, v29;
	[tilespmem:v28+s14+$0x0] =	vst.idx.msk $0xffff, v33;
	v22 =	vand.u32 $0x7F, v34;
	s0 =	sshll.u32 s6, $0x7;
	v28 =	vor.u32 s17, v37  }
0x208: {  	v57 =	vld.idx.msk [tilespmem:v13+s22+$0x0], $0xffff;
	s5 =	sshll.u32 s5, $0x7;
	v20 =	vor.u32 v5, v20;
	v55 =	vor.u32 v2, v22;
	v22 =	vor.u32 s0, v37  }
0x209: {  	v33 =	vand.u32 $0x7F, v51;
	v52 =	vor.u32 s13, v37;
	v53 =	vld.idx.msk [tilespmem:v39+s22+$0x0], $0xffff;
	v56 =	vor.u32 s5, v37;
	[tilespmem:v26+s14+$0x0] =	vst.idx.msk $0xffff, v27  }
0x20a: {  	v13 =	vor.u32 s13, v40;
	v41 =	vand.u32 $0x7F, v41;
	v46 =	vand.u32 $0x7F, v59;
	[tilespmem:v35+s14+$0x0] =	vst.idx.msk $0xffff, v36;
	v24 =	vld.idx.msk [tilespmem:v24+s22+$0x0], $0xffff  }
0x20b: {  	v43 =	vor.u32 v2, v33;
	v44 =	vor.u32 s17, v40;
	v58 =	vor.u32 s5, v40;
	v30 =	vld.idx.msk [tilespmem:v30+s22+$0x0], $0xffff  }
0x20c: {  	v27 =	vor.u32 v2, v29;
	v29 =	vadd.s32 s31, v7;
	v39 =	vand.u32 $0x7F, v54;
	v26 =	vld.idx.msk [tilespmem:v28+s22+$0x0], $0xffff  }
0x20d: {  	v62 =	vor.u32 s0, v40;
	v36 =	vand.u32 $0x7F, v60;
	v35 =	vor.u32 v5, v46;
	[tilespmem:v20+s14+$0x0] =	vst.idx.msk $0xffff, v57;
	v19 =	vld.idx.msk [tilespmem:v22+s22+$0x0], $0xffff  }
0x20e: {  	v20 =	vadd.s32 s15, v10;
	v28 =	vand.u32 $0x7F, v45;
	[tilespmem:v18+s14+$0x0] =	vst.idx.msk $0xffff, v53;
	v17 =	vld.idx.msk [tilespmem:v56+s22+$0x0], $0xffff;
	v22 =	vadd.s32 s31, v10  }
0x20f: {  	v18 =	vand.u32 $0x7F, v29;
	v29 =	vor.u32 v11, v14;
	v14 =	vand.u32 $0x7F, v22;
	[tilespmem:v32+s14+$0x0] =	vst.idx.msk $0xffff, v24;
	v22 =	vld.idx.msk [tilespmem:v52+s22+$0x0], $0xffff  }
0x210: {  	v24 =	vor.u32 v11, v31;
	v28 =	vor.u32 v5, v28;
	v40 =	vld.idx.msk [tilespmem:v16+s22+$0x0], $0xffff;
	v18 =	vor.u32 v8, v18  }
0x211: {  	v16 =	vadd.s32 s18, v0;
	[tilespmem:v15+s14+$0x0] =	vst.idx.msk $0xffff, v30;
	v30 =	vld.idx.msk [tilespmem:v21+s22+$0x0], $0xffff;
	v15 =	vadd.s32 s2, v10;
	v21 =	vor.u32 v8, v36  }
0x212: {  	p3 =	por $0x1, $0x1;
	v16 =	vand.u32 $0x7F, v16;
	v15 =	vand.u32 $0x7F, v15;
	v47 =	vld.idx.msk [tilespmem:v23+s22+$0x0], $0xffff;
	v23 =	vadd.s32 s24, v10;
	[tilespmem:v27+s14+$0x0] =	vst.idx.msk $0xffff, v26  }
.Ltmp22:
0x213: {  	v38 =	vor.u32 v2, v16;
	[tilespmem:v55+s14+$0x0] =	vst.idx.msk $0xffff, v19;
	v26 =	vor.u32 v5, v41;
	v41 =	vld.idx.msk [tilespmem:v25+s22+$0x0], $0xffff;
	(pc) =	sbr.rel @!p3 .LBB2_38-.Ltmp22, $4  }
0x214: {  	v20 =	vand.u32 $0x7F, v20;
	v32 =	vor.u32 v11, v15;
	v31 =	vand.u32 $0x7F, v23;
	[tilespmem:v43+s14+$0x0] =	vst.idx.msk $0xffff, v17;
	v33 =	vld.idx.msk [tilespmem:v62+s22+$0x0], $0xffff  }
0x215: {  	v15 =	vor.u32 v8, v39;
	v39 =	vor.u32 s0, v42;
	v17 =	vor.u32 s29, v9;
	v27 =	vld.idx.msk [tilespmem:v58+s22+$0x0], $0xffff  }
0x216: {  	v19 =	vadd.s32 s18, v7;
	v37 =	vor.u32 v11, v31;
	v36 =	vld.idx.msk [tilespmem:v44+s22+$0x0], $0xffff;
	v16 =	vor.u32 s0, v17;
	[tilespmem:v61+s14+$0x0] =	vst.idx.msk $0xffff, v30  }
0x217: {  	p2 =	por $0x1, $0x1;
	s24 =	simm.s32 $0xB;
	v23 =	vor.u32 s5, v17;
	v30 =	vor.u32 s17, v42;
	v34 =	vld.idx.msk [tilespmem:v63+s22+$0x0], $0xffff;
	[tilespmem:v24+s14+$0x0] =	vst.idx.msk $0xffff, v47;
	v24 =	vor.u32 s5, v42  }
.LBB2_39:
0x218: {  	s5 =	sadd.s32 $0xFFFFFFFD, s24;
	s15 =	sadd.s32 $0xFFFFFFFE, s24;
	s0 =	sadd.s32 $0xFFFFFFFF, s24;
	v25 =	vor.u32 s17, v17;
	v31 =	vadd.s32 s18, v4;
	v42 =	vor.u32 s13, v42;
	[tilespmem:v29+s14+$0x0] =	vst.idx.msk $0xffff, v40  }
0x219: {  	s6 =	sand.u32 $0x3F, s24;
	s2 =	sand.u32 $0x3C, s5;
	s26 =	sshrl.u32 s5, $0x6;
	v29 =	vadd.s32 s5, v0;
	v40 =	vadd.s32 s15, v0;
	[tilespmem:v28+s14+$0x0] =	vst.idx.msk $0xffff, v33;
	v28 =	vand.u32 $0x7F, v31  }
0x21a: {  	p3 =	slt.u32 s5, $0x7C;
	v31 =	vor.u32 s26, v1;
	s17 =	sshll.u32 s2, $0x7;
	v29 =	vand.u32 $0x7F, v29;
	v33 =	vor.u32 s26, v3;
	s2 =	sand.u32 $0x3E, s0;
	[tilespmem:v26+s14+$0x0] =	vst.idx.msk $0xffff, v27  }
0x21b: {  	s29 =	sand.u32 $0x3D, s15;
	v43 =	vadd.s32 s0, v4;
	s6 =	sshll.u32 s6, $0x7;
	v27 =	vadd.s32 s0, v0;
	v26 =	vor.u32 s17, v31;
	[tilespmem:v38+s14+$0x0] =	vst.idx.msk $0xffff, v22  }
0x21c: {  	v22 =	vand.u32 $0x7F, v40;
	v27 =	vand.u32 $0x7F, v27;
	v38 =	vor.u32 s6, v31;
	[tilespmem:v35+s14+$0x0] =	vst.idx.msk $0xffff, v36;
	v35 =	vld.idx.msk [tilespmem:v39+s22+$0x0], $0xffff  }
0x21d: {  	s29 =	sshll.u32 s29, $0x7;
	s31 =	sshll.u32 s2, $0x7;
	v36 =	vadd.s32 s5, v7;
	v39 =	vor.u32 v2, v22;
	v27 =	vor.u32 v2, v27;
	[tilespmem:v12+s14+$0x0] =	vst.idx.msk $0xffff, v41  }
0x21e: {  	v22 =	vor.u32 s29, v31;
	v31 =	vor.u32 s31, v31;
	v41 =	vor.u32 s17, v33;
	v12 =	vmovc v32;
	v40 =	vld.idx.msk [tilespmem:v13+s22+$0x0], $0xffff  }
0x21f: {  	v28 =	vor.u32 v5, v28;
	v44 =	vor.u32 s31, v33;
	v13 =	vor.u32 s6, v33;
	v30 =	vld.idx.msk [tilespmem:v30+s22+$0x0], $0xffff;
	[tilespmem:v37+s14+$0x0] =	vst.idx.msk $0xffff, v34  }
0x220: {  	v32 =	vadd.s32 s5, v4;
	v34 =	vadd.s32 s15, v4;
	v37 =	vand.u32 $0x7F, v43;
	v26 =	vld.idx.msk [tilespmem:v26+s22+$0x0], $0xffff  }
0x221: {  	v45 =	vand.u32 $0x7F, v32;
	v43 =	vor.u32 v2, v29;
	v34 =	vand.u32 $0x7F, v34;
	v24 =	vld.idx.msk [tilespmem:v24+s22+$0x0], $0xffff  }
0x222: {  	v32 =	vadd.s32 s0, v7;
	v29 =	vadd.s32 s15, v7;
	[tilespmem:v18+s14+$0x0] =	vst.idx.msk $0xffff, v35;
	v18 =	vand.u32 $0x7F, v19  }
0x223: {  	v35 =	vand.u32 $0x7F, v29;
	v19 =	vld.idx.msk [tilespmem:v22+s22+$0x0], $0xffff;
	v22 =	vand.u32 $0x7F, v32;
	v46 =	vor.u32 v8, v18  }
0x224: {  	v33 =	vor.u32 s29, v33;
	v18 =	vand.u32 $0x7F, v36;
	v36 =	vor.u32 s13, v17;
	s13 =	smov.u32 s6;
	v31 =	vld.idx.msk [tilespmem:v31+s22+$0x0], $0xffff;
	[tilespmem:v28+s14+$0x0] =	vst.idx.msk $0xffff, v40  }
0x225: {  	v29 =	vor.u32 v11, v14;
	v17 =	vadd.s32 s5, v10;
	v28 =	vadd.s32 s15, v10;
	[tilespmem:v15+s14+$0x0] =	vst.idx.msk $0xffff, v30;
	v30 =	vld.idx.msk [tilespmem:v42+s22+$0x0], $0xffff  }
0x226: {  	v15 =	vand.u32 $0x7F, v17;
	v14 =	vand.u32 $0x7F, v28;
	v17 =	vadd.s32 s0, v10;
	[tilespmem:v43+s14+$0x0] =	vst.idx.msk $0xffff, v26  }
0x227: {  	v17 =	vand.u32 $0x7F, v17;
	v25 =	vld.idx.msk [tilespmem:v25+s22+$0x0], $0xffff;
	[tilespmem:v21+s14+$0x0] =	vst.idx.msk $0xffff, v24;
	v21 =	vor.u32 v8, v22;
	v24 =	vadd.s32 s18, v10;
	s18 =	smov.u32 s24  }
0x228: {  	v43 =	vor.u32 v11, v20;
	v20 =	vmovc v15;
	v32 =	vor.u32 v11, v17;
	v22 =	vld.idx.msk [tilespmem:v38+s22+$0x0], $0xffff;
	v24 =	vand.u32 $0x7F, v24  }
0x229: {  	v28 =	vor.u32 v5, v34;
	v15 =	vor.u32 v8, v18;
	[tilespmem:v39+s14+$0x0] =	vst.idx.msk $0xffff, v19;
	v40 =	vld.idx.msk [tilespmem:v16+s22+$0x0], $0xffff  }
.Ltmp23:
0x22a: {  	v18 =	vor.u32 v8, v35;
	v16 =	vadd.s32 s24, v0;
	v19 =	vadd.s32 s24, v7;
	v33 =	vld.idx.msk [tilespmem:v33+s22+$0x0], $0xffff;
	[tilespmem:v27+s14+$0x0] =	vst.idx.msk $0xffff, v31;
	(pc) =	sbr.rel @p3 .LBB2_39-.Ltmp23, $4  }
0x22b: {  	v26 =	vor.u32 v5, v37;
	v17 =	vor.u32 s26, v9;
	v16 =	vand.u32 $0x7F, v16;
	v27 =	vld.idx.msk [tilespmem:v44+s22+$0x0], $0xffff;
	[tilespmem:v46+s14+$0x0] =	vst.idx.msk $0xffff, v30  }
0x22c: {  	v37 =	vor.u32 v11, v24;
	v31 =	vor.u32 s31, v17;
	v38 =	vor.u32 v2, v16;
	v34 =	vld.idx.msk [tilespmem:v36+s22+$0x0], $0xffff  }
0x22d: {  	v42 =	vor.u32 s26, v6;
	v35 =	vor.u32 v5, v45;
	v16 =	vor.u32 s29, v17;
	v36 =	vld.idx.msk [tilespmem:v41+s22+$0x0], $0xffff;
	[tilespmem:v43+s14+$0x0] =	vst.idx.msk $0xffff, v25  }
0x22e: {  	v39 =	vor.u32 s29, v42;
	v24 =	vor.u32 s31, v42;
	s24 =	sadd.s32 $0x4, s24;
	v30 =	vor.u32 s17, v42;
	v41 =	vld.idx.msk [tilespmem:v23+s22+$0x0], $0xffff;
	v23 =	vmovc v31  }
0x22f: {  	v43 =	vmovc v12;
	s24 =	smov.u32 s18;
	s26 =	smov.u32 s13;
	v12 =	vmovc v32;
	v32 =	vmov v21;
	v31 =	vmov v20;
	v25 =	vmov v23  }
.LBB2_41:
0x230: {  	_ =	sdelay $0x2  }
0x231: {  	v20 =	vadd.s32 s24, v4  }
0x232: {  	[tilespmem:v38+s14+$0x0] =	vst.idx.msk $0xffff, v22;
	v20 =	vand.u32 $0x7F, v20  }
0x233: {  	v13 =	vld.idx.msk [tilespmem:v13+s22+$0x0], $0xffff;
	v20 =	vor.u32 v5, v20  }
0x234: {  	v21 =	vor.u32 s26, v42  }
0x235: {  	[tilespmem:v28+s14+$0x0] =	vst.idx.msk $0xffff, v33  }
0x236: {  	[tilespmem:v26+s14+$0x0] =	vst.idx.msk $0xffff, v27;
	v56 =	vld.idx.msk [tilespmem:v39+s22+$0x0], $0xffff  }
0x237: {  	v24 =	vld.idx.msk [tilespmem:v24+s22+$0x0], $0xffff;
	[tilespmem:v35+s14+$0x0] =	vst.idx.msk $0xffff, v36  }
0x238: {  	v19 =	vand.u32 $0x7F, v19;
	v55 =	vld.idx.msk [tilespmem:v30+s22+$0x0], $0xffff;
	[tilespmem:v20+s14+$0x0] =	vst.idx.msk $0xffff, v13  }
0x239: {  	v23 =	vor.u32 s17, v17;
	v57 =	vor.u32 v8, v19;
	v58 =	vld.idx.msk [tilespmem:v21+s22+$0x0], $0xffff  }
0x23a: {  	[tilespmem:v29+s14+$0x0] =	vst.idx.msk @p2 $0xffff, v40;
	v59 =	vor.u32 s26, v17  }
0x23b: {  	[tilespmem:v18+s14+$0x0] =	vst.idx.msk $0xffff, v56  }
0x23c: {  	v14 =	vor.u32 v11, v14;
	[tilespmem:v32+s14+$0x0] =	vst.idx.msk $0xffff, v24;
	v16 =	vld.idx.msk [tilespmem:v16+s22+$0x0], $0xffff  }
0x23d: {  	v61 =	vadd.s32 s24, v10;
	v62 =	vld.idx.msk [tilespmem:v25+s22+$0x0], $0xffff;
	[tilespmem:v15+s14+$0x0] =	vst.idx.msk $0xffff, v55  }
0x23e: {  	v60 =	vor.u32 v11, v31;
	v20 =	vand.u32 $0x7F, v61;
	v15 =	vld.idx.msk [tilespmem:v23+s22+$0x0], $0xffff;
	[tilespmem:v57+s14+$0x0] =	vst.idx.msk $0xffff, v58  }
0x23f: {  	[tilespmem:v37+s14+$0x0] =	vst.idx.msk @p2 $0xffff, v34;
	v63 =	vor.u32 v11, v20;
	v17 =	vld.idx.msk [tilespmem:v59+s22+$0x0], $0xffff  }
0x240: {  	[tilespmem:v43+s14+$0x0] =	vst.idx.msk @p2 $0xffff, v41  }
0x241: {  	[tilespmem:v14+s14+$0x0] =	vst.idx.msk $0xffff, v16  }
0x242: {  	s0 =	sshll.u32 s11, $0xA;
	[tilespmem:v12+s14+$0x0] =	vst.idx.msk $0xffff, v62  }
0x243: {  	s0 =	sand.u32 $0x1FFFFC00, s0;
	[tilespmem:v60+s14+$0x0] =	vst.idx.msk $0xffff, v15  }
0x244: {  	s0 =	sadd.s32 s3, s0;
	[tilespmem:v63+s14+$0x0] =	vst.idx.msk $0xffff, v17  }
0x245: {  	[hbm4b:s0+s4] =	stream.linear.scatter [tilespmem:s14], [sflag:$0xB], $0x2000, $0x38;
	[tilespmem:$0x1B000] =	vst v63  }
0x246: {  	s0 =	sadd.s32 $0xA, s7  }
0x247: {  	p2 =	sge.u32 s0, s8  }
0x248: {  	s0 =	sshll.u32 @!p2 s0, $0x7  }
0x249: {  	s2 =	rddreg [dreg:$0x0];
	s5 =	simm.s32 @!p2 $0x7A1400;
	s0 =	sand.u32 @!p2 $0x1FFFFF80, s0  }
0x24a: {  	s6 =	simm.s32 @!p2 $0x8000;
	s0 =	sadd.s32 @!p2 s2, s0;
	s2 =	simm.s32 @!p2 $0x400  }
0x24b: {  	[tilespmem:s6], [sflag:$0x5] =	stream.strided.gather @!p2 [hbm4b:s0+s2], $0x2000, s5, s2, $0x38;
	[tilespmem:$0x1B000] =	vst v63  }
.LBB2_42:
0x24c: {  	s11 =	sadd.s32 $0x5, s7  }
0x24d: {  	p2 =	sge.u32 s11, s8  }
.Ltmp24:
0x24e: {  	_ = 	snop;
	(pc) =	sbr.rel @p2 .LBB2_50-.Ltmp24, $1  }
0x24f: {  	_ =	sdelay $0x3  }
0x250: {  	s2 =	simm.s32 $0x0  }
0x251: {  	s6 =	simm.s32 $0x1;
	s0 =	simm.s32 $0x0;
	v12 =	vadd.s32 s2, v0  }
0x252: {  	s13 =	simm.s32 $0x2;
	v13 =	vadd.s32 s6, v0;
	v14 =	vor.u32 s0, v1;
	v15 =	vor.u32 s0, v3  }
0x253: {  	s24 =	simm.s32 $0x3;
	s18 =	simm.s32 $0x6;
	s5 =	sand.u32 $0x3C, s2;
	v17 =	vadd.s32 s13, v0;
	v18 =	vadd.s32 s13, v4;
	v20 =	vadd.s32 s2, v7  }
0x254: {  	s26 =	sand.u32 $0x3F, s24;
	s15 =	sand.u32 $0x3D, s6;
	_ =	swait.ge [sflag:s18], $0x2000;
	v22 =	vadd.s32 s6, v4;
	v42 =	vor.u32 s0, v6;
	v12 =	vand.u32 $0x7F, v12  }
0x255: {  	s31 =	sand.u32 $0x3E, s13;
	s17 =	sshll.u32 s5, $0x7;
	v13 =	vand.u32 $0x7F, v13;
	v17 =	vand.u32 $0x7F, v17;
	s29 =	sshll.u32 s15, $0x7;
	v25 =	vand.u32 $0x7F, v18  }
0x256: {  	s26 =	sshll.u32 s26, $0x7;
	[sflag:s18] =	ssyncset.done $0x0;
	s15 =	sshll.u32 s31, $0x7;
	v18 =	vadd.s32 s13, v7;
	v16 =	vor.u32 s17, v14;
	v21 =	vor.u32 s29, v14  }
0x257: {  	v19 =	vor.u32 s26, v14;
	[sflag:s18] =	ssyncadd.s32 $0xFFFFE000;
	s18 =	simm.s32 @!p1 $0xC;
	v23 =	vor.u32 v2, v13;
	v14 =	vor.u32 s15, v14  }
0x258: {  	v24 =	vor.u32 v2, v17;
	v29 =	vor.u32 s17, v15;
	v27 =	vor.u32 s15, v15;
	_ =	swait.ge @!p1 [sflag:s18], $0x2000  }
0x259: {  	v13 =	vor.u32 s26, v15;
	v17 =	vadd.s32 s2, v4;
	v30 =	vor.u32 v2, v12;
	[sflag:s18] =	ssyncset.done @!p1 $0x0  }
0x25a: {  	v12 =	vadd.s32 s6, v7;
	v39 =	vor.u32 s29, v42;
	v34 =	vand.u32 $0x7F, v17;
	[sflag:s18] =	ssyncadd.s32 @!p1 $0xFFFFE000  }
0x25b: {  	v17 =	vand.u32 $0x7F, v22;
	v26 =	vand.u32 $0x7F, v12;
	v12 =	vand.u32 $0x7F, v18;
	v21 =	vld.idx.msk [tilespmem:v21+s23+$0x0], $0xffff  }
0x25c: {  	v18 =	vand.u32 $0x7F, v20;
	v20 =	vor.u32 s29, v15;
	v15 =	vadd.s32 s6, v10;
	v35 =	vld.idx.msk [tilespmem:v14+s23+$0x0], $0xffff  }
0x25d: {  	v22 =	vadd.s32 s13, v10;
	v32 =	vor.u32 v8, v12;
	v14 =	vadd.s32 s2, v10;
	v16 =	vld.idx.msk [tilespmem:v16+s23+$0x0], $0xffff  }
0x25e: {  	p2 =	por $0x1, $0x1;
	v31 =	vand.u32 $0x7F, v14;
	v14 =	vand.u32 $0x7F, v15;
	v15 =	vand.u32 $0x7F, v22  }
.Ltmp25:
0x25f: {  	v28 =	vor.u32 v5, v17;
	v17 =	vor.u32 s0, v9;
	v22 =	vld.idx.msk [tilespmem:v19+s23+$0x0], $0xffff;
	v12 =	vor.u32 v11, v15;
	(pc) =	sbr.rel @!p2 .LBB2_44-.Ltmp25, $4  }
0x260: {  	v19 =	vadd.s32 s24, v7;
	v15 =	vor.u32 v8, v18;
	v18 =	vor.u32 v8, v26;
	[tilespmem:v23+s9+$0x0] =	vst.idx.msk $0xffff, v21  }
0x261: {  	v26 =	vor.u32 v5, v25;
	v25 =	vor.u32 s15, v17;
	v21 =	vadd.s32 s24, v0;
	[tilespmem:v24+s9+$0x0] =	vst.idx.msk $0xffff, v35;
	v33 =	vld.idx.msk [tilespmem:v20+s23+$0x0], $0xffff  }
0x262: {  	[tilespmem:v30+s9+$0x0] =	vst.idx.msk $0xffff, v16;
	v35 =	vor.u32 v5, v34;
	v16 =	vor.u32 s29, v17;
	v20 =	vand.u32 $0x7F, v21;
	v27 =	vld.idx.msk [tilespmem:v27+s23+$0x0], $0xffff  }
0x263: {  	s18 =	simm.s32 $0x7;
	p1 =	por $0x0, $0x0;
	v30 =	vor.u32 s17, v42;
	v24 =	vor.u32 s15, v42;
	v36 =	vld.idx.msk [tilespmem:v29+s23+$0x0], $0xffff;
	v38 =	vor.u32 v2, v20  }
0x264: {  	s15 =	simm.s32 $0x4;
	v23 =	vor.u32 s17, v17;
	v20 =	vadd.s32 s24, v4;
	v21 =	vor.u32 s26, v42  }
0x265: {  	s31 =	simm.s32 $0x5;
	s29 =	simm.s32 $0x0;
	v19 =	vand.u32 $0x7F, v19;
	v63 =	vor.u32 s26, v17;
	v29 =	vadd.s32 s15, v0  }
0x266: {  	s2 =	simm.s32 $0x6;
	v34 =	vadd.s32 s31, v0;
	v20 =	vand.u32 $0x7F, v20;
	v37 =	vor.u32 s29, v1  }
0x267: {  	v40 =	vor.u32 s29, v3;
	v51 =	vadd.s32 s2, v0;
	v41 =	vadd.s32 s2, v4  }
0x268: {  	s0 =	sand.u32 $0x3C, s15;
	v54 =	vadd.s32 s15, v7;
	v59 =	vadd.s32 s15, v4;
	v45 =	vadd.s32 s31, v4  }
0x269: {  	s5 =	sand.u32 $0x3F, s18;
	[tilespmem:v38+s9+$0x0] =	vst.idx.msk $0xffff, v22;
	s6 =	sand.u32 $0x3D, s31;
	v60 =	vadd.s32 s2, v7;
	v61 =	vor.u32 v8, v19;
	v42 =	vor.u32 s29, v6;
	s17 =	sshll.u32 s0, $0x7  }
0x26a: {  	s13 =	sshll.u32 s5, $0x7;
	s5 =	sand.u32 $0x3E, s2;
	v29 =	vand.u32 $0x7F, v29;
	[tilespmem:v28+s9+$0x0] =	vst.idx.msk $0xffff, v33;
	v22 =	vand.u32 $0x7F, v34;
	s0 =	sshll.u32 s6, $0x7;
	v28 =	vor.u32 s17, v37  }
0x26b: {  	v57 =	vld.idx.msk [tilespmem:v13+s23+$0x0], $0xffff;
	s5 =	sshll.u32 s5, $0x7;
	v20 =	vor.u32 v5, v20;
	v55 =	vor.u32 v2, v22;
	v22 =	vor.u32 s0, v37  }
0x26c: {  	v33 =	vand.u32 $0x7F, v51;
	v52 =	vor.u32 s13, v37;
	v53 =	vld.idx.msk [tilespmem:v39+s23+$0x0], $0xffff;
	v56 =	vor.u32 s5, v37;
	[tilespmem:v26+s9+$0x0] =	vst.idx.msk $0xffff, v27  }
0x26d: {  	v13 =	vor.u32 s13, v40;
	v41 =	vand.u32 $0x7F, v41;
	v46 =	vand.u32 $0x7F, v59;
	[tilespmem:v35+s9+$0x0] =	vst.idx.msk $0xffff, v36;
	v24 =	vld.idx.msk [tilespmem:v24+s23+$0x0], $0xffff  }
0x26e: {  	v43 =	vor.u32 v2, v33;
	v44 =	vor.u32 s17, v40;
	v58 =	vor.u32 s5, v40;
	v30 =	vld.idx.msk [tilespmem:v30+s23+$0x0], $0xffff  }
0x26f: {  	v27 =	vor.u32 v2, v29;
	v29 =	vadd.s32 s31, v7;
	v39 =	vand.u32 $0x7F, v54;
	v26 =	vld.idx.msk [tilespmem:v28+s23+$0x0], $0xffff  }
0x270: {  	v62 =	vor.u32 s0, v40;
	v36 =	vand.u32 $0x7F, v60;
	v35 =	vor.u32 v5, v46;
	[tilespmem:v20+s9+$0x0] =	vst.idx.msk $0xffff, v57;
	v19 =	vld.idx.msk [tilespmem:v22+s23+$0x0], $0xffff  }
0x271: {  	v20 =	vadd.s32 s15, v10;
	v28 =	vand.u32 $0x7F, v45;
	[tilespmem:v18+s9+$0x0] =	vst.idx.msk $0xffff, v53;
	v17 =	vld.idx.msk [tilespmem:v56+s23+$0x0], $0xffff;
	v22 =	vadd.s32 s31, v10  }
0x272: {  	v18 =	vand.u32 $0x7F, v29;
	v29 =	vor.u32 v11, v14;
	v14 =	vand.u32 $0x7F, v22;
	[tilespmem:v32+s9+$0x0] =	vst.idx.msk $0xffff, v24;
	v22 =	vld.idx.msk [tilespmem:v52+s23+$0x0], $0xffff  }
0x273: {  	v24 =	vor.u32 v11, v31;
	v28 =	vor.u32 v5, v28;
	v40 =	vld.idx.msk [tilespmem:v16+s23+$0x0], $0xffff;
	v18 =	vor.u32 v8, v18  }
0x274: {  	v16 =	vadd.s32 s18, v0;
	[tilespmem:v15+s9+$0x0] =	vst.idx.msk $0xffff, v30;
	v30 =	vld.idx.msk [tilespmem:v21+s23+$0x0], $0xffff;
	v15 =	vadd.s32 s2, v10;
	v21 =	vor.u32 v8, v36  }
0x275: {  	p2 =	por $0x1, $0x1;
	v16 =	vand.u32 $0x7F, v16;
	v15 =	vand.u32 $0x7F, v15;
	v47 =	vld.idx.msk [tilespmem:v23+s23+$0x0], $0xffff;
	v23 =	vadd.s32 s24, v10;
	[tilespmem:v27+s9+$0x0] =	vst.idx.msk $0xffff, v26  }
.Ltmp26:
0x276: {  	v38 =	vor.u32 v2, v16;
	[tilespmem:v55+s9+$0x0] =	vst.idx.msk $0xffff, v19;
	v26 =	vor.u32 v5, v41;
	v41 =	vld.idx.msk [tilespmem:v25+s23+$0x0], $0xffff;
	(pc) =	sbr.rel @!p2 .LBB2_46-.Ltmp26, $4  }
0x277: {  	v20 =	vand.u32 $0x7F, v20;
	v32 =	vor.u32 v11, v15;
	v31 =	vand.u32 $0x7F, v23;
	[tilespmem:v43+s9+$0x0] =	vst.idx.msk $0xffff, v17;
	v33 =	vld.idx.msk [tilespmem:v62+s23+$0x0], $0xffff  }
0x278: {  	v15 =	vor.u32 v8, v39;
	v39 =	vor.u32 s0, v42;
	v17 =	vor.u32 s29, v9;
	v27 =	vld.idx.msk [tilespmem:v58+s23+$0x0], $0xffff  }
0x279: {  	v19 =	vadd.s32 s18, v7;
	v37 =	vor.u32 v11, v31;
	v36 =	vld.idx.msk [tilespmem:v44+s23+$0x0], $0xffff;
	v16 =	vor.u32 s0, v17;
	[tilespmem:v61+s9+$0x0] =	vst.idx.msk $0xffff, v30  }
0x27a: {  	p1 =	por $0x1, $0x1;
	s24 =	simm.s32 $0xB;
	v23 =	vor.u32 s5, v17;
	v30 =	vor.u32 s17, v42;
	v34 =	vld.idx.msk [tilespmem:v63+s23+$0x0], $0xffff;
	[tilespmem:v24+s9+$0x0] =	vst.idx.msk $0xffff, v47;
	v24 =	vor.u32 s5, v42  }
.LBB2_47:
0x27b: {  	s5 =	sadd.s32 $0xFFFFFFFD, s24;
	s15 =	sadd.s32 $0xFFFFFFFE, s24;
	s0 =	sadd.s32 $0xFFFFFFFF, s24;
	v25 =	vor.u32 s17, v17;
	v31 =	vadd.s32 s18, v4;
	v42 =	vor.u32 s13, v42;
	[tilespmem:v29+s9+$0x0] =	vst.idx.msk $0xffff, v40  }
0x27c: {  	s6 =	sand.u32 $0x3F, s24;
	s2 =	sand.u32 $0x3C, s5;
	s26 =	sshrl.u32 s5, $0x6;
	v29 =	vadd.s32 s5, v0;
	v40 =	vadd.s32 s15, v0;
	[tilespmem:v28+s9+$0x0] =	vst.idx.msk $0xffff, v33;
	v28 =	vand.u32 $0x7F, v31  }
0x27d: {  	p2 =	slt.u32 s5, $0x7C;
	v31 =	vor.u32 s26, v1;
	s17 =	sshll.u32 s2, $0x7;
	v29 =	vand.u32 $0x7F, v29;
	v33 =	vor.u32 s26, v3;
	s2 =	sand.u32 $0x3E, s0;
	[tilespmem:v26+s9+$0x0] =	vst.idx.msk $0xffff, v27  }
0x27e: {  	s29 =	sand.u32 $0x3D, s15;
	v43 =	vadd.s32 s0, v4;
	s6 =	sshll.u32 s6, $0x7;
	v27 =	vadd.s32 s0, v0;
	v26 =	vor.u32 s17, v31;
	[tilespmem:v38+s9+$0x0] =	vst.idx.msk $0xffff, v22  }
0x27f: {  	v22 =	vand.u32 $0x7F, v40;
	v27 =	vand.u32 $0x7F, v27;
	v38 =	vor.u32 s6, v31;
	[tilespmem:v35+s9+$0x0] =	vst.idx.msk $0xffff, v36;
	v35 =	vld.idx.msk [tilespmem:v39+s23+$0x0], $0xffff  }
0x280: {  	s29 =	sshll.u32 s29, $0x7;
	s31 =	sshll.u32 s2, $0x7;
	v36 =	vadd.s32 s5, v7;
	v39 =	vor.u32 v2, v22;
	v27 =	vor.u32 v2, v27;
	[tilespmem:v12+s9+$0x0] =	vst.idx.msk $0xffff, v41  }
0x281: {  	v22 =	vor.u32 s29, v31;
	v31 =	vor.u32 s31, v31;
	v41 =	vor.u32 s17, v33;
	v12 =	vmovc v32;
	v40 =	vld.idx.msk [tilespmem:v13+s23+$0x0], $0xffff  }
0x282: {  	v28 =	vor.u32 v5, v28;
	v44 =	vor.u32 s31, v33;
	v13 =	vor.u32 s6, v33;
	v30 =	vld.idx.msk [tilespmem:v30+s23+$0x0], $0xffff;
	[tilespmem:v37+s9+$0x0] =	vst.idx.msk $0xffff, v34  }
0x283: {  	v32 =	vadd.s32 s5, v4;
	v34 =	vadd.s32 s15, v4;
	v37 =	vand.u32 $0x7F, v43;
	v26 =	vld.idx.msk [tilespmem:v26+s23+$0x0], $0xffff  }
0x284: {  	v45 =	vand.u32 $0x7F, v32;
	v43 =	vor.u32 v2, v29;
	v34 =	vand.u32 $0x7F, v34;
	v24 =	vld.idx.msk [tilespmem:v24+s23+$0x0], $0xffff  }
0x285: {  	v32 =	vadd.s32 s0, v7;
	v29 =	vadd.s32 s15, v7;
	[tilespmem:v18+s9+$0x0] =	vst.idx.msk $0xffff, v35;
	v18 =	vand.u32 $0x7F, v19  }
0x286: {  	v35 =	vand.u32 $0x7F, v29;
	v19 =	vld.idx.msk [tilespmem:v22+s23+$0x0], $0xffff;
	v22 =	vand.u32 $0x7F, v32;
	v46 =	vor.u32 v8, v18  }
0x287: {  	v33 =	vor.u32 s29, v33;
	v18 =	vand.u32 $0x7F, v36;
	v36 =	vor.u32 s13, v17;
	s13 =	smov.u32 s6;
	v31 =	vld.idx.msk [tilespmem:v31+s23+$0x0], $0xffff;
	[tilespmem:v28+s9+$0x0] =	vst.idx.msk $0xffff, v40  }
0x288: {  	v29 =	vor.u32 v11, v14;
	v17 =	vadd.s32 s5, v10;
	v28 =	vadd.s32 s15, v10;
	[tilespmem:v15+s9+$0x0] =	vst.idx.msk $0xffff, v30;
	v30 =	vld.idx.msk [tilespmem:v42+s23+$0x0], $0xffff  }
0x289: {  	v15 =	vand.u32 $0x7F, v17;
	v14 =	vand.u32 $0x7F, v28;
	v17 =	vadd.s32 s0, v10;
	[tilespmem:v43+s9+$0x0] =	vst.idx.msk $0xffff, v26  }
0x28a: {  	v17 =	vand.u32 $0x7F, v17;
	v25 =	vld.idx.msk [tilespmem:v25+s23+$0x0], $0xffff;
	[tilespmem:v21+s9+$0x0] =	vst.idx.msk $0xffff, v24;
	v21 =	vor.u32 v8, v22;
	v24 =	vadd.s32 s18, v10;
	s18 =	smov.u32 s24  }
0x28b: {  	v43 =	vor.u32 v11, v20;
	v20 =	vmovc v15;
	v32 =	vor.u32 v11, v17;
	v22 =	vld.idx.msk [tilespmem:v38+s23+$0x0], $0xffff;
	v24 =	vand.u32 $0x7F, v24  }
0x28c: {  	v28 =	vor.u32 v5, v34;
	v15 =	vor.u32 v8, v18;
	[tilespmem:v39+s9+$0x0] =	vst.idx.msk $0xffff, v19;
	v40 =	vld.idx.msk [tilespmem:v16+s23+$0x0], $0xffff  }
.Ltmp27:
0x28d: {  	v18 =	vor.u32 v8, v35;
	v16 =	vadd.s32 s24, v0;
	v19 =	vadd.s32 s24, v7;
	v33 =	vld.idx.msk [tilespmem:v33+s23+$0x0], $0xffff;
	[tilespmem:v27+s9+$0x0] =	vst.idx.msk $0xffff, v31;
	(pc) =	sbr.rel @p2 .LBB2_47-.Ltmp27, $4  }
0x28e: {  	v26 =	vor.u32 v5, v37;
	v17 =	vor.u32 s26, v9;
	v16 =	vand.u32 $0x7F, v16;
	v27 =	vld.idx.msk [tilespmem:v44+s23+$0x0], $0xffff;
	[tilespmem:v46+s9+$0x0] =	vst.idx.msk $0xffff, v30  }
0x28f: {  	v37 =	vor.u32 v11, v24;
	v31 =	vor.u32 s31, v17;
	v38 =	vor.u32 v2, v16;
	v34 =	vld.idx.msk [tilespmem:v36+s23+$0x0], $0xffff  }
0x290: {  	v42 =	vor.u32 s26, v6;
	v35 =	vor.u32 v5, v45;
	v16 =	vor.u32 s29, v17;
	v36 =	vld.idx.msk [tilespmem:v41+s23+$0x0], $0xffff;
	[tilespmem:v43+s9+$0x0] =	vst.idx.msk $0xffff, v25  }
0x291: {  	v39 =	vor.u32 s29, v42;
	v24 =	vor.u32 s31, v42;
	s24 =	sadd.s32 $0x4, s24;
	v30 =	vor.u32 s17, v42;
	v41 =	vld.idx.msk [tilespmem:v23+s23+$0x0], $0xffff;
	v23 =	vmovc v31  }
.Ltmp28:
0x292: {  	(pc) =	sbr.rel .LBB2_49-.Ltmp28, $2  }
0x293: {  	_ =	sdelay $0x2  }
0x294: {  	v43 =	vmovc v12;
	s24 =	smov.u32 s18;
	s26 =	smov.u32 s13;
	v12 =	vmovc v32;
	v32 =	vmov v21;
	v31 =	vmov v20;
	v25 =	vmov v23  }
.LBB2_4:
.Ltmp29:
0x295: {  	(pc) =	sbr.rel .LBB2_9-.Ltmp29, $2  }
0x296: {  	_ =	sdelay $0x2  }
0x297: {  	_ = 	snop  }
.LBB2_12:
.Ltmp30:
0x298: {  	(pc) =	sbr.rel .LBB2_17-.Ltmp30, $2  }
0x299: {  	_ =	sdelay $0x2  }
0x29a: {  	_ = 	snop  }
.LBB2_20:
.Ltmp31:
0x29b: {  	(pc) =	sbr.rel .LBB2_25-.Ltmp31, $2  }
0x29c: {  	_ =	sdelay $0x2  }
0x29d: {  	_ = 	snop  }
.LBB2_28:
.Ltmp32:
0x29e: {  	(pc) =	sbr.rel .LBB2_33-.Ltmp32, $2  }
0x29f: {  	_ =	sdelay $0x2  }
0x2a0: {  	_ = 	snop  }
.LBB2_36:
.Ltmp33:
0x2a1: {  	(pc) =	sbr.rel .LBB2_41-.Ltmp33, $2  }
0x2a2: {  	_ =	sdelay $0x2  }
0x2a3: {  	_ = 	snop  }
.LBB2_6:
.Ltmp34:
0x2a4: {  	(pc) =	sbr.rel .LBB2_9-.Ltmp34, $2  }
0x2a5: {  	_ =	sdelay $0x2  }
0x2a6: {  	v43 =	vmovc v12;
	s13 =	simm.s32 $0x7;
	s24 =	smov.u32 s18;
	v12 =	vmovc v32;
	v32 =	vmov v21;
	v31 =	vmov v20;
	v25 =	vmov v23  }
.LBB2_14:
.Ltmp35:
0x2a7: {  	(pc) =	sbr.rel .LBB2_17-.Ltmp35, $2  }
0x2a8: {  	_ =	sdelay $0x2  }
0x2a9: {  	v43 =	vmovc v12;
	s24 =	simm.s32 $0x7;
	s26 =	smov.u32 s13;
	v12 =	vmovc v32;
	v32 =	vmov v21;
	v31 =	vmov v20;
	v25 =	vmov v23  }
.LBB2_22:
.Ltmp36:
0x2aa: {  	(pc) =	sbr.rel .LBB2_25-.Ltmp36, $2  }
0x2ab: {  	_ =	sdelay $0x2  }
0x2ac: {  	v43 =	vmovc v12;
	s24 =	simm.s32 $0x7;
	s26 =	smov.u32 s13;
	v12 =	vmovc v32;
	v32 =	vmov v21;
	v31 =	vmov v20;
	v25 =	vmov v23  }
.LBB2_30:
.Ltmp37:
0x2ad: {  	(pc) =	sbr.rel .LBB2_33-.Ltmp37, $2  }
0x2ae: {  	_ =	sdelay $0x2  }
0x2af: {  	v43 =	vmovc v12;
	s24 =	simm.s32 $0x7;
	s26 =	smov.u32 s13;
	v12 =	vmovc v32;
	v32 =	vmov v21;
	v31 =	vmov v20;
	v25 =	vmov v23  }
.LBB2_38:
.Ltmp38:
0x2b0: {  	(pc) =	sbr.rel .LBB2_41-.Ltmp38, $2  }
0x2b1: {  	_ =	sdelay $0x2  }
0x2b2: {  	v43 =	vmovc v12;
	s24 =	simm.s32 $0x7;
	s26 =	smov.u32 s13;
	v12 =	vmovc v32;
	v32 =	vmov v21;
	v31 =	vmov v20;
	v25 =	vmov v23  }
.LBB2_46:
.Ltmp39:
0x2b3: {  	(pc) =	sbr.rel .LBB2_49-.Ltmp39, $2  }
0x2b4: {  	_ =	sdelay $0x2  }
0x2b5: {  	v43 =	vmovc v12;
	s24 =	simm.s32 $0x7;
	s26 =	smov.u32 s13;
	v12 =	vmovc v32;
	v32 =	vmov v21;
	v31 =	vmov v20;
	v25 =	vmov v23  }
.LBB2_51:
0x2b6: {  	s0 =	simm.s32 $0x7  }
0x2b7: {  	_ =	swait.ge [sflag:s0], $0x2000  }
0x2b8: {  	[sflag:s0] =	ssyncset.done $0x0  }
0x2b9: {  	s18 =	simm.s32 $0x8;
	[sflag:s0] =	ssyncadd.s32 $0xFFFFE000  }
0x2ba: {  	_ =	swait.ge [sflag:s18], $0x2000  }
0x2bb: {  	[sflag:s18] =	ssyncset.done $0x0  }
0x2bc: {  	s24 =	simm.s32 $0x9;
	[sflag:s18] =	ssyncadd.s32 $0xFFFFE000  }
0x2bd: {  	_ =	swait.ge [sflag:s24], $0x2000  }
0x2be: {  	[sflag:s24] =	ssyncset.done $0x0  }
0x2bf: {  	s26 =	simm.s32 $0xA;
	[sflag:s24] =	ssyncadd.s32 $0xFFFFE000  }
0x2c0: {  	_ =	swait.ge [sflag:s26], $0x2000  }
0x2c1: {  	[sflag:s26] =	ssyncset.done $0x0  }
0x2c2: {  	s29 =	simm.s32 $0xB;
	[sflag:s26] =	ssyncadd.s32 $0xFFFFE000  }
0x2c3: {  	_ =	swait.ge [sflag:s29], $0x2000  }
.Ltmp40:
0x2c4: {  	[sflag:s29] =	ssyncset.done $0x0;
	(pc) =	sbr.rel @p0 .LBB2_59-.Ltmp40, $4  }
0x2c5: {  	s31 =	simm.s32 $0xC;
	[sflag:s29] =	ssyncadd.s32 $0xFFFFE000  }
0x2c6: {  	_ =	swait.ge [sflag:s31], $0x2000  }
0x2c7: {  	[sflag:s31] =	ssyncset.done $0x0  }
0x2c8: {  	s2 =	rddreg [dreg:$0xe];
	[sflag:s31] =	ssyncadd.s32 $0xFFFFE000  }
0x2c9: {  	s0 =	rddreg [dreg:$0xb];
	s2 =	simm.s32 $0x400;
	s5 =	simm.s32 $0x7A1400  }
0x2ca: {  	s29 =	simm.s32 $0x0;
	s31 =	simm.s32 $0x1;
	s6 =	simm.s32 $0x2  }
0x2cb: {  	[tilespmem:s10], [sflag:$0xD] =	stream.strided.gather [hbm4b:s0+s2], $0x2000, s5, s2, $0x38;
	[tilespmem:$0x1B000] =	vst v63  }
0x2cc: {  	s7 =	simm.s32 $0x0;
	s0 =	simm.s32 $0x3;
	v12 =	vadd.s32 s29, v0;
	s15 =	sand.u32 $0x3D, s31  }
0x2cd: {  	s13 =	sand.u32 $0x3C, s29;
	v13 =	vadd.s32 s31, v0;
	v14 =	vor.u32 s7, v1;
	v16 =	vadd.s32 s6, v0;
	s16 =	sand.u32 $0x3E, s6;
	s15 =	sshll.u32 s15, $0x7  }
0x2ce: {  	s11 =	sand.u32 $0x3F, s0;
	v12 =	vand.u32 $0x7F, v12;
	s13 =	sshll.u32 s13, $0x7;
	v13 =	vand.u32 $0x7F, v13;
	s16 =	sshll.u32 s16, $0x7;
	v19 =	vor.u32 s15, v14  }
0x2cf: {  	s17 =	simm.s32 $0xD;
	s11 =	sshll.u32 s11, $0x7;
	v18 =	vor.u32 s13, v14;
	v15 =	vor.u32 v2, v12;
	v23 =	vor.u32 s16, v14  }
0x2d0: {  	_ =	swait.ge [sflag:s17], $0x2000;
	v12 =	vand.u32 $0x7F, v16;
	v17 =	vor.u32 s11, v14;
	v14 =	vadd.s32 s29, v4  }
0x2d1: {  	p2 =	por $0x1, $0x1;
	[sflag:s17] =	ssyncset.done $0x0;
	v16 =	vor.u32 v2, v13;
	v13 =	vadd.s32 s31, v4;
	v14 =	vand.u32 $0x7F, v14  }
.Ltmp41:
0x2d2: {  	[sflag:s17] =	ssyncadd.s32 $0xFFFFE000;
	v13 =	vand.u32 $0x7F, v13;
	v14 =	vor.u32 v5, v14;
	(pc) =	sbr.rel @!p2 .LBB2_53-.Ltmp41, $4  }
0x2d3: {  	v20 =	vadd.s32 s6, v4;
	v25 =	vor.u32 s7, v3;
	v13 =	vor.u32 v5, v13;
	v22 =	vld.idx.msk [tilespmem:v19+s10+$0x0], $0xffff  }
0x2d4: {  	v21 =	vadd.s32 s0, v0;
	v30 =	vand.u32 $0x7F, v20;
	v20 =	vor.u32 s13, v25;
	v23 =	vld.idx.msk [tilespmem:v23+s10+$0x0], $0xffff  }
0x2d5: {  	v12 =	vor.u32 v2, v12;
	v26 =	vor.u32 s11, v25;
	v24 =	vld.idx.msk [tilespmem:v17+s10+$0x0], $0xffff;
	v17 =	vand.u32 $0x7F, v21  }
0x2d6: {  	p1 =	por $0x0, $0x0;
	s7 =	simm.s32 $0x7;
	v19 =	vor.u32 s16, v25;
	v21 =	vld.idx.msk [tilespmem:v18+s10+$0x0], $0xffff;
	v18 =	vor.u32 s15, v25;
	v28 =	vor.u32 v2, v17  }
0x2d7: {  	_ =	sdelay $0x1  }
0x2d8: {  	s2 =	simm.s32 $0x4;
	s5 =	simm.s32 $0x5;
	s6 =	simm.s32 $0x6;
	v17 =	vor.u32 v5, v30  }
0x2d9: {  	s11 =	simm.s32 $0x0;
	s13 =	sand.u32 $0x3F, s7;
	v25 =	vadd.s32 s2, v0;
	v27 =	vadd.s32 s5, v0;
	v29 =	vadd.s32 s6, v0  }
0x2da: {  	s15 =	sand.u32 $0x3C, s2;
	v30 =	vor.u32 s11, v1;
	s13 =	sshll.u32 s13, $0x7;
	v35 =	vor.u32 s11, v3;
	v25 =	vand.u32 $0x7F, v25;
	[tilespmem:v12+s12+$0x0] =	vst.idx.msk $0xffff, v23  }
0x2db: {  	s16 =	sand.u32 $0x3D, s5;
	s31 =	sand.u32 $0x3E, s6;
	s15 =	sshll.u32 s15, $0x7;
	v31 =	vor.u32 s13, v30;
	v23 =	vadd.s32 s7, v0;
	[tilespmem:v28+s12+$0x0] =	vst.idx.msk $0xffff, v24;
	v24 =	vadd.s32 s0, v4  }
0x2dc: {  	s16 =	sshll.u32 s16, $0x7;
	v28 =	vand.u32 $0x7F, v27;
	s0 =	sshll.u32 s31, $0x7;
	[tilespmem:v15+s12+$0x0] =	vst.idx.msk $0xffff, v21;
	v15 =	vand.u32 $0x7F, v24;
	v26 =	vld.idx.msk [tilespmem:v26+s10+$0x0], $0xffff;
	v21 =	vor.u32 s15, v30  }
0x2dd: {  	[tilespmem:v16+s12+$0x0] =	vst.idx.msk $0xffff, v22;
	v32 =	vor.u32 s16, v30;
	v33 =	vor.u32 s0, v30;
	v22 =	vor.u32 v5, v15;
	v27 =	vld.idx.msk [tilespmem:v20+s10+$0x0], $0xffff  }
0x2de: {  	p2 =	por $0x1, $0x1;
	v16 =	vor.u32 v2, v28;
	v15 =	vor.u32 v2, v25;
	v20 =	vand.u32 $0x7F, v29;
	v25 =	vld.idx.msk [tilespmem:v18+s10+$0x0], $0xffff  }
.Ltmp42:
0x2df: {  	v18 =	vadd.s32 s2, v4;
	v29 =	vld.idx.msk [tilespmem:v19+s10+$0x0], $0xffff;
	v19 =	vadd.s32 s5, v4;
	v12 =	vor.u32 v2, v20;
	(pc) =	sbr.rel @!p2 .LBB2_55-.Ltmp42, $4  }
0x2e0: {  	v20 =	vadd.s32 s6, v4;
	v34 =	vand.u32 $0x7F, v18;
	v18 =	vand.u32 $0x7F, v23;
	v24 =	vld.idx.msk [tilespmem:v31+s10+$0x0], $0xffff  }
0x2e1: {  	v30 =	vand.u32 $0x7F, v20;
	v28 =	vor.u32 v2, v18;
	v20 =	vor.u32 s15, v35;
	v21 =	vld.idx.msk [tilespmem:v21+s10+$0x0], $0xffff  }
0x2e2: {  	v19 =	vand.u32 $0x7F, v19;
	v18 =	vor.u32 s16, v35;
	v23 =	vld.idx.msk [tilespmem:v33+s10+$0x0], $0xffff;
	[tilespmem:v22+s12+$0x0] =	vst.idx.msk $0xffff, v26;
	v26 =	vor.u32 s13, v35  }
0x2e3: {  	p1 =	por $0x1, $0x1;
	v31 =	vor.u32 v5, v19;
	v19 =	vor.u32 s0, v35;
	s0 =	simm.s32 $0xB;
	v22 =	vld.idx.msk [tilespmem:v32+s10+$0x0], $0xffff;
	v32 =	vor.u32 v5, v34  }
.LBB2_56:
0x2e4: {  	s2 =	sadd.s32 $0xFFFFFFFD, s0;
	s5 =	sadd.s32 $0xFFFFFFFE, s0;
	s6 =	sadd.s32 $0xFFFFFFFF, s0;
	v30 =	vor.u32 v5, v30;
	[tilespmem:v14+s12+$0x0] =	vst.idx.msk $0xffff, v27;
	v33 =	vmov v29;
	v14 =	vmov v32  }
0x2e5: {  	s15 =	sand.u32 $0x3F, s0;
	s11 =	sand.u32 $0x3C, s2;
	s13 =	sshrl.u32 s2, $0x6;
	v27 =	vadd.s32 s2, v0;
	v29 =	vadd.s32 s5, v0;
	v32 =	vadd.s32 s6, v0;
	[tilespmem:v13+s12+$0x0] =	vst.idx.msk $0xffff, v25;
	v13 =	vmovc v31  }
0x2e6: {  	s16 =	sand.u32 $0x3D, s5;
	s17 =	sand.u32 $0x3E, s6;
	s15 =	sshll.u32 s15, $0x7;
	v25 =	vor.u32 s13, v1;
	v31 =	vand.u32 $0x7F, v27;
	[tilespmem:v28+s12+$0x0] =	vst.idx.msk $0xffff, v24;
	v24 =	vadd.s32 s7, v4  }
0x2e7: {  	s11 =	sshll.u32 s11, $0x7;
	s16 =	sshll.u32 s16, $0x7;
	v28 =	vand.u32 $0x7F, v29;
	s17 =	sshll.u32 s17, $0x7;
	v34 =	vor.u32 s15, v25;
	[tilespmem:v15+s12+$0x0] =	vst.idx.msk $0xffff, v21;
	v26 =	vld.idx.msk [tilespmem:v26+s10+$0x0], $0xffff;
	v15 =	vand.u32 $0x7F, v24  }
0x2e8: {  	p2 =	slt.u32 s2, $0x7C;
	s7 =	smov.u32 s0;
	v21 =	vor.u32 s11, v25;
	v35 =	vor.u32 s16, v25;
	v27 =	vld.idx.msk [tilespmem:v20+s10+$0x0], $0xffff;
	[tilespmem:v16+s12+$0x0] =	vst.idx.msk $0xffff, v22;
	v20 =	vor.u32 v5, v15  }
0x2e9: {  	v36 =	vor.u32 s17, v25;
	v15 =	vor.u32 v2, v31;
	v22 =	vand.u32 $0x7F, v32;
	v25 =	vld.idx.msk [tilespmem:v18+s10+$0x0], $0xffff;
	[tilespmem:v12+s12+$0x0] =	vst.idx.msk $0xffff, v23  }
0x2ea: {  	v16 =	vor.u32 v2, v28;
	v18 =	vadd.s32 s2, v4;
	v12 =	vor.u32 v2, v22;
	v29 =	vld.idx.msk [tilespmem:v19+s10+$0x0], $0xffff  }
.Ltmp43:
0x2eb: {  	v22 =	vadd.s32 s6, v4;
	v23 =	vadd.s32 s0, v0;
	v19 =	vadd.s32 s5, v4;
	[tilespmem:v17+s12+$0x0] =	vst.idx.msk $0xffff, v33;
	v17 =	vmovc v30;
	(pc) =	sbr.rel @p2 .LBB2_56-.Ltmp43, $4  }
0x2ec: {  	v31 =	vand.u32 $0x7F, v18;
	v18 =	vand.u32 $0x7F, v23;
	v19 =	vand.u32 $0x7F, v19;
	v24 =	vld.idx.msk [tilespmem:v34+s10+$0x0], $0xffff  }
0x2ed: {  	v33 =	vor.u32 s13, v3;
	v30 =	vand.u32 $0x7F, v22;
	v28 =	vor.u32 v2, v18;
	v21 =	vld.idx.msk [tilespmem:v21+s10+$0x0], $0xffff;
	[tilespmem:v20+s12+$0x0] =	vst.idx.msk $0xffff, v26  }
0x2ee: {  	v18 =	vor.u32 s16, v33;
	v20 =	vor.u32 s11, v33;
	v26 =	vor.u32 s15, v33;
	v22 =	vld.idx.msk [tilespmem:v35+s10+$0x0], $0xffff  }
0x2ef: {  	s0 =	sadd.s32 $0x4, s0;
	v32 =	vor.u32 v5, v31;
	v31 =	vor.u32 v5, v19;
	v19 =	vor.u32 s17, v33;
	v23 =	vld.idx.msk [tilespmem:v36+s10+$0x0], $0xffff  }
.Ltmp44:
0x2f0: {  	(pc) =	sbr.rel .LBB2_58-.Ltmp44, $2  }
0x2f1: {  	_ =	sdelay $0x2  }
0x2f2: {  	v34 =	vmovc v14;
	v33 =	vmov v13;
	v14 =	vmov v32;
	v13 =	vmov v31;
	s0 =	smov.u32 s7  }
.LBB2_55:
.Ltmp45:
0x2f3: {  	(pc) =	sbr.rel .LBB2_58-.Ltmp45, $2  }
0x2f4: {  	_ =	sdelay $0x2  }
0x2f5: {  	v34 =	vmovc v14;
	v33 =	vmov v13;
	v14 =	vmov v32;
	v13 =	vmov v31;
	s0 =	simm.s32 $0x7  }
.LBB2_60:
0x2f6: {  	_ =	sfence.sel $0x180000  }
0x2f7: {  	[bflag:$0x0] =	sbarrier.arrive $0xFFFF  }
0x2f8: {  	_ =	strace $0x90000047  }
0x2f9: {  	s0 =	stileid.u32;
	[bflag:$0x2] =	sbarrier.arrive $0xFFFF  }
0x2fa: {  	p0 =	sne.s32 s0, $0x0;
	s0 =	rddreg [dreg:$0x2]  }
0x2fb: {  	s0 =	sadd.s32 @!p0 $0x100000, s0  }
0x2fc: {  	[sflag:s0] =	ssyncadd.tile.s32 @!p0 $0x1;
	_ =	shalt  }
.Lfunc_end2:
_tile_overlayer_lowered:
.L_overlay_start_2:
0x2fd: {  	(tag) =	ssettag $0x2  }
0x2fe: {  	s0 =	rddreg [dreg:$0x0];
	s2 =	stileid.u32  }
0x2ff: {  	s1 =	rddreg [dreg:$0x1];
	p0 =	sne.s32 s2, $0x0  }
0x300: {  	s3 =	rddreg [dreg:$0x2];
	[bflag:$0x3] =	sbarrier.arrive $0xFFFF;
	s2 =	simm.s32 @!p0 $0x1C0D  }
0x301: {  	[timem:s3], [sflag:s2] =	dma.local @!p0 [hbm:s0], s1  }
0x302: {  	s0 =	simm.s32 @!p0 $0xD  }
0x303: {  	_ =	swait.ge @!p0 [sflag:s0], s1  }
0x304: {  	s1 =	ssub.s32 @!p0 $0x0, s1;
	[sflag:s0] =	ssyncset.done @!p0 $0x0  }
0x305: {  	[sflag:s0] =	ssyncadd.s32 @!p0 s1  }
0x306: {  	[bflag:$0x3] =	sbarrier.arrive $0xFFFF  }
0x307: {  	_ =	shalt  }

</sc_bundles>
